<compile_context>
chip_gen: v7x
topology: tpu7x:2x2x1
jax: 0.10.2.dev20260603
libtpu: 0.0.44.dev20260713+nightly
codegen_flags: <defaults>
</compile_context>

<pallas_src>
import functools

import jax
import jax.numpy as jnp
from jax import lax
from jax.experimental import pallas as pl
from jax.experimental.pallas import tpu as pltpu
from jax.experimental.pallas import tpu_sc as plsc

NC = 2
NS = 16
LANES = 16
CHUNK = 128


def _cdiv(a, b):
    return (a + b - 1) // b


def _deg_body(n_pad, e, dst2_hbm, dst1_hbm, zeros_hbm, deg_hbm,
              idx_v, ones_v, deg_sh, sem):
    c = lax.axis_index("c")
    s = lax.axis_index("s")
    rows = n_pad // NS

    total_chunks = e // CHUNK
    nw = NC * NS
    w = s * NC + c
    nbase = total_chunks // nw
    rem = total_chunks - nbase * nw

    for k in range(CHUNK // LANES):
        ones_v[pl.ds(k * LANES, LANES)] = jnp.ones((LANES,), jnp.float32)
    pltpu.sync_copy(zeros_hbm, deg_sh.at[pl.ds(s * rows, rows)])
    pltpu.sync_copy(dst2_hbm.at[pl.ds(w * nbase, nbase)],
                    idx_v.at[pl.ds(0, nbase)])

    @pl.when(w < rem)
    def _():
        pltpu.sync_copy(dst1_hbm.at[pl.ds((nbase * nw + w) * CHUNK, CHUNK)],
                        idx_v.at[nbase, 0])

    plsc.subcore_barrier()

    ntot = nbase + 1
    def fire(j, carry):
        @pl.when((j < nbase) | (w < rem))
        def _():
            pltpu.async_copy(ones_v, deg_sh.at[idx_v.at[j, 0]], sem,
                             add=True)
        return carry

    lax.fori_loop(0, ntot, fire, 0)

    def drain(j, carry):
        @pl.when((j < nbase) | (w < rem))
        def _():
            pltpu.make_async_copy(ones_v, deg_sh.at[idx_v.at[j, 0]],
                                  sem).wait()
        return carry

    lax.fori_loop(0, ntot, drain, 0)
    plsc.subcore_barrier()
    pltpu.sync_copy(deg_sh.at[pl.ds(s * rows, rows)],
                    deg_hbm.at[c, 0, pl.ds(s * rows, rows)])


def _make_deg_kernel(n_pad, e):
    mesh = plsc.VectorSubcoreMesh(core_axis_name="c", subcore_axis_name="s")
    nchunk_t = _cdiv(e // CHUNK, NC * NS)
    return pl.kernel(
        functools.partial(_deg_body, n_pad, e),
        out_type=jax.ShapeDtypeStruct((NC, 1, n_pad), jnp.float32),
        mesh=mesh,
        scratch_types=[
            pltpu.VMEM((nchunk_t, 1, CHUNK), jnp.int32),
            pltpu.VMEM((CHUNK,), jnp.float32),
            pltpu.VMEM_SHARED((n_pad,), jnp.float32),
            pltpu.SemaphoreType.DMA,
        ],
    )


def _agg_body(n, n_pad, d, e, g_hbm, src2_hbm, src1_hbm, dst1_hbm, zeros_hbm,
              out_hbm, src_v, dst_a, dst_b, rows0, rows1, acc_sh,
              gsem0, gsem1, ssem0, ssem1):
    c = lax.axis_index("c")
    s = lax.axis_index("s")
    rows = n_pad // NS

    total_chunks = e // CHUNK
    nw = NC * NS
    w = s * NC + c
    nbase = total_chunks // nw
    rem = total_chunks - nbase * nw
    full_tiles = n // rows
    tail = n - full_tiles * rows

    pltpu.async_copy(src2_hbm.at[pl.ds(w * nbase, nbase)],
                     src_v.at[pl.ds(0, nbase)], gsem1)

    @pl.when(w < rem)
    def _():
        pltpu.async_copy(src1_hbm.at[pl.ds((nbase * nw + w) * CHUNK, CHUNK)],
                         src_v.at[nbase, 0], gsem1)

    @pl.when((c == 0) & (s < full_tiles))
    def _():
        pltpu.sync_copy(g_hbm.at[pl.ds(s * rows, rows)],
                        acc_sh.at[pl.ds(s * rows, rows)])

    if tail > 0:
        @pl.when((c == 0) & (s == full_tiles))
        def _():
            pltpu.sync_copy(g_hbm.at[pl.ds(full_tiles * rows, tail)],
                            acc_sh.at[pl.ds(full_tiles * rows, tail)])
            pltpu.sync_copy(
                zeros_hbm.at[pl.ds(0, rows - tail)],
                acc_sh.at[pl.ds(full_tiles * rows + tail, rows - tail)])

    zero_cond = ((c != 0) | (s > full_tiles)) if tail > 0 else (
        (c != 0) | (s >= full_tiles))

    @pl.when(zero_cond)
    def _():
        pltpu.sync_copy(zeros_hbm, acc_sh.at[pl.ds(s * rows, rows)])

    pltpu.make_async_copy(src2_hbm.at[pl.ds(w * nbase, nbase)],
                          src_v.at[pl.ds(0, nbase)], gsem1).wait()

    @pl.when(w < rem)
    def _():
        pltpu.make_async_copy(
            src1_hbm.at[pl.ds((nbase * nw + w) * CHUNK, CHUNK)],
            src_v.at[nbase, 0], gsem1).wait()

    plsc.subcore_barrier()

    rbufs = (rows0, rows1)
    dbufs = (dst_a, dst_b)
    gsems = (gsem0, gsem1)
    ssems = (ssem0, ssem1)

    def chunk_idx(j):
        return jnp.where(j < nbase, w * nbase + j, nbase * nw + w)

    def fire(j, b):
        pltpu.async_copy(g_hbm.at[src_v.at[j, 0]], rbufs[b], gsems[b])
        pltpu.async_copy(dst1_hbm.at[pl.ds(chunk_idx(j) * CHUNK, CHUNK)],
                         dbufs[b], gsems[b])

    def wait_gather(j, b):
        pltpu.make_async_copy(g_hbm.at[src_v.at[j, 0]], rbufs[b],
                              gsems[b]).wait()
        pltpu.make_async_copy(dst1_hbm.at[pl.ds(0, CHUNK)], dbufs[b],
                              gsems[b]).wait()

    def wait_scatter(b):
        pltpu.make_async_copy(rbufs[b], acc_sh.at[dbufs[b]], ssems[b]).wait()

    fire(0, 0)

    def pair(jj, carry):
        for b in (0, 1):
            j = 2 * jj + b
            nxt = j + 1

            if b == 0:
                @pl.when(jj > 0)
                def _():
                    wait_scatter(1)
            else:
                wait_scatter(0)

            @pl.when((nxt < nbase) | ((nxt == nbase) & (w < rem)))
            def _():
                fire(nxt, 1 - b)

            wait_gather(j, b)
            pltpu.async_copy(rbufs[b], acc_sh.at[dbufs[b]], ssems[b],
                             add=True)
        return carry

    assert nbase % 2 == 0
    lax.fori_loop(0, nbase // 2, pair, 0)

    @pl.when(w < rem)
    def _():
        wait_gather(nbase, 0)
        pltpu.async_copy(rbufs[0], acc_sh.at[dbufs[0]], ssems[0], add=True)
        wait_scatter(0)

    wait_scatter(1)
    plsc.subcore_barrier()
    pltpu.sync_copy(acc_sh.at[pl.ds(s * rows, rows)],
                    out_hbm.at[c, pl.ds(s * rows, rows)])


def _make_agg_kernel(n, n_pad, d, e):
    mesh = plsc.VectorSubcoreMesh(core_axis_name="c", subcore_axis_name="s")
    nchunk_t = _cdiv(e // CHUNK, NC * NS)
    return pl.kernel(
        functools.partial(_agg_body, n, n_pad, d, e),
        out_type=jax.ShapeDtypeStruct((NC, n_pad, d), jnp.float32),
        mesh=mesh,
        scratch_types=[
            pltpu.VMEM((nchunk_t, 1, CHUNK), jnp.int32),
            pltpu.VMEM((CHUNK,), jnp.int32),
            pltpu.VMEM((CHUNK,), jnp.int32),
            pltpu.VMEM((CHUNK, d), jnp.float32),
            pltpu.VMEM((CHUNK, d), jnp.float32),
            pltpu.VMEM_SHARED((n_pad, d), jnp.float32),
            pltpu.SemaphoreType.DMA,
            pltpu.SemaphoreType.DMA,
            pltpu.SemaphoreType.DMA,
            pltpu.SemaphoreType.DMA,
        ],
    )


def _pre_body(x_ref, w_ref, degc_ref, g_ref):
    dis = lax.rsqrt(1.0 + degc_ref[...])
    t = jnp.dot(x_ref[...], w_ref[...], preferred_element_type=jnp.float32)
    g_ref[...] = dis * t


def _mid1_body(d, agg_ref, degc_ref, b_ref, w_ref, wl_ref,
               gn_ref, o_ref):
    dis = lax.rsqrt(1.0 + degc_ref[...])
    a = agg_ref[0] + agg_ref[1]
    h = jnp.maximum(dis * a + b_ref[...], 0.0)
    tn = jnp.dot(h, w_ref[...], preferred_element_type=jnp.float32)
    gn_ref[...] = dis * tn
    o_ref[...] = jnp.dot(h, wl_ref[0:d, :],
                         preferred_element_type=jnp.float32)


def _mid2_body(d, agg_ref, degc_ref, b_ref, w_ref, wl_ref, oin_ref,
               gn_ref, o_ref):
    dis = lax.rsqrt(1.0 + degc_ref[...])
    a = agg_ref[0] + agg_ref[1]
    h = jnp.maximum(dis * a + b_ref[...], 0.0)
    tn = jnp.dot(h, w_ref[...], preferred_element_type=jnp.float32)
    gn_ref[...] = dis * tn
    o_ref[...] = oin_ref[...] + jnp.dot(h, wl_ref[d:2 * d, :],
                                        preferred_element_type=jnp.float32)


def _post_body(d, agg_ref, degc_ref, b_ref, wl_ref, bl_ref, oin_ref,
               o_ref):
    dis = lax.rsqrt(1.0 + degc_ref[...])
    a = agg_ref[0] + agg_ref[1]
    h3 = jnp.maximum(dis * a + b_ref[...], 0.0)
    o = oin_ref[...] + jnp.dot(h3, wl_ref[2 * d:3 * d, :],
                               preferred_element_type=jnp.float32)
    o = o + bl_ref[...]
    m = jnp.max(o, axis=1, keepdims=True)
    lse = jnp.log(jnp.sum(jnp.exp(o - m), axis=1, keepdims=True)) + m
    o_ref[...] = o - lse


def kernel(x, edge_index, W0, b0, W1, b1, W2, b2, Wl, bl):
    n, d_in = x.shape
    e = edge_index.shape[1]
    d = W0.shape[1]
    d_out = Wl.shape[1]
    n_pad = _cdiv(n, 128 * NS) * (128 * NS)
    bn = 2000
    grid = n // bn

    src = edge_index[0]
    dst = edge_index[1]
    src2 = src.reshape(e // CHUNK, 1, CHUNK)
    dst2 = dst.reshape(e // CHUNK, 1, CHUNK)
    zeros_row = jnp.zeros((n_pad // NS,), jnp.float32)
    zeros_blk = jnp.zeros((n_pad // NS, d), jnp.float32)

    deg2 = _make_deg_kernel(n_pad, e)(dst2, dst, zeros_row)
    degc = (deg2[0, 0, :n] + deg2[1, 0, :n]).reshape(n, 1)

    agg_fn = _make_agg_kernel(n, n_pad, d, e)

    row_blk = lambda i: (i, 0)
    full_w = lambda a, b_: pl.BlockSpec((a, b_), lambda i: (0, 0))
    vec = lambda L: pl.BlockSpec((L,), lambda i: (0,))
    nd_blk = pl.BlockSpec((bn, d), row_blk)
    col_blk = pl.BlockSpec((bn, 1), row_blk)
    agg_blk = pl.BlockSpec((NC, bn, d), lambda i: (0, i, 0))

    o_blk = pl.BlockSpec((bn, d_out), row_blk)
    o_shape = jax.ShapeDtypeStruct((n, d_out), jnp.float32)
    nd_shape = jax.ShapeDtypeStruct((n, d), jnp.float32)

    g0 = pl.pallas_call(
        _pre_body,
        grid=(grid,),
        in_specs=[nd_blk, full_w(d_in, d), col_blk],
        out_specs=nd_blk,
        out_shape=nd_shape,
    )(x, W0, degc)

    agg1 = agg_fn(g0, src2, src, dst, zeros_blk)
    g1, o1 = pl.pallas_call(
        functools.partial(_mid1_body, d),
        grid=(grid,),
        in_specs=[agg_blk, col_blk, vec(d), full_w(d, d),
                  full_w(3 * d, d_out)],
        out_specs=[nd_blk, o_blk],
        out_shape=[nd_shape, o_shape],
    )(agg1, degc, b0, W1, Wl)

    agg2 = agg_fn(g1, src2, src, dst, zeros_blk)
    g2, o2 = pl.pallas_call(
        functools.partial(_mid2_body, d),
        grid=(grid,),
        in_specs=[agg_blk, col_blk, vec(d), full_w(d, d),
                  full_w(3 * d, d_out), o_blk],
        out_specs=[nd_blk, o_blk],
        out_shape=[nd_shape, o_shape],
    )(agg2, degc, b1, W2, Wl, o1)

    agg3 = agg_fn(g2, src2, src, dst, zeros_blk)
    out = pl.pallas_call(
        functools.partial(_post_body, d),
        grid=(grid,),
        in_specs=[agg_blk, col_blk, vec(d),
                  full_w(3 * d, d_out), vec(d_out), o_blk],
        out_specs=o_blk,
        out_shape=o_shape,
    )(agg3, degc, b2, Wl, bl, o2)

    return out

# --- scband reference (transcript-rebuilt; emitter-appended) ---
"""Pipeline reference for scband-gcnnet-19464791786080 (READ-ONLY COPY).

The authoritative reference and input builder live on the scoring server;
editing this copy changes nothing except your own understanding.
"""

import jax, jax.numpy as jnp
import numpy as np

N = 10000
E = 320000
D_IN = 128
D_H = 128
D_OUT = 64
NUM_LAYERS = 3


def gcn_conv(x, edge_index, W, b):
    # Faithful PyG-style GCNConv: linear transform, add self-loops,
    # symmetric deg^-1/2 normalization, scatter-add aggregation, bias.
    n = x.shape[0]
    x = x @ W
    loop = jnp.arange(n, dtype=edge_index.dtype)
    src = jnp.concatenate([edge_index[0], loop])
    dst = jnp.concatenate([edge_index[1], loop])
    deg = jnp.zeros((n,), x.dtype).at[dst].add(1.0)
    dis = jax.lax.rsqrt(deg)  # deg >= 1 because of self-loops
    norm = dis[src] * dis[dst]
    out = jnp.zeros_like(x).at[dst].add(norm[:, None] * x[src])
    return out + b


def setup_inputs(seed: int = 0) -> dict:
    key = jax.random.key(seed)
    ks = jax.random.split(key, 12)
    x = jax.random.normal(ks[0], (N, D_IN), dtype=jnp.float32)
    edge_index = jax.random.randint(ks[1], (2, E), 0, N, dtype=jnp.int32)
    s = 0.05
    W0 = jax.random.normal(ks[2], (D_IN, D_H), dtype=jnp.float32) * s
    b0 = jnp.zeros((D_H,), dtype=jnp.float32)
    W1 = jax.random.normal(ks[3], (D_H, D_H), dtype=jnp.float32) * s
    b1 = jnp.zeros((D_H,), dtype=jnp.float32)
    W2 = jax.random.normal(ks[4], (D_H, D_H), dtype=jnp.float32) * s
    b2 = jnp.zeros((D_H,), dtype=jnp.float32)
    Wl = jax.random.normal(ks[5], (NUM_LAYERS * D_H, D_OUT), dtype=jnp.float32) * s
    bl = jnp.zeros((D_OUT,), dtype=jnp.float32)
    return {"x": x, "edge_index": edge_index, "W0": W0, "b0": b0,
            "W1": W1, "b1": b1, "W2": W2, "b2": b2, "Wl": Wl, "bl": bl}


def reference(x, edge_index, W0, b0, W1, b1, W2, b2, Wl, bl):
    xs = []
    h = x
    for (W, b) in [(W0, b0), (W1, b1), (W2, b2)]:
        h = gcn_conv(h, edge_index, W, b)
        h = jax.nn.relu(h)
        # dropout p=0.0 -> identity
        xs.append(h)
    h = jnp.concatenate(xs, axis=1)
    out = h @ Wl + bl
    return jax.nn.log_softmax(out, axis=1)

if __name__ == "__main__":
    import jax
    _d = setup_inputs()
    print(jax.jit(kernel)(*tuple(_d.values())))

</pallas_src>

<mosaic_0001>
#map = affine_map<(d0, d1) -> (0, 0, 0)>
#map1 = affine_map<(d0, d1) -> (0)>
module attributes {stable_mosaic.version = 14 : i64} {
  func.func @_deg_body(%arg0: i32, %arg1: i32, %arg2: memref<2500x1x128xi32, #tpu.memory_space<hbm>>, %arg3: memref<320000xi32, #tpu.memory_space<hbm>>, %arg4: memref<640xf32, #tpu.memory_space<hbm>>, %arg5: memref<2x1x10240xf32, #tpu.memory_space<hbm>>, %arg6: memref<79x1x128xi32, #tpu.memory_space<vmem>>, %arg7: memref<128xf32, #tpu.memory_space<vmem>>, %arg8: memref<10240xf32, #tpu.memory_space<vmem_shared>>, %arg9: memref<!tpu.dma_semaphore, #tpu.memory_space<semaphore_mem>>) attributes {dimension_semantics = [#tpu.dimension_semantics<core_parallel>, #tpu.dimension_semantics<subcore_parallel>], iteration_bounds = array<i64: 2, 16>, scalar_prefetch = 0 : i64, scratch_operands = 4 : i64, tpu.core_type = #tpu.core_type<sc_vector_subcore>, window_params = [{transform_indices = #map}, {transform_indices = #map1}, {transform_indices = #map1}, {transform_indices = #map}]} {
    %mul3A = arith.constant 2 : i32
    %mul3A_0 = arith.muli %arg1, %mul3A : i32
    %add3A = arith.addi %mul3A_0, %arg0 : i32
    %broadcast_in_dim3A = arith.constant 1.000000e+00 : f32
    %broadcast_in_dim3A_1 = vector.broadcast %broadcast_in_dim3A : f32 to vector<16xf32>
    %swap3A = arith.constant 0 : index
    %swap3A_2 = tpu.vector_load %arg7[%swap3A] {strides = array<i32>} : memref<128xf32, #tpu.memory_space<vmem>>, vector<16xf32>,
    %swap3A_3 = vector.shape_cast %swap3A_2 : vector<16xf32> to vector<16xf32>
    %swap3A_4 = vector.shape_cast %broadcast_in_dim3A_1 : vector<16xf32> to vector<16xf32>
    tpu.vector_store %arg7[%swap3A], %swap3A_4 {strides = array<i32>} : memref<128xf32, #tpu.memory_space<vmem>>, vector<16xf32>,
    %broadcast_in_dim3A_5 = arith.constant 1.000000e+00 : f32
    %broadcast_in_dim3A_6 = vector.broadcast %broadcast_in_dim3A_5 : f32 to vector<16xf32>
    %swap3A_7 = arith.constant 16 : index
    %swap3A_8 = tpu.vector_load %arg7[%swap3A_7] {strides = array<i32>} : memref<128xf32, #tpu.memory_space<vmem>>, vector<16xf32>,
    %swap3A_9 = vector.shape_cast %swap3A_8 : vector<16xf32> to vector<16xf32>
    %swap3A_10 = vector.shape_cast %broadcast_in_dim3A_6 : vector<16xf32> to vector<16xf32>
    tpu.vector_store %arg7[%swap3A_7], %swap3A_10 {strides = array<i32>} : memref<128xf32, #tpu.memory_space<vmem>>, vector<16xf32>,
    %broadcast_in_dim3A_11 = arith.constant 1.000000e+00 : f32
    %broadcast_in_dim3A_12 = vector.broadcast %broadcast_in_dim3A_11 : f32 to vector<16xf32>
    %swap3A_13 = arith.constant 32 : index
    %swap3A_14 = tpu.vector_load %arg7[%swap3A_13] {strides = array<i32>} : memref<128xf32, #tpu.memory_space<vmem>>, vector<16xf32>,
    %swap3A_15 = vector.shape_cast %swap3A_14 : vector<16xf32> to vector<16xf32>
    %swap3A_16 = vector.shape_cast %broadcast_in_dim3A_12 : vector<16xf32> to vector<16xf32>
    tpu.vector_store %arg7[%swap3A_13], %swap3A_16 {strides = array<i32>} : memref<128xf32, #tpu.memory_space<vmem>>, vector<16xf32>,
    %broadcast_in_dim3A_17 = arith.constant 1.000000e+00 : f32
    %broadcast_in_dim3A_18 = vector.broadcast %broadcast_in_dim3A_17 : f32 to vector<16xf32>
    %swap3A_19 = arith.constant 48 : index
    %swap3A_20 = tpu.vector_load %arg7[%swap3A_19] {strides = array<i32>} : memref<128xf32, #tpu.memory_space<vmem>>, vector<16xf32>,
    %swap3A_21 = vector.shape_cast %swap3A_20 : vector<16xf32> to vector<16xf32>
    %swap3A_22 = vector.shape_cast %broadcast_in_dim3A_18 : vector<16xf32> to vector<16xf32>
    tpu.vector_store %arg7[%swap3A_19], %swap3A_22 {strides = array<i32>} : memref<128xf32, #tpu.memory_space<vmem>>, vector<16xf32>,
    %broadcast_in_dim3A_23 = arith.constant 1.000000e+00 : f32
    %broadcast_in_dim3A_24 = vector.broadcast %broadcast_in_dim3A_23 : f32 to vector<16xf32>
    %swap3A_25 = arith.constant 64 : index
    %swap3A_26 = tpu.vector_load %arg7[%swap3A_25] {strides = array<i32>} : memref<128xf32, #tpu.memory_space<vmem>>, vector<16xf32>,
    %swap3A_27 = vector.shape_cast %swap3A_26 : vector<16xf32> to vector<16xf32>
    %swap3A_28 = vector.shape_cast %broadcast_in_dim3A_24 : vector<16xf32> to vector<16xf32>
    tpu.vector_store %arg7[%swap3A_25], %swap3A_28 {strides = array<i32>} : memref<128xf32, #tpu.memory_space<vmem>>, vector<16xf32>,
    %broadcast_in_dim3A_29 = arith.constant 1.000000e+00 : f32
    %broadcast_in_dim3A_30 = vector.broadcast %broadcast_in_dim3A_29 : f32 to vector<16xf32>
    %swap3A_31 = arith.constant 80 : index
    %swap3A_32 = tpu.vector_load %arg7[%swap3A_31] {strides = array<i32>} : memref<128xf32, #tpu.memory_space<vmem>>, vector<16xf32>,
    %swap3A_33 = vector.shape_cast %swap3A_32 : vector<16xf32> to vector<16xf32>
    %swap3A_34 = vector.shape_cast %broadcast_in_dim3A_30 : vector<16xf32> to vector<16xf32>
    tpu.vector_store %arg7[%swap3A_31], %swap3A_34 {strides = array<i32>} : memref<128xf32, #tpu.memory_space<vmem>>, vector<16xf32>,
    %broadcast_in_dim3A_35 = arith.constant 1.000000e+00 : f32
    %broadcast_in_dim3A_36 = vector.broadcast %broadcast_in_dim3A_35 : f32 to vector<16xf32>
    %swap3A_37 = arith.constant 96 : index
    %swap3A_38 = tpu.vector_load %arg7[%swap3A_37] {strides = array<i32>} : memref<128xf32, #tpu.memory_space<vmem>>, vector<16xf32>,
    %swap3A_39 = vector.shape_cast %swap3A_38 : vector<16xf32> to vector<16xf32>
    %swap3A_40 = vector.shape_cast %broadcast_in_dim3A_36 : vector<16xf32> to vector<16xf32>
    tpu.vector_store %arg7[%swap3A_37], %swap3A_40 {strides = array<i32>} : memref<128xf32, #tpu.memory_space<vmem>>, vector<16xf32>,
    %broadcast_in_dim3A_41 = arith.constant 1.000000e+00 : f32
    %broadcast_in_dim3A_42 = vector.broadcast %broadcast_in_dim3A_41 : f32 to vector<16xf32>
    %swap3A_43 = arith.constant 112 : index
    %swap3A_44 = tpu.vector_load %arg7[%swap3A_43] {strides = array<i32>} : memref<128xf32, #tpu.memory_space<vmem>>, vector<16xf32>,
    %swap3A_45 = vector.shape_cast %swap3A_44 : vector<16xf32> to vector<16xf32>
    %swap3A_46 = vector.shape_cast %broadcast_in_dim3A_42 : vector<16xf32> to vector<16xf32>
    tpu.vector_store %arg7[%swap3A_43], %swap3A_46 {strides = array<i32>} : memref<128xf32, #tpu.memory_space<vmem>>, vector<16xf32>,
    %mul3A_47 = arith.constant 640 : i32
    %mul3A_48 = arith.muli %arg1, %mul3A_47 : i32
    "tpu.region"() ({
      %run_scoped3A_69 = tpu.sem_alloc : memref<!tpu.dma_semaphore, #tpu.memory_space<semaphore_mem>>
      %dma_start3A = tpu.memref_slice %arg8[%mul3A_48] : memref<10240xf32, #tpu.memory_space<vmem_shared>> -> memref<640xf32, #tpu.memory_space<vmem_shared>>
      tpu.enqueue_dma source(%arg4 : memref<640xf32, #tpu.memory_space<hbm>>) target(%dma_start3A : memref<640xf32, #tpu.memory_space<vmem_shared>>) target_semaphore(%run_scoped3A_69 : memref<!tpu.dma_semaphore, #tpu.memory_space<semaphore_mem>>)
      %dma_wait3A = tpu.memref_slice %arg8[%mul3A_48] : memref<10240xf32, #tpu.memory_space<vmem_shared>> -> memref<640xf32, #tpu.memory_space<vmem_shared>>
      tpu.wait_dma2 semaphore(%run_scoped3A_69 : memref<!tpu.dma_semaphore, #tpu.memory_space<semaphore_mem>>) src(%arg4 : memref<640xf32, #tpu.memory_space<hbm>>) dst(%dma_wait3A : memref<640xf32, #tpu.memory_space<vmem_shared>>)
      tpu.yield
    }) : () -> ()
    %mul3A_49 = arith.constant 78 : i32
    %mul3A_50 = arith.muli %add3A, %mul3A_49 : i32
    "tpu.region"() ({
      %run_scoped3A_69 = tpu.sem_alloc : memref<!tpu.dma_semaphore, #tpu.memory_space<semaphore_mem>>
      %dma_start3A = arith.constant 0 : i32
      %dma_start3A_70 = arith.constant 0 : i32
      %dma_start3A_71 = arith.constant 0 : i32
      %dma_start3A_72 = tpu.memref_slice %arg6[%dma_start3A, %dma_start3A_70, %dma_start3A_71] : memref<79x1x128xi32, #tpu.memory_space<vmem>> -> memref<78x1x128xi32, #tpu.memory_space<vmem>>
      %dma_start3A_73 = arith.constant 0 : i32
      %dma_start3A_74 = arith.constant 0 : i32
      %dma_start3A_75 = tpu.memref_slice %arg2[%mul3A_50, %dma_start3A_73, %dma_start3A_74] : memref<2500x1x128xi32, #tpu.memory_space<hbm>> -> memref<78x1x128xi32, #tpu.memory_space<hbm>>
      %dma_start3A_76 = arith.constant 0 : i32
      %dma_start3A_77 = arith.constant 0 : i32
      %dma_start3A_78 = arith.constant 0 : i32
      %dma_start3A_79 = tpu.memref_slice %arg6[%dma_start3A_76, %dma_start3A_77, %dma_start3A_78] : memref<79x1x128xi32, #tpu.memory_space<vmem>> -> memref<78x1x128xi32, #tpu.memory_space<vmem>>
      %dma_start3A_80 = arith.constant 0 : i32
      %dma_start3A_81 = arith.constant 0 : i32
      %dma_start3A_82 = tpu.memref_slice %arg2[%mul3A_50, %dma_start3A_80, %dma_start3A_81] : memref<2500x1x128xi32, #tpu.memory_space<hbm>> -> memref<78x1x128xi32, #tpu.memory_space<hbm>>
      tpu.enqueue_dma source(%dma_start3A_82 : memref<78x1x128xi32, #tpu.memory_space<hbm>>) target(%dma_start3A_79 : memref<78x1x128xi32, #tpu.memory_space<vmem>>) target_semaphore(%run_scoped3A_69 : memref<!tpu.dma_semaphore, #tpu.memory_space<semaphore_mem>>)
      %dma_wait3A = arith.constant 0 : i32
      %dma_wait3A_83 = arith.constant 0 : i32
      %dma_wait3A_84 = arith.constant 0 : i32
      %dma_wait3A_85 = tpu.memref_slice %arg6[%dma_wait3A, %dma_wait3A_83, %dma_wait3A_84] : memref<79x1x128xi32, #tpu.memory_space<vmem>> -> memref<78x1x128xi32, #tpu.memory_space<vmem>>
      %dma_wait3A_86 = arith.constant 0 : i32
      %dma_wait3A_87 = arith.constant 0 : i32
      %dma_wait3A_88 = tpu.memref_slice %arg2[%mul3A_50, %dma_wait3A_86, %dma_wait3A_87] : memref<2500x1x128xi32, #tpu.memory_space<hbm>> -> memref<78x1x128xi32, #tpu.memory_space<hbm>>
      %dma_wait3A_89 = arith.constant 0 : i32
      %dma_wait3A_90 = arith.constant 0 : i32
      %dma_wait3A_91 = arith.constant 0 : i32
      %dma_wait3A_92 = tpu.memref_slice %arg6[%dma_wait3A_89, %dma_wait3A_90, %dma_wait3A_91] : memref<79x1x128xi32, #tpu.memory_space<vmem>> -> memref<78x1x128xi32, #tpu.memory_space<vmem>>
      %dma_wait3A_93 = arith.constant 0 : i32
      %dma_wait3A_94 = arith.constant 0 : i32
      %dma_wait3A_95 = tpu.memref_slice %arg2[%mul3A_50, %dma_wait3A_93, %dma_wait3A_94] : memref<2500x1x128xi32, #tpu.memory_space<hbm>> -> memref<78x1x128xi32, #tpu.memory_space<hbm>>
      tpu.wait_dma2 semaphore(%run_scoped3A_69 : memref<!tpu.dma_semaphore, #tpu.memory_space<semaphore_mem>>) src(%dma_wait3A_95 : memref<78x1x128xi32, #tpu.memory_space<hbm>>) dst(%dma_wait3A_92 : memref<78x1x128xi32, #tpu.memory_space<vmem>>)
      tpu.yield
    }) : () -> ()
    %lt3A = arith.constant 4 : i32
    %lt3A_51 = arith.cmpi slt, %add3A, %lt3A : i32
    %convert_element_type3A = arith.extui %lt3A_51 : i1 to i32
    %cond3A = arith.constant 0 : i32
    %cond3A_52 = arith.cmpi ne, %convert_element_type3A, %cond3A : i32
    scf.if %cond3A_52 {
      %add3A_69 = arith.constant 2496 : i32
      %add3A_70 = arith.addi %add3A_69, %add3A : i32
      %mul3A_71 = arith.constant 128 : i32
      %mul3A_72 = arith.muli %add3A_70, %mul3A_71 : i32
      %run_scoped3A_73 = arith.constant 78 : i32
      %run_scoped3A_74 = arith.constant 0 : i32
      "tpu.region"() ({
        %run_scoped3A_75 = tpu.sem_alloc : memref<!tpu.dma_semaphore, #tpu.memory_space<semaphore_mem>>
        %dma_start3A = arith.constant 0 : i32
        %dma_start3A_76 = tpu.memref_slice %arg6[%run_scoped3A_73, %run_scoped3A_74, %dma_start3A] : memref<79x1x128xi32, #tpu.memory_space<vmem>> -> memref<1x1x128xi32, #tpu.memory_space<vmem>>
        %dma_start3A_77 = tpu.memref_squeeze %dma_start3A_76 : memref<1x1x128xi32, #tpu.memory_space<vmem>> -> memref<128xi32, #tpu.memory_space<vmem>>
        %dma_start3A_78 = tpu.memref_slice %arg3[%mul3A_72] : memref<320000xi32, #tpu.memory_space<hbm>> -> memref<128xi32, #tpu.memory_space<hbm>>
        %dma_start3A_79 = arith.constant 0 : i32
        %dma_start3A_80 = tpu.memref_slice %arg6[%run_scoped3A_73, %run_scoped3A_74, %dma_start3A_79] : memref<79x1x128xi32, #tpu.memory_space<vmem>> -> memref<1x1x128xi32, #tpu.memory_space<vmem>>
        %dma_start3A_81 = tpu.memref_squeeze %dma_start3A_80 : memref<1x1x128xi32, #tpu.memory_space<vmem>> -> memref<128xi32, #tpu.memory_space<vmem>>
        %dma_start3A_82 = tpu.memref_slice %arg3[%mul3A_72] : memref<320000xi32, #tpu.memory_space<hbm>> -> memref<128xi32, #tpu.memory_space<hbm>>
        tpu.enqueue_dma source(%dma_start3A_82 : memref<128xi32, #tpu.memory_space<hbm>>) target(%dma_start3A_81 : memref<128xi32, #tpu.memory_space<vmem>>) target_semaphore(%run_scoped3A_75 : memref<!tpu.dma_semaphore, #tpu.memory_space<semaphore_mem>>)
        %dma_wait3A = arith.constant 0 : i32
        %dma_wait3A_83 = tpu.memref_slice %arg6[%run_scoped3A_73, %run_scoped3A_74, %dma_wait3A] : memref<79x1x128xi32, #tpu.memory_space<vmem>> -> memref<1x1x128xi32, #tpu.memory_space<vmem>>
        %dma_wait3A_84 = tpu.memref_squeeze %dma_wait3A_83 : memref<1x1x128xi32, #tpu.memory_space<vmem>> -> memref<128xi32, #tpu.memory_space<vmem>>
        %dma_wait3A_85 = tpu.memref_slice %arg3[%mul3A_72] : memref<320000xi32, #tpu.memory_space<hbm>> -> memref<128xi32, #tpu.memory_space<hbm>>
        %dma_wait3A_86 = arith.constant 0 : i32
        %dma_wait3A_87 = tpu.memref_slice %arg6[%run_scoped3A_73, %run_scoped3A_74, %dma_wait3A_86] : memref<79x1x128xi32, #tpu.memory_space<vmem>> -> memref<1x1x128xi32, #tpu.memory_space<vmem>>
        %dma_wait3A_88 = tpu.memref_squeeze %dma_wait3A_87 : memref<1x1x128xi32, #tpu.memory_space<vmem>> -> memref<128xi32, #tpu.memory_space<vmem>>
        %dma_wait3A_89 = tpu.memref_slice %arg3[%mul3A_72] : memref<320000xi32, #tpu.memory_space<hbm>> -> memref<128xi32, #tpu.memory_space<hbm>>
        tpu.wait_dma2 semaphore(%run_scoped3A_75 : memref<!tpu.dma_semaphore, #tpu.memory_space<semaphore_mem>>) src(%dma_wait3A_89 : memref<128xi32, #tpu.memory_space<hbm>>) dst(%dma_wait3A_88 : memref<128xi32, #tpu.memory_space<vmem>>)
        tpu.yield
      }) : () -> ()
    } else {
    }
    %barrier3A = arith.constant 0 : index
    tpu.barrier barrier_id(%barrier3A)
    %scan3A = arith.constant 0 : i32
    %scan3A_53 = arith.constant 0 : i32
    %scan3A_54 = arith.constant 79 : i32
    %scan3A_55 = arith.addi %scan3A_53, %scan3A_54 : i32
    %scan3A_56 = arith.constant 1 : i32
    scf.for %scan3A_69 = %scan3A_53 to %scan3A_55 step %scan3A_56  : i32 {
      %lt3A_70 = arith.constant 78 : i32
      %lt3A_71 = arith.cmpi slt, %scan3A_69, %lt3A_70 : i32
      %lt3A_72 = arith.constant 4 : i32
      %lt3A_73 = arith.cmpi slt, %add3A, %lt3A_72 : i32
      %or3A = arith.ori %lt3A_71, %lt3A_73 : i1
      %convert_element_type3A_74 = arith.extui %or3A : i1 to i32
      %cond3A_75 = arith.constant 0 : i32
      %cond3A_76 = arith.cmpi ne, %convert_element_type3A_74, %cond3A_75 : i32
      scf.if %cond3A_76 {
        %dma_start3A = arith.constant 0 : i32
        %dma_start3A_77 = arith.constant 0 : i32
        %dma_start3A_78 = tpu.memref_slice %arg6[%scan3A_69, %dma_start3A, %dma_start3A_77] : memref<79x1x128xi32, #tpu.memory_space<vmem>> -> memref<1x1x128xi32, #tpu.memory_space<vmem>>
        %dma_start3A_79 = tpu.memref_squeeze %dma_start3A_78 : memref<1x1x128xi32, #tpu.memory_space<vmem>> -> memref<128xi32, #tpu.memory_space<vmem>>
        %dma_start3A_80 = arith.constant 0 : i32
        %dma_start3A_81 = tpu.memref_slice %arg8[%dma_start3A_80] : memref<10240xf32, #tpu.memory_space<vmem_shared>> -> memref<10240xf32, #tpu.memory_space<vmem_shared>>
        tpu.enqueue_indirect_dma source(%arg7 : memref<128xf32, #tpu.memory_space<vmem>>) target(%dma_start3A_81 : memref<10240xf32, #tpu.memory_space<vmem_shared>>) offsets(%dma_start3A_79 : memref<128xi32, #tpu.memory_space<vmem>>) semaphore(%arg9 : memref<!tpu.dma_semaphore, #tpu.memory_space<semaphore_mem>>) {add = true}
      } else {
      }
    }
    %scan3A_57 = arith.constant 79 : i32
    %scan3A_58 = arith.constant 0 : i32
    %scan3A_59 = arith.constant 0 : i32
    %scan3A_60 = arith.constant 79 : i32
    %scan3A_61 = arith.addi %scan3A_59, %scan3A_60 : i32
    %scan3A_62 = arith.constant 1 : i32
    scf.for %scan3A_69 = %scan3A_59 to %scan3A_61 step %scan3A_62  : i32 {
      %lt3A_70 = arith.constant 78 : i32
      %lt3A_71 = arith.cmpi slt, %scan3A_69, %lt3A_70 : i32
      %lt3A_72 = arith.constant 4 : i32
      %lt3A_73 = arith.cmpi slt, %add3A, %lt3A_72 : i32
      %or3A = arith.ori %lt3A_71, %lt3A_73 : i1
      %convert_element_type3A_74 = arith.extui %or3A : i1 to i32
      %cond3A_75 = arith.constant 0 : i32
      %cond3A_76 = arith.cmpi ne, %convert_element_type3A_74, %cond3A_75 : i32
      scf.if %cond3A_76 {
        %dma_wait3A = arith.constant 0 : i32
        %dma_wait3A_77 = arith.constant 0 : i32
        %dma_wait3A_78 = tpu.memref_slice %arg6[%scan3A_69, %dma_wait3A, %dma_wait3A_77] : memref<79x1x128xi32, #tpu.memory_space<vmem>> -> memref<1x1x128xi32, #tpu.memory_space<vmem>>
        %dma_wait3A_79 = tpu.memref_squeeze %dma_wait3A_78 : memref<1x1x128xi32, #tpu.memory_space<vmem>> -> memref<128xi32, #tpu.memory_space<vmem>>
        %dma_wait3A_80 = arith.constant 0 : i32
        %dma_wait3A_81 = tpu.memref_slice %arg8[%dma_wait3A_80] : memref<10240xf32, #tpu.memory_space<vmem_shared>> -> memref<10240xf32, #tpu.memory_space<vmem_shared>>
        tpu.wait_indirect_dma semaphore(%arg9 : memref<!tpu.dma_semaphore, #tpu.memory_space<semaphore_mem>>) src(%arg7 : memref<128xf32, #tpu.memory_space<vmem>>) dst(%dma_wait3A_81 : memref<10240xf32, #tpu.memory_space<vmem_shared>>)
      } else {
      }
    }
    %scan3A_63 = arith.constant 79 : i32
    %barrier3A_64 = arith.constant 0 : index
    tpu.barrier barrier_id(%barrier3A_64)
    %mul3A_65 = arith.constant 640 : i32
    %mul3A_66 = arith.muli %arg1, %mul3A_65 : i32
    %mul3A_67 = arith.constant 640 : i32
    %mul3A_68 = arith.muli %arg1, %mul3A_67 : i32
    %run_scoped3A = arith.constant 0 : i32
    "tpu.region"() ({
      %run_scoped3A_69 = tpu.sem_alloc : memref<!tpu.dma_semaphore, #tpu.memory_space<semaphore_mem>>
      %dma_start3A = tpu.memref_slice %arg5[%arg0, %run_scoped3A, %mul3A_68] : memref<2x1x10240xf32, #tpu.memory_space<hbm>> -> memref<1x1x640xf32, #tpu.memory_space<hbm>>
      %dma_start3A_70 = tpu.memref_squeeze %dma_start3A : memref<1x1x640xf32, #tpu.memory_space<hbm>> -> memref<640xf32, #tpu.memory_space<hbm>>
      %dma_start3A_71 = tpu.memref_slice %arg8[%mul3A_66] : memref<10240xf32, #tpu.memory_space<vmem_shared>> -> memref<640xf32, #tpu.memory_space<vmem_shared>>
      tpu.enqueue_dma source(%dma_start3A_71 : memref<640xf32, #tpu.memory_space<vmem_shared>>) target(%dma_start3A_70 : memref<640xf32, #tpu.memory_space<hbm>>) target_semaphore(%run_scoped3A_69 : memref<!tpu.dma_semaphore, #tpu.memory_space<semaphore_mem>>)
      %dma_wait3A = tpu.memref_slice %arg5[%arg0, %run_scoped3A, %mul3A_68] : memref<2x1x10240xf32, #tpu.memory_space<hbm>> -> memref<1x1x640xf32, #tpu.memory_space<hbm>>
      %dma_wait3A_72 = tpu.memref_squeeze %dma_wait3A : memref<1x1x640xf32, #tpu.memory_space<hbm>> -> memref<640xf32, #tpu.memory_space<hbm>>
      %dma_wait3A_73 = tpu.memref_slice %arg8[%mul3A_66] : memref<10240xf32, #tpu.memory_space<vmem_shared>> -> memref<640xf32, #tpu.memory_space<vmem_shared>>
      tpu.wait_dma2 semaphore(%run_scoped3A_69 : memref<!tpu.dma_semaphore, #tpu.memory_space<semaphore_mem>>) src(%dma_wait3A_73 : memref<640xf32, #tpu.memory_space<vmem_shared>>) dst(%dma_wait3A_72 : memref<640xf32, #tpu.memory_space<hbm>>)
      tpu.yield
    }) : () -> ()
    return
  }
}

#map = affine_map<(d0, d1) -> (0, 0)>
#map1 = affine_map<(d0, d1) -> (0, 0, 0)>
#map2 = affine_map<(d0, d1) -> (0)>
module attributes {stable_mosaic.version = 14 : i64} {
  func.func @_agg_body(%arg0: i32, %arg1: i32, %arg2: memref<10000x128xf32, #tpu.memory_space<hbm>>, %arg3: memref<2500x1x128xi32, #tpu.memory_space<hbm>>, %arg4: memref<320000xi32, #tpu.memory_space<hbm>>, %arg5: memref<320000xi32, #tpu.memory_space<hbm>>, %arg6: memref<640x128xf32, #tpu.memory_space<hbm>>, %arg7: memref<2x10240x128xf32, #tpu.memory_space<hbm>>, %arg8: memref<79x1x128xi32, #tpu.memory_space<vmem>>, %arg9: memref<128xi32, #tpu.memory_space<vmem>>, %arg10: memref<128xi32, #tpu.memory_space<vmem>>, %arg11: memref<128x128xf32, #tpu.memory_space<vmem>>, %arg12: memref<128x128xf32, #tpu.memory_space<vmem>>, %arg13: memref<10240x128xf32, #tpu.memory_space<vmem_shared>>, %arg14: memref<!tpu.dma_semaphore, #tpu.memory_space<semaphore_mem>>, %arg15: memref<!tpu.dma_semaphore, #tpu.memory_space<semaphore_mem>>, %arg16: memref<!tpu.dma_semaphore, #tpu.memory_space<semaphore_mem>>, %arg17: memref<!tpu.dma_semaphore, #tpu.memory_space<semaphore_mem>>) attributes {dimension_semantics = [#tpu.dimension_semantics<core_parallel>, #tpu.dimension_semantics<subcore_parallel>], iteration_bounds = array<i64: 2, 16>, scalar_prefetch = 0 : i64, scratch_operands = 10 : i64, tpu.core_type = #tpu.core_type<sc_vector_subcore>, window_params = [{transform_indices = #map}, {transform_indices = #map1}, {transform_indices = #map2}, {transform_indices = #map2}, {transform_indices = #map}, {transform_indices = #map1}]} {
    %mul3A = arith.constant 2 : i32
    %mul3A_0 = arith.muli %arg1, %mul3A : i32
    %add3A = arith.addi %mul3A_0, %arg0 : i32
    %mul3A_1 = arith.constant 78 : i32
    %mul3A_2 = arith.muli %add3A, %mul3A_1 : i32
    %dma_start3A = arith.constant 0 : i32
    %dma_start3A_3 = arith.constant 0 : i32
    %dma_start3A_4 = arith.constant 0 : i32
    %dma_start3A_5 = tpu.memref_slice %arg8[%dma_start3A, %dma_start3A_3, %dma_start3A_4] : memref<79x1x128xi32, #tpu.memory_space<vmem>> -> memref<78x1x128xi32, #tpu.memory_space<vmem>>
    %dma_start3A_6 = arith.constant 0 : i32
    %dma_start3A_7 = arith.constant 0 : i32
    %dma_start3A_8 = tpu.memref_slice %arg3[%mul3A_2, %dma_start3A_6, %dma_start3A_7] : memref<2500x1x128xi32, #tpu.memory_space<hbm>> -> memref<78x1x128xi32, #tpu.memory_space<hbm>>
    %dma_start3A_9 = arith.constant 0 : i32
    %dma_start3A_10 = arith.constant 0 : i32
    %dma_start3A_11 = arith.constant 0 : i32
    %dma_start3A_12 = tpu.memref_slice %arg8[%dma_start3A_9, %dma_start3A_10, %dma_start3A_11] : memref<79x1x128xi32, #tpu.memory_space<vmem>> -> memref<78x1x128xi32, #tpu.memory_space<vmem>>
    %dma_start3A_13 = arith.constant 0 : i32
    %dma_start3A_14 = arith.constant 0 : i32
    %dma_start3A_15 = tpu.memref_slice %arg3[%mul3A_2, %dma_start3A_13, %dma_start3A_14] : memref<2500x1x128xi32, #tpu.memory_space<hbm>> -> memref<78x1x128xi32, #tpu.memory_space<hbm>>
    tpu.enqueue_dma source(%dma_start3A_15 : memref<78x1x128xi32, #tpu.memory_space<hbm>>) target(%dma_start3A_12 : memref<78x1x128xi32, #tpu.memory_space<vmem>>) target_semaphore(%arg15 : memref<!tpu.dma_semaphore, #tpu.memory_space<semaphore_mem>>)
    %lt3A = arith.constant 4 : i32
    %lt3A_16 = arith.cmpi slt, %add3A, %lt3A : i32
    %convert_element_type3A = arith.extui %lt3A_16 : i1 to i32
    %cond3A = arith.constant 0 : i32
    %cond3A_17 = arith.cmpi ne, %convert_element_type3A, %cond3A : i32
    scf.if %cond3A_17 {
      %add3A_93 = arith.constant 2496 : i32
      %add3A_94 = arith.addi %add3A_93, %add3A : i32
      %mul3A_95 = arith.constant 128 : i32
      %mul3A_96 = arith.muli %add3A_94, %mul3A_95 : i32
      %dma_start3A_97 = arith.constant 78 : i32
      %dma_start3A_98 = arith.constant 0 : i32
      %dma_start3A_99 = arith.constant 0 : i32
      %dma_start3A_100 = tpu.memref_slice %arg8[%dma_start3A_97, %dma_start3A_98, %dma_start3A_99] : memref<79x1x128xi32, #tpu.memory_space<vmem>> -> memref<1x1x128xi32, #tpu.memory_space<vmem>>
      %dma_start3A_101 = tpu.memref_squeeze %dma_start3A_100 : memref<1x1x128xi32, #tpu.memory_space<vmem>> -> memref<128xi32, #tpu.memory_space<vmem>>
      %dma_start3A_102 = tpu.memref_slice %arg4[%mul3A_96] : memref<320000xi32, #tpu.memory_space<hbm>> -> memref<128xi32, #tpu.memory_space<hbm>>
      %dma_start3A_103 = arith.constant 0 : i32
      %dma_start3A_104 = tpu.memref_slice %arg8[%dma_start3A_97, %dma_start3A_98, %dma_start3A_103] : memref<79x1x128xi32, #tpu.memory_space<vmem>> -> memref<1x1x128xi32, #tpu.memory_space<vmem>>
      %dma_start3A_105 = tpu.memref_squeeze %dma_start3A_104 : memref<1x1x128xi32, #tpu.memory_space<vmem>> -> memref<128xi32, #tpu.memory_space<vmem>>
      %dma_start3A_106 = tpu.memref_slice %arg4[%mul3A_96] : memref<320000xi32, #tpu.memory_space<hbm>> -> memref<128xi32, #tpu.memory_space<hbm>>
      tpu.enqueue_dma source(%dma_start3A_106 : memref<128xi32, #tpu.memory_space<hbm>>) target(%dma_start3A_105 : memref<128xi32, #tpu.memory_space<vmem>>) target_semaphore(%arg15 : memref<!tpu.dma_semaphore, #tpu.memory_space<semaphore_mem>>)
    } else {
    }
    %eq3A = arith.constant 0 : i32
    %eq3A_18 = arith.cmpi eq, %arg0, %eq3A : i32
    %lt3A_19 = arith.constant 15 : i32
    %lt3A_20 = arith.cmpi slt, %arg1, %lt3A_19 : i32
    %and3A = arith.andi %eq3A_18, %lt3A_20 : i1
    %convert_element_type3A_21 = arith.extui %and3A : i1 to i32
    %cond3A_22 = arith.constant 0 : i32
    %cond3A_23 = arith.cmpi ne, %convert_element_type3A_21, %cond3A_22 : i32
    scf.if %cond3A_23 {
      %mul3A_93 = arith.constant 640 : i32
      %mul3A_94 = arith.muli %arg1, %mul3A_93 : i32
      %mul3A_95 = arith.constant 640 : i32
      %mul3A_96 = arith.muli %arg1, %mul3A_95 : i32
      "tpu.region"() ({
        %run_scoped3A = tpu.sem_alloc : memref<!tpu.dma_semaphore, #tpu.memory_space<semaphore_mem>>
        %dma_start3A_97 = arith.constant 0 : i32
        %dma_start3A_98 = tpu.memref_slice %arg13[%mul3A_96, %dma_start3A_97] : memref<10240x128xf32, #tpu.memory_space<vmem_shared>> -> memref<640x128xf32, #tpu.memory_space<vmem_shared>>
        %dma_start3A_99 = arith.constant 0 : i32
        %dma_start3A_100 = tpu.memref_slice %arg2[%mul3A_94, %dma_start3A_99] : memref<10000x128xf32, #tpu.memory_space<hbm>> -> memref<640x128xf32, #tpu.memory_space<hbm>>
        tpu.enqueue_dma source(%dma_start3A_100 : memref<640x128xf32, #tpu.memory_space<hbm>>) target(%dma_start3A_98 : memref<640x128xf32, #tpu.memory_space<vmem_shared>>) target_semaphore(%run_scoped3A : memref<!tpu.dma_semaphore, #tpu.memory_space<semaphore_mem>>)
        %dma_wait3A_101 = arith.constant 0 : i32
        %dma_wait3A_102 = tpu.memref_slice %arg13[%mul3A_96, %dma_wait3A_101] : memref<10240x128xf32, #tpu.memory_space<vmem_shared>> -> memref<640x128xf32, #tpu.memory_space<vmem_shared>>
        %dma_wait3A_103 = arith.constant 0 : i32
        %dma_wait3A_104 = tpu.memref_slice %arg2[%mul3A_94, %dma_wait3A_103] : memref<10000x128xf32, #tpu.memory_space<hbm>> -> memref<640x128xf32, #tpu.memory_space<hbm>>
        tpu.wait_dma2 semaphore(%run_scoped3A : memref<!tpu.dma_semaphore, #tpu.memory_space<semaphore_mem>>) src(%dma_wait3A_104 : memref<640x128xf32, #tpu.memory_space<hbm>>) dst(%dma_wait3A_102 : memref<640x128xf32, #tpu.memory_space<vmem_shared>>)
        tpu.yield
      }) : () -> ()
    } else {
    }
    %eq3A_24 = arith.constant 0 : i32
    %eq3A_25 = arith.cmpi eq, %arg0, %eq3A_24 : i32
    %eq3A_26 = arith.constant 15 : i32
    %eq3A_27 = arith.cmpi eq, %arg1, %eq3A_26 : i32
    %and3A_28 = arith.andi %eq3A_25, %eq3A_27 : i1
    %convert_element_type3A_29 = arith.extui %and3A_28 : i1 to i32
    %cond3A_30 = arith.constant 0 : i32
    %cond3A_31 = arith.cmpi ne, %convert_element_type3A_29, %cond3A_30 : i32
    scf.if %cond3A_31 {
      "tpu.region"() ({
        %run_scoped3A = tpu.sem_alloc : memref<!tpu.dma_semaphore, #tpu.memory_space<semaphore_mem>>
        %dma_start3A_93 = arith.constant 9600 : i32
        %dma_start3A_94 = arith.constant 0 : i32
        %dma_start3A_95 = tpu.memref_slice %arg13[%dma_start3A_93, %dma_start3A_94] : memref<10240x128xf32, #tpu.memory_space<vmem_shared>> -> memref<400x128xf32, #tpu.memory_space<vmem_shared>>
        %dma_start3A_96 = arith.constant 9600 : i32
        %dma_start3A_97 = arith.constant 0 : i32
        %dma_start3A_98 = tpu.memref_slice %arg2[%dma_start3A_96, %dma_start3A_97] : memref<10000x128xf32, #tpu.memory_space<hbm>> -> memref<400x128xf32, #tpu.memory_space<hbm>>
        tpu.enqueue_dma source(%dma_start3A_98 : memref<400x128xf32, #tpu.memory_space<hbm>>) target(%dma_start3A_95 : memref<400x128xf32, #tpu.memory_space<vmem_shared>>) target_semaphore(%run_scoped3A : memref<!tpu.dma_semaphore, #tpu.memory_space<semaphore_mem>>)
        %dma_wait3A_99 = arith.constant 9600 : i32
        %dma_wait3A_100 = arith.constant 0 : i32
        %dma_wait3A_101 = tpu.memref_slice %arg13[%dma_wait3A_99, %dma_wait3A_100] : memref<10240x128xf32, #tpu.memory_space<vmem_shared>> -> memref<400x128xf32, #tpu.memory_space<vmem_shared>>
        %dma_wait3A_102 = arith.constant 9600 : i32
        %dma_wait3A_103 = arith.constant 0 : i32
        %dma_wait3A_104 = tpu.memref_slice %arg2[%dma_wait3A_102, %dma_wait3A_103] : memref<10000x128xf32, #tpu.memory_space<hbm>> -> memref<400x128xf32, #tpu.memory_space<hbm>>
        tpu.wait_dma2 semaphore(%run_scoped3A : memref<!tpu.dma_semaphore, #tpu.memory_space<semaphore_mem>>) src(%dma_wait3A_104 : memref<400x128xf32, #tpu.memory_space<hbm>>) dst(%dma_wait3A_101 : memref<400x128xf32, #tpu.memory_space<vmem_shared>>)
        tpu.yield
      }) : () -> ()
      "tpu.region"() ({
        %run_scoped3A = tpu.sem_alloc : memref<!tpu.dma_semaphore, #tpu.memory_space<semaphore_mem>>
        %dma_start3A_93 = arith.constant 10000 : i32
        %dma_start3A_94 = arith.constant 0 : i32
        %dma_start3A_95 = tpu.memref_slice %arg13[%dma_start3A_93, %dma_start3A_94] : memref<10240x128xf32, #tpu.memory_space<vmem_shared>> -> memref<240x128xf32, #tpu.memory_space<vmem_shared>>
        %dma_start3A_96 = arith.constant 0 : i32
        %dma_start3A_97 = arith.constant 0 : i32
        %dma_start3A_98 = tpu.memref_slice %arg6[%dma_start3A_96, %dma_start3A_97] : memref<640x128xf32, #tpu.memory_space<hbm>> -> memref<240x128xf32, #tpu.memory_space<hbm>>
        tpu.enqueue_dma source(%dma_start3A_98 : memref<240x128xf32, #tpu.memory_space<hbm>>) target(%dma_start3A_95 : memref<240x128xf32, #tpu.memory_space<vmem_shared>>) target_semaphore(%run_scoped3A : memref<!tpu.dma_semaphore, #tpu.memory_space<semaphore_mem>>)
        %dma_wait3A_99 = arith.constant 10000 : i32
        %dma_wait3A_100 = arith.constant 0 : i32
        %dma_wait3A_101 = tpu.memref_slice %arg13[%dma_wait3A_99, %dma_wait3A_100] : memref<10240x128xf32, #tpu.memory_space<vmem_shared>> -> memref<240x128xf32, #tpu.memory_space<vmem_shared>>
        %dma_wait3A_102 = arith.constant 0 : i32
        %dma_wait3A_103 = arith.constant 0 : i32
        %dma_wait3A_104 = tpu.memref_slice %arg6[%dma_wait3A_102, %dma_wait3A_103] : memref<640x128xf32, #tpu.memory_space<hbm>> -> memref<240x128xf32, #tpu.memory_space<hbm>>
        tpu.wait_dma2 semaphore(%run_scoped3A : memref<!tpu.dma_semaphore, #tpu.memory_space<semaphore_mem>>) src(%dma_wait3A_104 : memref<240x128xf32, #tpu.memory_space<hbm>>) dst(%dma_wait3A_101 : memref<240x128xf32, #tpu.memory_space<vmem_shared>>)
        tpu.yield
      }) : () -> ()
    } else {
    }
    %ne3A = arith.constant 0 : i32
    %ne3A_32 = arith.cmpi ne, %arg0, %ne3A : i32
    %gt3A = arith.constant 15 : i32
    %gt3A_33 = arith.cmpi sgt, %arg1, %gt3A : i32
    %or3A = arith.ori %ne3A_32, %gt3A_33 : i1
    %convert_element_type3A_34 = arith.extui %or3A : i1 to i32
    %cond3A_35 = arith.constant 0 : i32
    %cond3A_36 = arith.cmpi ne, %convert_element_type3A_34, %cond3A_35 : i32
    scf.if %cond3A_36 {
      %mul3A_93 = arith.constant 640 : i32
      %mul3A_94 = arith.muli %arg1, %mul3A_93 : i32
      "tpu.region"() ({
        %run_scoped3A = tpu.sem_alloc : memref<!tpu.dma_semaphore, #tpu.memory_space<semaphore_mem>>
        %dma_start3A_95 = arith.constant 0 : i32
        %dma_start3A_96 = tpu.memref_slice %arg13[%mul3A_94, %dma_start3A_95] : memref<10240x128xf32, #tpu.memory_space<vmem_shared>> -> memref<640x128xf32, #tpu.memory_space<vmem_shared>>
        tpu.enqueue_dma source(%arg6 : memref<640x128xf32, #tpu.memory_space<hbm>>) target(%dma_start3A_96 : memref<640x128xf32, #tpu.memory_space<vmem_shared>>) target_semaphore(%run_scoped3A : memref<!tpu.dma_semaphore, #tpu.memory_space<semaphore_mem>>)
        %dma_wait3A_97 = arith.constant 0 : i32
        %dma_wait3A_98 = tpu.memref_slice %arg13[%mul3A_94, %dma_wait3A_97] : memref<10240x128xf32, #tpu.memory_space<vmem_shared>> -> memref<640x128xf32, #tpu.memory_space<vmem_shared>>
        tpu.wait_dma2 semaphore(%run_scoped3A : memref<!tpu.dma_semaphore, #tpu.memory_space<semaphore_mem>>) src(%arg6 : memref<640x128xf32, #tpu.memory_space<hbm>>) dst(%dma_wait3A_98 : memref<640x128xf32, #tpu.memory_space<vmem_shared>>)
        tpu.yield
      }) : () -> ()
    } else {
    }
    %mul3A_37 = arith.constant 78 : i32
    %mul3A_38 = arith.muli %add3A, %mul3A_37 : i32
    %dma_wait3A = arith.constant 0 : i32
    %dma_wait3A_39 = arith.constant 0 : i32
    %dma_wait3A_40 = arith.constant 0 : i32
    %dma_wait3A_41 = tpu.memref_slice %arg8[%dma_wait3A, %dma_wait3A_39, %dma_wait3A_40] : memref<79x1x128xi32, #tpu.memory_space<vmem>> -> memref<78x1x128xi32, #tpu.memory_space<vmem>>
    %dma_wait3A_42 = arith.constant 0 : i32
    %dma_wait3A_43 = arith.constant 0 : i32
    %dma_wait3A_44 = tpu.memref_slice %arg3[%mul3A_38, %dma_wait3A_42, %dma_wait3A_43] : memref<2500x1x128xi32, #tpu.memory_space<hbm>> -> memref<78x1x128xi32, #tpu.memory_space<hbm>>
    %dma_wait3A_45 = arith.constant 0 : i32
    %dma_wait3A_46 = arith.constant 0 : i32
    %dma_wait3A_47 = arith.constant 0 : i32
    %dma_wait3A_48 = tpu.memref_slice %arg8[%dma_wait3A_45, %dma_wait3A_46, %dma_wait3A_47] : memref<79x1x128xi32, #tpu.memory_space<vmem>> -> memref<78x1x128xi32, #tpu.memory_space<vmem>>
    %dma_wait3A_49 = arith.constant 0 : i32
    %dma_wait3A_50 = arith.constant 0 : i32
    %dma_wait3A_51 = tpu.memref_slice %arg3[%mul3A_38, %dma_wait3A_49, %dma_wait3A_50] : memref<2500x1x128xi32, #tpu.memory_space<hbm>> -> memref<78x1x128xi32, #tpu.memory_space<hbm>>
    tpu.wait_dma2 semaphore(%arg15 : memref<!tpu.dma_semaphore, #tpu.memory_space<semaphore_mem>>) src(%dma_wait3A_51 : memref<78x1x128xi32, #tpu.memory_space<hbm>>) dst(%dma_wait3A_48 : memref<78x1x128xi32, #tpu.memory_space<vmem>>)
    %lt3A_52 = arith.constant 4 : i32
    %lt3A_53 = arith.cmpi slt, %add3A, %lt3A_52 : i32
    %convert_element_type3A_54 = arith.extui %lt3A_53 : i1 to i32
    %cond3A_55 = arith.constant 0 : i32
    %cond3A_56 = arith.cmpi ne, %convert_element_type3A_54, %cond3A_55 : i32
    scf.if %cond3A_56 {
      %add3A_93 = arith.constant 2496 : i32
      %add3A_94 = arith.addi %add3A_93, %add3A : i32
      %mul3A_95 = arith.constant 128 : i32
      %mul3A_96 = arith.muli %add3A_94, %mul3A_95 : i32
      %dma_wait3A_97 = arith.constant 78 : i32
      %dma_wait3A_98 = arith.constant 0 : i32
      %dma_wait3A_99 = arith.constant 0 : i32
      %dma_wait3A_100 = tpu.memref_slice %arg8[%dma_wait3A_97, %dma_wait3A_98, %dma_wait3A_99] : memref<79x1x128xi32, #tpu.memory_space<vmem>> -> memref<1x1x128xi32, #tpu.memory_space<vmem>>
      %dma_wait3A_101 = tpu.memref_squeeze %dma_wait3A_100 : memref<1x1x128xi32, #tpu.memory_space<vmem>> -> memref<128xi32, #tpu.memory_space<vmem>>
      %dma_wait3A_102 = tpu.memref_slice %arg4[%mul3A_96] : memref<320000xi32, #tpu.memory_space<hbm>> -> memref<128xi32, #tpu.memory_space<hbm>>
      %dma_wait3A_103 = arith.constant 0 : i32
      %dma_wait3A_104 = tpu.memref_slice %arg8[%dma_wait3A_97, %dma_wait3A_98, %dma_wait3A_103] : memref<79x1x128xi32, #tpu.memory_space<vmem>> -> memref<1x1x128xi32, #tpu.memory_space<vmem>>
      %dma_wait3A_105 = tpu.memref_squeeze %dma_wait3A_104 : memref<1x1x128xi32, #tpu.memory_space<vmem>> -> memref<128xi32, #tpu.memory_space<vmem>>
      %dma_wait3A_106 = tpu.memref_slice %arg4[%mul3A_96] : memref<320000xi32, #tpu.memory_space<hbm>> -> memref<128xi32, #tpu.memory_space<hbm>>
      tpu.wait_dma2 semaphore(%arg15 : memref<!tpu.dma_semaphore, #tpu.memory_space<semaphore_mem>>) src(%dma_wait3A_106 : memref<128xi32, #tpu.memory_space<hbm>>) dst(%dma_wait3A_105 : memref<128xi32, #tpu.memory_space<vmem>>)
    } else {
    }
    %barrier3A = arith.constant 0 : index
    tpu.barrier barrier_id(%barrier3A)
    %dma_start3A_57 = arith.constant 0 : i32
    %dma_start3A_58 = arith.constant 0 : i32
    %dma_start3A_59 = arith.constant 0 : i32
    %dma_start3A_60 = tpu.memref_slice %arg8[%dma_start3A_57, %dma_start3A_58, %dma_start3A_59] : memref<79x1x128xi32, #tpu.memory_space<vmem>> -> memref<1x1x128xi32, #tpu.memory_space<vmem>>
    %dma_start3A_61 = tpu.memref_squeeze %dma_start3A_60 : memref<1x1x128xi32, #tpu.memory_space<vmem>> -> memref<128xi32, #tpu.memory_space<vmem>>
    %dma_start3A_62 = arith.constant 0 : i32
    %dma_start3A_63 = arith.constant 0 : i32
    %dma_start3A_64 = tpu.memref_slice %arg2[%dma_start3A_62, %dma_start3A_63] : memref<10000x128xf32, #tpu.memory_space<hbm>> -> memref<10000x128xf32, #tpu.memory_space<hbm>>
    tpu.enqueue_indirect_dma source(%dma_start3A_64 : memref<10000x128xf32, #tpu.memory_space<hbm>>) target(%arg11 : memref<128x128xf32, #tpu.memory_space<vmem>>) offsets(%dma_start3A_61 : memref<128xi32, #tpu.memory_space<vmem>>) semaphore(%arg14 : memref<!tpu.dma_semaphore, #tpu.memory_space<semaphore_mem>>)
    %mul3A_65 = arith.constant 78 : i32
    %mul3A_66 = arith.muli %add3A, %mul3A_65 : i32
    %add3A_67 = arith.constant 0 : i32
    %add3A_68 = arith.addi %mul3A_66, %add3A_67 : i32
    %add3A_69 = arith.constant 2496 : i32
    %add3A_70 = arith.addi %add3A_69, %add3A : i32
    %jit3A = arith.constant true
    %select_n3A = arith.select %jit3A, %add3A_68, %add3A_70 : i32
    %mul3A_71 = arith.constant 128 : i32
    %mul3A_72 = arith.muli %select_n3A, %mul3A_71 : i32
    %dma_start3A_73 = tpu.memref_slice %arg5[%mul3A_72] : memref<320000xi32, #tpu.memory_space<hbm>> -> memref<128xi32, #tpu.memory_space<hbm>>
    %dma_start3A_74 = tpu.memref_slice %arg5[%mul3A_72] : memref<320000xi32, #tpu.memory_space<hbm>> -> memref<128xi32, #tpu.memory_space<hbm>>
    tpu.enqueue_dma source(%dma_start3A_74 : memref<128xi32, #tpu.memory_space<hbm>>) target(%arg9 : memref<128xi32, #tpu.memory_space<vmem>>) target_semaphore(%arg14 : memref<!tpu.dma_semaphore, #tpu.memory_space<semaphore_mem>>)
    %scan3A = arith.constant 0 : i32
    %scan3A_75 = arith.constant 0 : i32
    %scan3A_76 = arith.constant 39 : i32
    %scan3A_77 = arith.addi %scan3A_75, %scan3A_76 : i32
    %scan3A_78 = arith.constant 1 : i32
    scf.for %scan3A_93 = %scan3A_75 to %scan3A_77 step %scan3A_78  : i32 {
      %mul3A_94 = arith.constant 2 : i32
      %mul3A_95 = arith.muli %mul3A_94, %scan3A_93 : i32
      %add3A_96 = arith.constant 0 : i32
      %add3A_97 = arith.addi %mul3A_95, %add3A_96 : i32
      %add3A_98 = arith.constant 1 : i32
      %add3A_99 = arith.addi %add3A_97, %add3A_98 : i32
      %gt3A_100 = arith.constant 0 : i32
      %gt3A_101 = arith.cmpi sgt, %scan3A_93, %gt3A_100 : i32
      %convert_element_type3A_102 = arith.extui %gt3A_101 : i1 to i32
      %cond3A_103 = arith.constant 0 : i32
      %cond3A_104 = arith.cmpi ne, %convert_element_type3A_102, %cond3A_103 : i32
      scf.if %cond3A_104 {
        %dma_wait3A_164 = arith.constant 0 : i32
        %dma_wait3A_165 = arith.constant 0 : i32
        %dma_wait3A_166 = tpu.memref_slice %arg13[%dma_wait3A_164, %dma_wait3A_165] : memref<10240x128xf32, #tpu.memory_space<vmem_shared>> -> memref<10240x128xf32, #tpu.memory_space<vmem_shared>>
        tpu.wait_indirect_dma semaphore(%arg17 : memref<!tpu.dma_semaphore, #tpu.memory_space<semaphore_mem>>) src(%arg12 : memref<128x128xf32, #tpu.memory_space<vmem>>) dst(%dma_wait3A_166 : memref<10240x128xf32, #tpu.memory_space<vmem_shared>>)
      } else {
      }
      %lt3A_105 = arith.constant 78 : i32
      %lt3A_106 = arith.cmpi slt, %add3A_99, %lt3A_105 : i32
      %eq3A_107 = arith.constant 78 : i32
      %eq3A_108 = arith.cmpi eq, %add3A_99, %eq3A_107 : i32
      %lt3A_109 = arith.constant 4 : i32
      %lt3A_110 = arith.cmpi slt, %add3A, %lt3A_109 : i32
      %and3A_111 = arith.andi %eq3A_108, %lt3A_110 : i1
      %or3A_112 = arith.ori %lt3A_106, %and3A_111 : i1
      %convert_element_type3A_113 = arith.extui %or3A_112 : i1 to i32
      %cond3A_114 = arith.constant 0 : i32
      %cond3A_115 = arith.cmpi ne, %convert_element_type3A_113, %cond3A_114 : i32
      scf.if %cond3A_115 {
        %dma_start3A_164 = arith.constant 0 : i32
        %dma_start3A_165 = arith.constant 0 : i32
        %dma_start3A_166 = tpu.memref_slice %arg8[%add3A_99, %dma_start3A_164, %dma_start3A_165] : memref<79x1x128xi32, #tpu.memory_space<vmem>> -> memref<1x1x128xi32, #tpu.memory_space<vmem>>
        %dma_start3A_167 = tpu.memref_squeeze %dma_start3A_166 : memref<1x1x128xi32, #tpu.memory_space<vmem>> -> memref<128xi32, #tpu.memory_space<vmem>>
        %dma_start3A_168 = arith.constant 0 : i32
        %dma_start3A_169 = arith.constant 0 : i32
        %dma_start3A_170 = tpu.memref_slice %arg2[%dma_start3A_168, %dma_start3A_169] : memref<10000x128xf32, #tpu.memory_space<hbm>> -> memref<10000x128xf32, #tpu.memory_space<hbm>>
        tpu.enqueue_indirect_dma source(%dma_start3A_170 : memref<10000x128xf32, #tpu.memory_space<hbm>>) target(%arg12 : memref<128x128xf32, #tpu.memory_space<vmem>>) offsets(%dma_start3A_167 : memref<128xi32, #tpu.memory_space<vmem>>) semaphore(%arg15 : memref<!tpu.dma_semaphore, #tpu.memory_space<semaphore_mem>>)
        %lt3A_171 = arith.constant 78 : i32
        %lt3A_172 = arith.cmpi slt, %add3A_99, %lt3A_171 : i32
        %mul3A_173 = arith.constant 78 : i32
        %mul3A_174 = arith.muli %add3A, %mul3A_173 : i32
        %add3A_175 = arith.addi %mul3A_174, %add3A_99 : i32
        %add3A_176 = arith.constant 2496 : i32
        %add3A_177 = arith.addi %add3A_176, %add3A : i32
        %select_n3A_178 = arith.select %lt3A_172, %add3A_175, %add3A_177 : i32
        %mul3A_179 = arith.constant 128 : i32
        %mul3A_180 = arith.muli %select_n3A_178, %mul3A_179 : i32
        %dma_start3A_181 = tpu.memref_slice %arg5[%mul3A_180] : memref<320000xi32, #tpu.memory_space<hbm>> -> memref<128xi32, #tpu.memory_space<hbm>>
        %dma_start3A_182 = tpu.memref_slice %arg5[%mul3A_180] : memref<320000xi32, #tpu.memory_space<hbm>> -> memref<128xi32, #tpu.memory_space<hbm>>
        tpu.enqueue_dma source(%dma_start3A_182 : memref<128xi32, #tpu.memory_space<hbm>>) target(%arg10 : memref<128xi32, #tpu.memory_space<vmem>>) target_semaphore(%arg15 : memref<!tpu.dma_semaphore, #tpu.memory_space<semaphore_mem>>)
      } else {
      }
      %dma_wait3A_116 = arith.constant 0 : i32
      %dma_wait3A_117 = arith.constant 0 : i32
      %dma_wait3A_118 = tpu.memref_slice %arg8[%add3A_97, %dma_wait3A_116, %dma_wait3A_117] : memref<79x1x128xi32, #tpu.memory_space<vmem>> -> memref<1x1x128xi32, #tpu.memory_space<vmem>>
      %dma_wait3A_119 = tpu.memref_squeeze %dma_wait3A_118 : memref<1x1x128xi32, #tpu.memory_space<vmem>> -> memref<128xi32, #tpu.memory_space<vmem>>
      %dma_wait3A_120 = arith.constant 0 : i32
      %dma_wait3A_121 = arith.constant 0 : i32
      %dma_wait3A_122 = tpu.memref_slice %arg2[%dma_wait3A_120, %dma_wait3A_121] : memref<10000x128xf32, #tpu.memory_space<hbm>> -> memref<10000x128xf32, #tpu.memory_space<hbm>>
      tpu.wait_indirect_dma semaphore(%arg14 : memref<!tpu.dma_semaphore, #tpu.memory_space<semaphore_mem>>) src(%dma_wait3A_122 : memref<10000x128xf32, #tpu.memory_space<hbm>>) dst(%arg11 : memref<128x128xf32, #tpu.memory_space<vmem>>)
      %dma_wait3A_123 = arith.constant 0 : i32
      %dma_wait3A_124 = tpu.memref_slice %arg5[%dma_wait3A_123] : memref<320000xi32, #tpu.memory_space<hbm>> -> memref<128xi32, #tpu.memory_space<hbm>>
      %dma_wait3A_125 = arith.constant 0 : i32
      %dma_wait3A_126 = tpu.memref_slice %arg5[%dma_wait3A_125] : memref<320000xi32, #tpu.memory_space<hbm>> -> memref<128xi32, #tpu.memory_space<hbm>>
      tpu.wait_dma2 semaphore(%arg14 : memref<!tpu.dma_semaphore, #tpu.memory_space<semaphore_mem>>) src(%dma_wait3A_126 : memref<128xi32, #tpu.memory_space<hbm>>) dst(%arg9 : memref<128xi32, #tpu.memory_space<vmem>>)
      %dma_start3A_127 = arith.constant 0 : i32
      %dma_start3A_128 = arith.constant 0 : i32
      %dma_start3A_129 = tpu.memref_slice %arg13[%dma_start3A_127, %dma_start3A_128] : memref<10240x128xf32, #tpu.memory_space<vmem_shared>> -> memref<10240x128xf32, #tpu.memory_space<vmem_shared>>
      tpu.enqueue_indirect_dma source(%arg11 : memref<128x128xf32, #tpu.memory_space<vmem>>) target(%dma_start3A_129 : memref<10240x128xf32, #tpu.memory_space<vmem_shared>>) offsets(%arg9 : memref<128xi32, #tpu.memory_space<vmem>>) semaphore(%arg16 : memref<!tpu.dma_semaphore, #tpu.memory_space<semaphore_mem>>) {add = true}
      %mul3A_130 = arith.constant 2 : i32
      %mul3A_131 = arith.muli %mul3A_130, %scan3A_93 : i32
      %add3A_132 = arith.constant 1 : i32
      %add3A_133 = arith.addi %mul3A_131, %add3A_132 : i32
      %add3A_134 = arith.constant 1 : i32
      %add3A_135 = arith.addi %add3A_133, %add3A_134 : i32
      %dma_wait3A_136 = arith.constant 0 : i32
      %dma_wait3A_137 = arith.constant 0 : i32
      %dma_wait3A_138 = tpu.memref_slice %arg13[%dma_wait3A_136, %dma_wait3A_137] : memref<10240x128xf32, #tpu.memory_space<vmem_shared>> -> memref<10240x128xf32, #tpu.memory_space<vmem_shared>>
      tpu.wait_indirect_dma semaphore(%arg16 : memref<!tpu.dma_semaphore, #tpu.memory_space<semaphore_mem>>) src(%arg11 : memref<128x128xf32, #tpu.memory_space<vmem>>) dst(%dma_wait3A_138 : memref<10240x128xf32, #tpu.memory_space<vmem_shared>>)
      %lt3A_139 = arith.constant 78 : i32
      %lt3A_140 = arith.cmpi slt, %add3A_135, %lt3A_139 : i32
      %eq3A_141 = arith.constant 78 : i32
      %eq3A_142 = arith.cmpi eq, %add3A_135, %eq3A_141 : i32
      %lt3A_143 = arith.constant 4 : i32
      %lt3A_144 = arith.cmpi slt, %add3A, %lt3A_143 : i32
      %and3A_145 = arith.andi %eq3A_142, %lt3A_144 : i1
      %or3A_146 = arith.ori %lt3A_140, %and3A_145 : i1
      %convert_element_type3A_147 = arith.extui %or3A_146 : i1 to i32
      %cond3A_148 = arith.constant 0 : i32
      %cond3A_149 = arith.cmpi ne, %convert_element_type3A_147, %cond3A_148 : i32
      scf.if %cond3A_149 {
        %dma_start3A_164 = arith.constant 0 : i32
        %dma_start3A_165 = arith.constant 0 : i32
        %dma_start3A_166 = tpu.memref_slice %arg8[%add3A_135, %dma_start3A_164, %dma_start3A_165] : memref<79x1x128xi32, #tpu.memory_space<vmem>> -> memref<1x1x128xi32, #tpu.memory_space<vmem>>
        %dma_start3A_167 = tpu.memref_squeeze %dma_start3A_166 : memref<1x1x128xi32, #tpu.memory_space<vmem>> -> memref<128xi32, #tpu.memory_space<vmem>>
        %dma_start3A_168 = arith.constant 0 : i32
        %dma_start3A_169 = arith.constant 0 : i32
        %dma_start3A_170 = tpu.memref_slice %arg2[%dma_start3A_168, %dma_start3A_169] : memref<10000x128xf32, #tpu.memory_space<hbm>> -> memref<10000x128xf32, #tpu.memory_space<hbm>>
        tpu.enqueue_indirect_dma source(%dma_start3A_170 : memref<10000x128xf32, #tpu.memory_space<hbm>>) target(%arg11 : memref<128x128xf32, #tpu.memory_space<vmem>>) offsets(%dma_start3A_167 : memref<128xi32, #tpu.memory_space<vmem>>) semaphore(%arg14 : memref<!tpu.dma_semaphore, #tpu.memory_space<semaphore_mem>>)
        %lt3A_171 = arith.constant 78 : i32
        %lt3A_172 = arith.cmpi slt, %add3A_135, %lt3A_171 : i32
        %mul3A_173 = arith.constant 78 : i32
        %mul3A_174 = arith.muli %add3A, %mul3A_173 : i32
        %add3A_175 = arith.addi %mul3A_174, %add3A_135 : i32
        %add3A_176 = arith.constant 2496 : i32
        %add3A_177 = arith.addi %add3A_176, %add3A : i32
        %select_n3A_178 = arith.select %lt3A_172, %add3A_175, %add3A_177 : i32
        %mul3A_179 = arith.constant 128 : i32
        %mul3A_180 = arith.muli %select_n3A_178, %mul3A_179 : i32
        %dma_start3A_181 = tpu.memref_slice %arg5[%mul3A_180] : memref<320000xi32, #tpu.memory_space<hbm>> -> memref<128xi32, #tpu.memory_space<hbm>>
        %dma_start3A_182 = tpu.memref_slice %arg5[%mul3A_180] : memref<320000xi32, #tpu.memory_space<hbm>> -> memref<128xi32, #tpu.memory_space<hbm>>
        tpu.enqueue_dma source(%dma_start3A_182 : memref<128xi32, #tpu.memory_space<hbm>>) target(%arg9 : memref<128xi32, #tpu.memory_space<vmem>>) target_semaphore(%arg14 : memref<!tpu.dma_semaphore, #tpu.memory_space<semaphore_mem>>)
      } else {
      }
      %dma_wait3A_150 = arith.constant 0 : i32
      %dma_wait3A_151 = arith.constant 0 : i32
      %dma_wait3A_152 = tpu.memref_slice %arg8[%add3A_133, %dma_wait3A_150, %dma_wait3A_151] : memref<79x1x128xi32, #tpu.memory_space<vmem>> -> memref<1x1x128xi32, #tpu.memory_space<vmem>>
      %dma_wait3A_153 = tpu.memref_squeeze %dma_wait3A_152 : memref<1x1x128xi32, #tpu.memory_space<vmem>> -> memref<128xi32, #tpu.memory_space<vmem>>
      %dma_wait3A_154 = arith.constant 0 : i32
      %dma_wait3A_155 = arith.constant 0 : i32
      %dma_wait3A_156 = tpu.memref_slice %arg2[%dma_wait3A_154, %dma_wait3A_155] : memref<10000x128xf32, #tpu.memory_space<hbm>> -> memref<10000x128xf32, #tpu.memory_space<hbm>>
      tpu.wait_indirect_dma semaphore(%arg15 : memref<!tpu.dma_semaphore, #tpu.memory_space<semaphore_mem>>) src(%dma_wait3A_156 : memref<10000x128xf32, #tpu.memory_space<hbm>>) dst(%arg12 : memref<128x128xf32, #tpu.memory_space<vmem>>)
      %dma_wait3A_157 = arith.constant 0 : i32
      %dma_wait3A_158 = tpu.memref_slice %arg5[%dma_wait3A_157] : memref<320000xi32, #tpu.memory_space<hbm>> -> memref<128xi32, #tpu.memory_space<hbm>>
      %dma_wait3A_159 = arith.constant 0 : i32
      %dma_wait3A_160 = tpu.memref_slice %arg5[%dma_wait3A_159] : memref<320000xi32, #tpu.memory_space<hbm>> -> memref<128xi32, #tpu.memory_space<hbm>>
      tpu.wait_dma2 semaphore(%arg15 : memref<!tpu.dma_semaphore, #tpu.memory_space<semaphore_mem>>) src(%dma_wait3A_160 : memref<128xi32, #tpu.memory_space<hbm>>) dst(%arg10 : memref<128xi32, #tpu.memory_space<vmem>>)
      %dma_start3A_161 = arith.constant 0 : i32
      %dma_start3A_162 = arith.constant 0 : i32
      %dma_start3A_163 = tpu.memref_slice %arg13[%dma_start3A_161, %dma_start3A_162] : memref<10240x128xf32, #tpu.memory_space<vmem_shared>> -> memref<10240x128xf32, #tpu.memory_space<vmem_shared>>
      tpu.enqueue_indirect_dma source(%arg12 : memref<128x128xf32, #tpu.memory_space<vmem>>) target(%dma_start3A_163 : memref<10240x128xf32, #tpu.memory_space<vmem_shared>>) offsets(%arg10 : memref<128xi32, #tpu.memory_space<vmem>>) semaphore(%arg17 : memref<!tpu.dma_semaphore, #tpu.memory_space<semaphore_mem>>) {add = true}
    }
    %scan3A_79 = arith.constant 39 : i32
    %lt3A_80 = arith.constant 4 : i32
    %lt3A_81 = arith.cmpi slt, %add3A, %lt3A_80 : i32
    %convert_element_type3A_82 = arith.extui %lt3A_81 : i1 to i32
    %cond3A_83 = arith.constant 0 : i32
    %cond3A_84 = arith.cmpi ne, %convert_element_type3A_82, %cond3A_83 : i32
    scf.if %cond3A_84 {
      %dma_wait3A_93 = arith.constant 78 : i32
      %dma_wait3A_94 = arith.constant 0 : i32
      %dma_wait3A_95 = arith.constant 0 : i32
      %dma_wait3A_96 = tpu.memref_slice %arg8[%dma_wait3A_93, %dma_wait3A_94, %dma_wait3A_95] : memref<79x1x128xi32, #tpu.memory_space<vmem>> -> memref<1x1x128xi32, #tpu.memory_space<vmem>>
      %dma_wait3A_97 = tpu.memref_squeeze %dma_wait3A_96 : memref<1x1x128xi32, #tpu.memory_space<vmem>> -> memref<128xi32, #tpu.memory_space<vmem>>
      %dma_wait3A_98 = arith.constant 0 : i32
      %dma_wait3A_99 = arith.constant 0 : i32
      %dma_wait3A_100 = tpu.memref_slice %arg2[%dma_wait3A_98, %dma_wait3A_99] : memref<10000x128xf32, #tpu.memory_space<hbm>> -> memref<10000x128xf32, #tpu.memory_space<hbm>>
      tpu.wait_indirect_dma semaphore(%arg14 : memref<!tpu.dma_semaphore, #tpu.memory_space<semaphore_mem>>) src(%dma_wait3A_100 : memref<10000x128xf32, #tpu.memory_space<hbm>>) dst(%arg11 : memref<128x128xf32, #tpu.memory_space<vmem>>)
      %dma_wait3A_101 = arith.constant 0 : i32
      %dma_wait3A_102 = tpu.memref_slice %arg5[%dma_wait3A_101] : memref<320000xi32, #tpu.memory_space<hbm>> -> memref<128xi32, #tpu.memory_space<hbm>>
      %dma_wait3A_103 = arith.constant 0 : i32
      %dma_wait3A_104 = tpu.memref_slice %arg5[%dma_wait3A_103] : memref<320000xi32, #tpu.memory_space<hbm>> -> memref<128xi32, #tpu.memory_space<hbm>>
      tpu.wait_dma2 semaphore(%arg14 : memref<!tpu.dma_semaphore, #tpu.memory_space<semaphore_mem>>) src(%dma_wait3A_104 : memref<128xi32, #tpu.memory_space<hbm>>) dst(%arg9 : memref<128xi32, #tpu.memory_space<vmem>>)
      %dma_start3A_105 = arith.constant 0 : i32
      %dma_start3A_106 = arith.constant 0 : i32
      %dma_start3A_107 = tpu.memref_slice %arg13[%dma_start3A_105, %dma_start3A_106] : memref<10240x128xf32, #tpu.memory_space<vmem_shared>> -> memref<10240x128xf32, #tpu.memory_space<vmem_shared>>
      tpu.enqueue_indirect_dma source(%arg11 : memref<128x128xf32, #tpu.memory_space<vmem>>) target(%dma_start3A_107 : memref<10240x128xf32, #tpu.memory_space<vmem_shared>>) offsets(%arg9 : memref<128xi32, #tpu.memory_space<vmem>>) semaphore(%arg16 : memref<!tpu.dma_semaphore, #tpu.memory_space<semaphore_mem>>) {add = true}
      %dma_wait3A_108 = arith.constant 0 : i32
      %dma_wait3A_109 = arith.constant 0 : i32
      %dma_wait3A_110 = tpu.memref_slice %arg13[%dma_wait3A_108, %dma_wait3A_109] : memref<10240x128xf32, #tpu.memory_space<vmem_shared>> -> memref<10240x128xf32, #tpu.memory_space<vmem_shared>>
      tpu.wait_indirect_dma semaphore(%arg16 : memref<!tpu.dma_semaphore, #tpu.memory_space<semaphore_mem>>) src(%arg11 : memref<128x128xf32, #tpu.memory_space<vmem>>) dst(%dma_wait3A_110 : memref<10240x128xf32, #tpu.memory_space<vmem_shared>>)
    } else {
    }
    %dma_wait3A_85 = arith.constant 0 : i32
    %dma_wait3A_86 = arith.constant 0 : i32
    %dma_wait3A_87 = tpu.memref_slice %arg13[%dma_wait3A_85, %dma_wait3A_86] : memref<10240x128xf32, #tpu.memory_space<vmem_shared>> -> memref<10240x128xf32, #tpu.memory_space<vmem_shared>>
    tpu.wait_indirect_dma semaphore(%arg17 : memref<!tpu.dma_semaphore, #tpu.memory_space<semaphore_mem>>) src(%arg12 : memref<128x128xf32, #tpu.memory_space<vmem>>) dst(%dma_wait3A_87 : memref<10240x128xf32, #tpu.memory_space<vmem_shared>>)
    %barrier3A_88 = arith.constant 0 : index
    tpu.barrier barrier_id(%barrier3A_88)
    %mul3A_89 = arith.constant 640 : i32
    %mul3A_90 = arith.muli %arg1, %mul3A_89 : i32
    %mul3A_91 = arith.constant 640 : i32
    %mul3A_92 = arith.muli %arg1, %mul3A_91 : i32
    "tpu.region"() ({
      %run_scoped3A = tpu.sem_alloc : memref<!tpu.dma_semaphore, #tpu.memory_space<semaphore_mem>>
      %dma_start3A_93 = arith.constant 0 : i32
      %dma_start3A_94 = tpu.memref_slice %arg7[%arg0, %mul3A_92, %dma_start3A_93] : memref<2x10240x128xf32, #tpu.memory_space<hbm>> -> memref<1x640x128xf32, #tpu.memory_space<hbm>>
      %dma_start3A_95 = tpu.memref_squeeze %dma_start3A_94 : memref<1x640x128xf32, #tpu.memory_space<hbm>> -> memref<640x128xf32, #tpu.memory_space<hbm>>
      %dma_start3A_96 = arith.constant 0 : i32
      %dma_start3A_97 = tpu.memref_slice %arg13[%mul3A_90, %dma_start3A_96] : memref<10240x128xf32, #tpu.memory_space<vmem_shared>> -> memref<640x128xf32, #tpu.memory_space<vmem_shared>>
      tpu.enqueue_dma source(%dma_start3A_97 : memref<640x128xf32, #tpu.memory_space<vmem_shared>>) target(%dma_start3A_95 : memref<640x128xf32, #tpu.memory_space<hbm>>) target_semaphore(%run_scoped3A : memref<!tpu.dma_semaphore, #tpu.memory_space<semaphore_mem>>)
      %dma_wait3A_98 = arith.constant 0 : i32
      %dma_wait3A_99 = tpu.memref_slice %arg7[%arg0, %mul3A_92, %dma_wait3A_98] : memref<2x10240x128xf32, #tpu.memory_space<hbm>> -> memref<1x640x128xf32, #tpu.memory_space<hbm>>
      %dma_wait3A_100 = tpu.memref_squeeze %dma_wait3A_99 : memref<1x640x128xf32, #tpu.memory_space<hbm>> -> memref<640x128xf32, #tpu.memory_space<hbm>>
      %dma_wait3A_101 = arith.constant 0 : i32
      %dma_wait3A_102 = tpu.memref_slice %arg13[%mul3A_90, %dma_wait3A_101] : memref<10240x128xf32, #tpu.memory_space<vmem_shared>> -> memref<640x128xf32, #tpu.memory_space<vmem_shared>>
      tpu.wait_dma2 semaphore(%run_scoped3A : memref<!tpu.dma_semaphore, #tpu.memory_space<semaphore_mem>>) src(%dma_wait3A_102 : memref<640x128xf32, #tpu.memory_space<vmem_shared>>) dst(%dma_wait3A_100 : memref<640x128xf32, #tpu.memory_space<hbm>>)
      tpu.yield
    }) : () -> ()
    return
  }
}

#map = affine_map<(d0, d1) -> (0, 0)>
#map1 = affine_map<(d0, d1) -> (0, 0, 0)>
#map2 = affine_map<(d0, d1) -> (0)>
module attributes {stable_mosaic.version = 14 : i64} {
  func.func @_agg_body(%arg0: i32, %arg1: i32, %arg2: memref<10000x128xf32, #tpu.memory_space<hbm>>, %arg3: memref<2500x1x128xi32, #tpu.memory_space<hbm>>, %arg4: memref<320000xi32, #tpu.memory_space<hbm>>, %arg5: memref<320000xi32, #tpu.memory_space<hbm>>, %arg6: memref<640x128xf32, #tpu.memory_space<hbm>>, %arg7: memref<2x10240x128xf32, #tpu.memory_space<hbm>>, %arg8: memref<79x1x128xi32, #tpu.memory_space<vmem>>, %arg9: memref<128xi32, #tpu.memory_space<vmem>>, %arg10: memref<128xi32, #tpu.memory_space<vmem>>, %arg11: memref<128x128xf32, #tpu.memory_space<vmem>>, %arg12: memref<128x128xf32, #tpu.memory_space<vmem>>, %arg13: memref<10240x128xf32, #tpu.memory_space<vmem_shared>>, %arg14: memref<!tpu.dma_semaphore, #tpu.memory_space<semaphore_mem>>, %arg15: memref<!tpu.dma_semaphore, #tpu.memory_space<semaphore_mem>>, %arg16: memref<!tpu.dma_semaphore, #tpu.memory_space<semaphore_mem>>, %arg17: memref<!tpu.dma_semaphore, #tpu.memory_space<semaphore_mem>>) attributes {dimension_semantics = [#tpu.dimension_semantics<core_parallel>, #tpu.dimension_semantics<subcore_parallel>], iteration_bounds = array<i64: 2, 16>, scalar_prefetch = 0 : i64, scratch_operands = 10 : i64, tpu.core_type = #tpu.core_type<sc_vector_subcore>, window_params = [{transform_indices = #map}, {transform_indices = #map1}, {transform_indices = #map2}, {transform_indices = #map2}, {transform_indices = #map}, {transform_indices = #map1}]} {
    %mul3A = arith.constant 2 : i32
    %mul3A_0 = arith.muli %arg1, %mul3A : i32
    %add3A = arith.addi %mul3A_0, %arg0 : i32
    %mul3A_1 = arith.constant 78 : i32
    %mul3A_2 = arith.muli %add3A, %mul3A_1 : i32
    %dma_start3A = arith.constant 0 : i32
    %dma_start3A_3 = arith.constant 0 : i32
    %dma_start3A_4 = arith.constant 0 : i32
    %dma_start3A_5 = tpu.memref_slice %arg8[%dma_start3A, %dma_start3A_3, %dma_start3A_4] : memref<79x1x128xi32, #tpu.memory_space<vmem>> -> memref<78x1x128xi32, #tpu.memory_space<vmem>>
    %dma_start3A_6 = arith.constant 0 : i32
    %dma_start3A_7 = arith.constant 0 : i32
    %dma_start3A_8 = tpu.memref_slice %arg3[%mul3A_2, %dma_start3A_6, %dma_start3A_7] : memref<2500x1x128xi32, #tpu.memory_space<hbm>> -> memref<78x1x128xi32, #tpu.memory_space<hbm>>
    %dma_start3A_9 = arith.constant 0 : i32
    %dma_start3A_10 = arith.constant 0 : i32
    %dma_start3A_11 = arith.constant 0 : i32
    %dma_start3A_12 = tpu.memref_slice %arg8[%dma_start3A_9, %dma_start3A_10, %dma_start3A_11] : memref<79x1x128xi32, #tpu.memory_space<vmem>> -> memref<78x1x128xi32, #tpu.memory_space<vmem>>
    %dma_start3A_13 = arith.constant 0 : i32
    %dma_start3A_14 = arith.constant 0 : i32
    %dma_start3A_15 = tpu.memref_slice %arg3[%mul3A_2, %dma_start3A_13, %dma_start3A_14] : memref<2500x1x128xi32, #tpu.memory_space<hbm>> -> memref<78x1x128xi32, #tpu.memory_space<hbm>>
    tpu.enqueue_dma source(%dma_start3A_15 : memref<78x1x128xi32, #tpu.memory_space<hbm>>) target(%dma_start3A_12 : memref<78x1x128xi32, #tpu.memory_space<vmem>>) target_semaphore(%arg15 : memref<!tpu.dma_semaphore, #tpu.memory_space<semaphore_mem>>)
    %lt3A = arith.constant 4 : i32
    %lt3A_16 = arith.cmpi slt, %add3A, %lt3A : i32
    %convert_element_type3A = arith.extui %lt3A_16 : i1 to i32
    %cond3A = arith.constant 0 : i32
    %cond3A_17 = arith.cmpi ne, %convert_element_type3A, %cond3A : i32
    scf.if %cond3A_17 {
      %add3A_93 = arith.constant 2496 : i32
      %add3A_94 = arith.addi %add3A_93, %add3A : i32
      %mul3A_95 = arith.constant 128 : i32
      %mul3A_96 = arith.muli %add3A_94, %mul3A_95 : i32
      %dma_start3A_97 = arith.constant 78 : i32
      %dma_start3A_98 = arith.constant 0 : i32
      %dma_start3A_99 = arith.constant 0 : i32
      %dma_start3A_100 = tpu.memref_slice %arg8[%dma_start3A_97, %dma_start3A_98, %dma_start3A_99] : memref<79x1x128xi32, #tpu.memory_space<vmem>> -> memref<1x1x128xi32, #tpu.memory_space<vmem>>
      %dma_start3A_101 = tpu.memref_squeeze %dma_start3A_100 : memref<1x1x128xi32, #tpu.memory_space<vmem>> -> memref<128xi32, #tpu.memory_space<vmem>>
      %dma_start3A_102 = tpu.memref_slice %arg4[%mul3A_96] : memref<320000xi32, #tpu.memory_space<hbm>> -> memref<128xi32, #tpu.memory_space<hbm>>
      %dma_start3A_103 = arith.constant 0 : i32
      %dma_start3A_104 = tpu.memref_slice %arg8[%dma_start3A_97, %dma_start3A_98, %dma_start3A_103] : memref<79x1x128xi32, #tpu.memory_space<vmem>> -> memref<1x1x128xi32, #tpu.memory_space<vmem>>
      %dma_start3A_105 = tpu.memref_squeeze %dma_start3A_104 : memref<1x1x128xi32, #tpu.memory_space<vmem>> -> memref<128xi32, #tpu.memory_space<vmem>>
      %dma_start3A_106 = tpu.memref_slice %arg4[%mul3A_96] : memref<320000xi32, #tpu.memory_space<hbm>> -> memref<128xi32, #tpu.memory_space<hbm>>
      tpu.enqueue_dma source(%dma_start3A_106 : memref<128xi32, #tpu.memory_space<hbm>>) target(%dma_start3A_105 : memref<128xi32, #tpu.memory_space<vmem>>) target_semaphore(%arg15 : memref<!tpu.dma_semaphore, #tpu.memory_space<semaphore_mem>>)
    } else {
    }
    %eq3A = arith.constant 0 : i32
    %eq3A_18 = arith.cmpi eq, %arg0, %eq3A : i32
    %lt3A_19 = arith.constant 15 : i32
    %lt3A_20 = arith.cmpi slt, %arg1, %lt3A_19 : i32
    %and3A = arith.andi %eq3A_18, %lt3A_20 : i1
    %convert_element_type3A_21 = arith.extui %and3A : i1 to i32
    %cond3A_22 = arith.constant 0 : i32
    %cond3A_23 = arith.cmpi ne, %convert_element_type3A_21, %cond3A_22 : i32
    scf.if %cond3A_23 {
      %mul3A_93 = arith.constant 640 : i32
      %mul3A_94 = arith.muli %arg1, %mul3A_93 : i32
      %mul3A_95 = arith.constant 640 : i32
      %mul3A_96 = arith.muli %arg1, %mul3A_95 : i32
      "tpu.region"() ({
        %run_scoped3A = tpu.sem_alloc : memref<!tpu.dma_semaphore, #tpu.memory_space<semaphore_mem>>
        %dma_start3A_97 = arith.constant 0 : i32
        %dma_start3A_98 = tpu.memref_slice %arg13[%mul3A_96, %dma_start3A_97] : memref<10240x128xf32, #tpu.memory_space<vmem_shared>> -> memref<640x128xf32, #tpu.memory_space<vmem_shared>>
        %dma_start3A_99 = arith.constant 0 : i32
        %dma_start3A_100 = tpu.memref_slice %arg2[%mul3A_94, %dma_start3A_99] : memref<10000x128xf32, #tpu.memory_space<hbm>> -> memref<640x128xf32, #tpu.memory_space<hbm>>
        tpu.enqueue_dma source(%dma_start3A_100 : memref<640x128xf32, #tpu.memory_space<hbm>>) target(%dma_start3A_98 : memref<640x128xf32, #tpu.memory_space<vmem_shared>>) target_semaphore(%run_scoped3A : memref<!tpu.dma_semaphore, #tpu.memory_space<semaphore_mem>>)
        %dma_wait3A_101 = arith.constant 0 : i32
        %dma_wait3A_102 = tpu.memref_slice %arg13[%mul3A_96, %dma_wait3A_101] : memref<10240x128xf32, #tpu.memory_space<vmem_shared>> -> memref<640x128xf32, #tpu.memory_space<vmem_shared>>
        %dma_wait3A_103 = arith.constant 0 : i32
        %dma_wait3A_104 = tpu.memref_slice %arg2[%mul3A_94, %dma_wait3A_103] : memref<10000x128xf32, #tpu.memory_space<hbm>> -> memref<640x128xf32, #tpu.memory_space<hbm>>
        tpu.wait_dma2 semaphore(%run_scoped3A : memref<!tpu.dma_semaphore, #tpu.memory_space<semaphore_mem>>) src(%dma_wait3A_104 : memref<640x128xf32, #tpu.memory_space<hbm>>) dst(%dma_wait3A_102 : memref<640x128xf32, #tpu.memory_space<vmem_shared>>)
        tpu.yield
      }) : () -> ()
    } else {
    }
    %eq3A_24 = arith.constant 0 : i32
    %eq3A_25 = arith.cmpi eq, %arg0, %eq3A_24 : i32
    %eq3A_26 = arith.constant 15 : i32
    %eq3A_27 = arith.cmpi eq, %arg1, %eq3A_26 : i32
    %and3A_28 = arith.andi %eq3A_25, %eq3A_27 : i1
    %convert_element_type3A_29 = arith.extui %and3A_28 : i1 to i32
    %cond3A_30 = arith.constant 0 : i32
    %cond3A_31 = arith.cmpi ne, %convert_element_type3A_29, %cond3A_30 : i32
    scf.if %cond3A_31 {
      "tpu.region"() ({
        %run_scoped3A = tpu.sem_alloc : memref<!tpu.dma_semaphore, #tpu.memory_space<semaphore_mem>>
        %dma_start3A_93 = arith.constant 9600 : i32
        %dma_start3A_94 = arith.constant 0 : i32
        %dma_start3A_95 = tpu.memref_slice %arg13[%dma_start3A_93, %dma_start3A_94] : memref<10240x128xf32, #tpu.memory_space<vmem_shared>> -> memref<400x128xf32, #tpu.memory_space<vmem_shared>>
        %dma_start3A_96 = arith.constant 9600 : i32
        %dma_start3A_97 = arith.constant 0 : i32
        %dma_start3A_98 = tpu.memref_slice %arg2[%dma_start3A_96, %dma_start3A_97] : memref<10000x128xf32, #tpu.memory_space<hbm>> -> memref<400x128xf32, #tpu.memory_space<hbm>>
        tpu.enqueue_dma source(%dma_start3A_98 : memref<400x128xf32, #tpu.memory_space<hbm>>) target(%dma_start3A_95 : memref<400x128xf32, #tpu.memory_space<vmem_shared>>) target_semaphore(%run_scoped3A : memref<!tpu.dma_semaphore, #tpu.memory_space<semaphore_mem>>)
        %dma_wait3A_99 = arith.constant 9600 : i32
        %dma_wait3A_100 = arith.constant 0 : i32
        %dma_wait3A_101 = tpu.memref_slice %arg13[%dma_wait3A_99, %dma_wait3A_100] : memref<10240x128xf32, #tpu.memory_space<vmem_shared>> -> memref<400x128xf32, #tpu.memory_space<vmem_shared>>
        %dma_wait3A_102 = arith.constant 9600 : i32
        %dma_wait3A_103 = arith.constant 0 : i32
        %dma_wait3A_104 = tpu.memref_slice %arg2[%dma_wait3A_102, %dma_wait3A_103] : memref<10000x128xf32, #tpu.memory_space<hbm>> -> memref<400x128xf32, #tpu.memory_space<hbm>>
        tpu.wait_dma2 semaphore(%run_scoped3A : memref<!tpu.dma_semaphore, #tpu.memory_space<semaphore_mem>>) src(%dma_wait3A_104 : memref<400x128xf32, #tpu.memory_space<hbm>>) dst(%dma_wait3A_101 : memref<400x128xf32, #tpu.memory_space<vmem_shared>>)
        tpu.yield
      }) : () -> ()
      "tpu.region"() ({
        %run_scoped3A = tpu.sem_alloc : memref<!tpu.dma_semaphore, #tpu.memory_space<semaphore_mem>>
        %dma_start3A_93 = arith.constant 10000 : i32
        %dma_start3A_94 = arith.constant 0 : i32
        %dma_start3A_95 = tpu.memref_slice %arg13[%dma_start3A_93, %dma_start3A_94] : memref<10240x128xf32, #tpu.memory_space<vmem_shared>> -> memref<240x128xf32, #tpu.memory_space<vmem_shared>>
        %dma_start3A_96 = arith.constant 0 : i32
        %dma_start3A_97 = arith.constant 0 : i32
        %dma_start3A_98 = tpu.memref_slice %arg6[%dma_start3A_96, %dma_start3A_97] : memref<640x128xf32, #tpu.memory_space<hbm>> -> memref<240x128xf32, #tpu.memory_space<hbm>>
        tpu.enqueue_dma source(%dma_start3A_98 : memref<240x128xf32, #tpu.memory_space<hbm>>) target(%dma_start3A_95 : memref<240x128xf32, #tpu.memory_space<vmem_shared>>) target_semaphore(%run_scoped3A : memref<!tpu.dma_semaphore, #tpu.memory_space<semaphore_mem>>)
        %dma_wait3A_99 = arith.constant 10000 : i32
        %dma_wait3A_100 = arith.constant 0 : i32
        %dma_wait3A_101 = tpu.memref_slice %arg13[%dma_wait3A_99, %dma_wait3A_100] : memref<10240x128xf32, #tpu.memory_space<vmem_shared>> -> memref<240x128xf32, #tpu.memory_space<vmem_shared>>
        %dma_wait3A_102 = arith.constant 0 : i32
        %dma_wait3A_103 = arith.constant 0 : i32
        %dma_wait3A_104 = tpu.memref_slice %arg6[%dma_wait3A_102, %dma_wait3A_103] : memref<640x128xf32, #tpu.memory_space<hbm>> -> memref<240x128xf32, #tpu.memory_space<hbm>>
        tpu.wait_dma2 semaphore(%run_scoped3A : memref<!tpu.dma_semaphore, #tpu.memory_space<semaphore_mem>>) src(%dma_wait3A_104 : memref<240x128xf32, #tpu.memory_space<hbm>>) dst(%dma_wait3A_101 : memref<240x128xf32, #tpu.memory_space<vmem_shared>>)
        tpu.yield
      }) : () -> ()
    } else {
    }
    %ne3A = arith.constant 0 : i32
    %ne3A_32 = arith.cmpi ne, %arg0, %ne3A : i32
    %gt3A = arith.constant 15 : i32
    %gt3A_33 = arith.cmpi sgt, %arg1, %gt3A : i32
    %or3A = arith.ori %ne3A_32, %gt3A_33 : i1
    %convert_element_type3A_34 = arith.extui %or3A : i1 to i32
    %cond3A_35 = arith.constant 0 : i32
    %cond3A_36 = arith.cmpi ne, %convert_element_type3A_34, %cond3A_35 : i32
    scf.if %cond3A_36 {
      %mul3A_93 = arith.constant 640 : i32
      %mul3A_94 = arith.muli %arg1, %mul3A_93 : i32
      "tpu.region"() ({
        %run_scoped3A = tpu.sem_alloc : memref<!tpu.dma_semaphore, #tpu.memory_space<semaphore_mem>>
        %dma_start3A_95 = arith.constant 0 : i32
        %dma_start3A_96 = tpu.memref_slice %arg13[%mul3A_94, %dma_start3A_95] : memref<10240x128xf32, #tpu.memory_space<vmem_shared>> -> memref<640x128xf32, #tpu.memory_space<vmem_shared>>
        tpu.enqueue_dma source(%arg6 : memref<640x128xf32, #tpu.memory_space<hbm>>) target(%dma_start3A_96 : memref<640x128xf32, #tpu.memory_space<vmem_shared>>) target_semaphore(%run_scoped3A : memref<!tpu.dma_semaphore, #tpu.memory_space<semaphore_mem>>)
        %dma_wait3A_97 = arith.constant 0 : i32
        %dma_wait3A_98 = tpu.memref_slice %arg13[%mul3A_94, %dma_wait3A_97] : memref<10240x128xf32, #tpu.memory_space<vmem_shared>> -> memref<640x128xf32, #tpu.memory_space<vmem_shared>>
        tpu.wait_dma2 semaphore(%run_scoped3A : memref<!tpu.dma_semaphore, #tpu.memory_space<semaphore_mem>>) src(%arg6 : memref<640x128xf32, #tpu.memory_space<hbm>>) dst(%dma_wait3A_98 : memref<640x128xf32, #tpu.memory_space<vmem_shared>>)
        tpu.yield
      }) : () -> ()
    } else {
    }
    %mul3A_37 = arith.constant 78 : i32
    %mul3A_38 = arith.muli %add3A, %mul3A_37 : i32
    %dma_wait3A = arith.constant 0 : i32
    %dma_wait3A_39 = arith.constant 0 : i32
    %dma_wait3A_40 = arith.constant 0 : i32
    %dma_wait3A_41 = tpu.memref_slice %arg8[%dma_wait3A, %dma_wait3A_39, %dma_wait3A_40] : memref<79x1x128xi32, #tpu.memory_space<vmem>> -> memref<78x1x128xi32, #tpu.memory_space<vmem>>
    %dma_wait3A_42 = arith.constant 0 : i32
    %dma_wait3A_43 = arith.constant 0 : i32
    %dma_wait3A_44 = tpu.memref_slice %arg3[%mul3A_38, %dma_wait3A_42, %dma_wait3A_43] : memref<2500x1x128xi32, #tpu.memory_space<hbm>> -> memref<78x1x128xi32, #tpu.memory_space<hbm>>
    %dma_wait3A_45 = arith.constant 0 : i32
    %dma_wait3A_46 = arith.constant 0 : i32
    %dma_wait3A_47 = arith.constant 0 : i32
    %dma_wait3A_48 = tpu.memref_slice %arg8[%dma_wait3A_45, %dma_wait3A_46, %dma_wait3A_47] : memref<79x1x128xi32, #tpu.memory_space<vmem>> -> memref<78x1x128xi32, #tpu.memory_space<vmem>>
    %dma_wait3A_49 = arith.constant 0 : i32
    %dma_wait3A_50 = arith.constant 0 : i32
    %dma_wait3A_51 = tpu.memref_slice %arg3[%mul3A_38, %dma_wait3A_49, %dma_wait3A_50] : memref<2500x1x128xi32, #tpu.memory_space<hbm>> -> memref<78x1x128xi32, #tpu.memory_space<hbm>>
    tpu.wait_dma2 semaphore(%arg15 : memref<!tpu.dma_semaphore, #tpu.memory_space<semaphore_mem>>) src(%dma_wait3A_51 : memref<78x1x128xi32, #tpu.memory_space<hbm>>) dst(%dma_wait3A_48 : memref<78x1x128xi32, #tpu.memory_space<vmem>>)
    %lt3A_52 = arith.constant 4 : i32
    %lt3A_53 = arith.cmpi slt, %add3A, %lt3A_52 : i32
    %convert_element_type3A_54 = arith.extui %lt3A_53 : i1 to i32
    %cond3A_55 = arith.constant 0 : i32
    %cond3A_56 = arith.cmpi ne, %convert_element_type3A_54, %cond3A_55 : i32
    scf.if %cond3A_56 {
      %add3A_93 = arith.constant 2496 : i32
      %add3A_94 = arith.addi %add3A_93, %add3A : i32
      %mul3A_95 = arith.constant 128 : i32
      %mul3A_96 = arith.muli %add3A_94, %mul3A_95 : i32
      %dma_wait3A_97 = arith.constant 78 : i32
      %dma_wait3A_98 = arith.constant 0 : i32
      %dma_wait3A_99 = arith.constant 0 : i32
      %dma_wait3A_100 = tpu.memref_slice %arg8[%dma_wait3A_97, %dma_wait3A_98, %dma_wait3A_99] : memref<79x1x128xi32, #tpu.memory_space<vmem>> -> memref<1x1x128xi32, #tpu.memory_space<vmem>>
      %dma_wait3A_101 = tpu.memref_squeeze %dma_wait3A_100 : memref<1x1x128xi32, #tpu.memory_space<vmem>> -> memref<128xi32, #tpu.memory_space<vmem>>
      %dma_wait3A_102 = tpu.memref_slice %arg4[%mul3A_96] : memref<320000xi32, #tpu.memory_space<hbm>> -> memref<128xi32, #tpu.memory_space<hbm>>
      %dma_wait3A_103 = arith.constant 0 : i32
      %dma_wait3A_104 = tpu.memref_slice %arg8[%dma_wait3A_97, %dma_wait3A_98, %dma_wait3A_103] : memref<79x1x128xi32, #tpu.memory_space<vmem>> -> memref<1x1x128xi32, #tpu.memory_space<vmem>>
      %dma_wait3A_105 = tpu.memref_squeeze %dma_wait3A_104 : memref<1x1x128xi32, #tpu.memory_space<vmem>> -> memref<128xi32, #tpu.memory_space<vmem>>
      %dma_wait3A_106 = tpu.memref_slice %arg4[%mul3A_96] : memref<320000xi32, #tpu.memory_space<hbm>> -> memref<128xi32, #tpu.memory_space<hbm>>
      tpu.wait_dma2 semaphore(%arg15 : memref<!tpu.dma_semaphore, #tpu.memory_space<semaphore_mem>>) src(%dma_wait3A_106 : memref<128xi32, #tpu.memory_space<hbm>>) dst(%dma_wait3A_105 : memref<128xi32, #tpu.memory_space<vmem>>)
    } else {
    }
    %barrier3A = arith.constant 0 : index
    tpu.barrier barrier_id(%barrier3A)
    %dma_start3A_57 = arith.constant 0 : i32
    %dma_start3A_58 = arith.constant 0 : i32
    %dma_start3A_59 = arith.constant 0 : i32
    %dma_start3A_60 = tpu.memref_slice %arg8[%dma_start3A_57, %dma_start3A_58, %dma_start3A_59] : memref<79x1x128xi32, #tpu.memory_space<vmem>> -> memref<1x1x128xi32, #tpu.memory_space<vmem>>
    %dma_start3A_61 = tpu.memref_squeeze %dma_start3A_60 : memref<1x1x128xi32, #tpu.memory_space<vmem>> -> memref<128xi32, #tpu.memory_space<vmem>>
    %dma_start3A_62 = arith.constant 0 : i32
    %dma_start3A_63 = arith.constant 0 : i32
    %dma_start3A_64 = tpu.memref_slice %arg2[%dma_start3A_62, %dma_start3A_63] : memref<10000x128xf32, #tpu.memory_space<hbm>> -> memref<10000x128xf32, #tpu.memory_space<hbm>>
    tpu.enqueue_indirect_dma source(%dma_start3A_64 : memref<10000x128xf32, #tpu.memory_space<hbm>>) target(%arg11 : memref<128x128xf32, #tpu.memory_space<vmem>>) offsets(%dma_start3A_61 : memref<128xi32, #tpu.memory_space<vmem>>) semaphore(%arg14 : memref<!tpu.dma_semaphore, #tpu.memory_space<semaphore_mem>>)
    %mul3A_65 = arith.constant 78 : i32
    %mul3A_66 = arith.muli %add3A, %mul3A_65 : i32
    %add3A_67 = arith.constant 0 : i32
    %add3A_68 = arith.addi %mul3A_66, %add3A_67 : i32
    %add3A_69 = arith.constant 2496 : i32
    %add3A_70 = arith.addi %add3A_69, %add3A : i32
    %jit3A = arith.constant true
    %select_n3A = arith.select %jit3A, %add3A_68, %add3A_70 : i32
    %mul3A_71 = arith.constant 128 : i32
    %mul3A_72 = arith.muli %select_n3A, %mul3A_71 : i32
    %dma_start3A_73 = tpu.memref_slice %arg5[%mul3A_72] : memref<320000xi32, #tpu.memory_space<hbm>> -> memref<128xi32, #tpu.memory_space<hbm>>
    %dma_start3A_74 = tpu.memref_slice %arg5[%mul3A_72] : memref<320000xi32, #tpu.memory_space<hbm>> -> memref<128xi32, #tpu.memory_space<hbm>>
    tpu.enqueue_dma source(%dma_start3A_74 : memref<128xi32, #tpu.memory_space<hbm>>) target(%arg9 : memref<128xi32, #tpu.memory_space<vmem>>) target_semaphore(%arg14 : memref<!tpu.dma_semaphore, #tpu.memory_space<semaphore_mem>>)
    %scan3A = arith.constant 0 : i32
    %scan3A_75 = arith.constant 0 : i32
    %scan3A_76 = arith.constant 39 : i32
    %scan3A_77 = arith.addi %scan3A_75, %scan3A_76 : i32
    %scan3A_78 = arith.constant 1 : i32
    scf.for %scan3A_93 = %scan3A_75 to %scan3A_77 step %scan3A_78  : i32 {
      %mul3A_94 = arith.constant 2 : i32
      %mul3A_95 = arith.muli %mul3A_94, %scan3A_93 : i32
      %add3A_96 = arith.constant 0 : i32
      %add3A_97 = arith.addi %mul3A_95, %add3A_96 : i32
      %add3A_98 = arith.constant 1 : i32
      %add3A_99 = arith.addi %add3A_97, %add3A_98 : i32
      %gt3A_100 = arith.constant 0 : i32
      %gt3A_101 = arith.cmpi sgt, %scan3A_93, %gt3A_100 : i32
      %convert_element_type3A_102 = arith.extui %gt3A_101 : i1 to i32
      %cond3A_103 = arith.constant 0 : i32
      %cond3A_104 = arith.cmpi ne, %convert_element_type3A_102, %cond3A_103 : i32
      scf.if %cond3A_104 {
        %dma_wait3A_164 = arith.constant 0 : i32
        %dma_wait3A_165 = arith.constant 0 : i32
        %dma_wait3A_166 = tpu.memref_slice %arg13[%dma_wait3A_164, %dma_wait3A_165] : memref<10240x128xf32, #tpu.memory_space<vmem_shared>> -> memref<10240x128xf32, #tpu.memory_space<vmem_shared>>
        tpu.wait_indirect_dma semaphore(%arg17 : memref<!tpu.dma_semaphore, #tpu.memory_space<semaphore_mem>>) src(%arg12 : memref<128x128xf32, #tpu.memory_space<vmem>>) dst(%dma_wait3A_166 : memref<10240x128xf32, #tpu.memory_space<vmem_shared>>)
      } else {
      }
      %lt3A_105 = arith.constant 78 : i32
      %lt3A_106 = arith.cmpi slt, %add3A_99, %lt3A_105 : i32
      %eq3A_107 = arith.constant 78 : i32
      %eq3A_108 = arith.cmpi eq, %add3A_99, %eq3A_107 : i32
      %lt3A_109 = arith.constant 4 : i32
      %lt3A_110 = arith.cmpi slt, %add3A, %lt3A_109 : i32
      %and3A_111 = arith.andi %eq3A_108, %lt3A_110 : i1
      %or3A_112 = arith.ori %lt3A_106, %and3A_111 : i1
      %convert_element_type3A_113 = arith.extui %or3A_112 : i1 to i32
      %cond3A_114 = arith.constant 0 : i32
      %cond3A_115 = arith.cmpi ne, %convert_element_type3A_113, %cond3A_114 : i32
      scf.if %cond3A_115 {
        %dma_start3A_164 = arith.constant 0 : i32
        %dma_start3A_165 = arith.constant 0 : i32
        %dma_start3A_166 = tpu.memref_slice %arg8[%add3A_99, %dma_start3A_164, %dma_start3A_165] : memref<79x1x128xi32, #tpu.memory_space<vmem>> -> memref<1x1x128xi32, #tpu.memory_space<vmem>>
        %dma_start3A_167 = tpu.memref_squeeze %dma_start3A_166 : memref<1x1x128xi32, #tpu.memory_space<vmem>> -> memref<128xi32, #tpu.memory_space<vmem>>
        %dma_start3A_168 = arith.constant 0 : i32
        %dma_start3A_169 = arith.constant 0 : i32
        %dma_start3A_170 = tpu.memref_slice %arg2[%dma_start3A_168, %dma_start3A_169] : memref<10000x128xf32, #tpu.memory_space<hbm>> -> memref<10000x128xf32, #tpu.memory_space<hbm>>
        tpu.enqueue_indirect_dma source(%dma_start3A_170 : memref<10000x128xf32, #tpu.memory_space<hbm>>) target(%arg12 : memref<128x128xf32, #tpu.memory_space<vmem>>) offsets(%dma_start3A_167 : memref<128xi32, #tpu.memory_space<vmem>>) semaphore(%arg15 : memref<!tpu.dma_semaphore, #tpu.memory_space<semaphore_mem>>)
        %lt3A_171 = arith.constant 78 : i32
        %lt3A_172 = arith.cmpi slt, %add3A_99, %lt3A_171 : i32
        %mul3A_173 = arith.constant 78 : i32
        %mul3A_174 = arith.muli %add3A, %mul3A_173 : i32
        %add3A_175 = arith.addi %mul3A_174, %add3A_99 : i32
        %add3A_176 = arith.constant 2496 : i32
        %add3A_177 = arith.addi %add3A_176, %add3A : i32
        %select_n3A_178 = arith.select %lt3A_172, %add3A_175, %add3A_177 : i32
        %mul3A_179 = arith.constant 128 : i32
        %mul3A_180 = arith.muli %select_n3A_178, %mul3A_179 : i32
        %dma_start3A_181 = tpu.memref_slice %arg5[%mul3A_180] : memref<320000xi32, #tpu.memory_space<hbm>> -> memref<128xi32, #tpu.memory_space<hbm>>
        %dma_start3A_182 = tpu.memref_slice %arg5[%mul3A_180] : memref<320000xi32, #tpu.memory_space<hbm>> -> memref<128xi32, #tpu.memory_space<hbm>>
        tpu.enqueue_dma source(%dma_start3A_182 : memref<128xi32, #tpu.memory_space<hbm>>) target(%arg10 : memref<128xi32, #tpu.memory_space<vmem>>) target_semaphore(%arg15 : memref<!tpu.dma_semaphore, #tpu.memory_space<semaphore_mem>>)
      } else {
      }
      %dma_wait3A_116 = arith.constant 0 : i32
      %dma_wait3A_117 = arith.constant 0 : i32
      %dma_wait3A_118 = tpu.memref_slice %arg8[%add3A_97, %dma_wait3A_116, %dma_wait3A_117] : memref<79x1x128xi32, #tpu.memory_space<vmem>> -> memref<1x1x128xi32, #tpu.memory_space<vmem>>
      %dma_wait3A_119 = tpu.memref_squeeze %dma_wait3A_118 : memref<1x1x128xi32, #tpu.memory_space<vmem>> -> memref<128xi32, #tpu.memory_space<vmem>>
      %dma_wait3A_120 = arith.constant 0 : i32
      %dma_wait3A_121 = arith.constant 0 : i32
      %dma_wait3A_122 = tpu.memref_slice %arg2[%dma_wait3A_120, %dma_wait3A_121] : memref<10000x128xf32, #tpu.memory_space<hbm>> -> memref<10000x128xf32, #tpu.memory_space<hbm>>
      tpu.wait_indirect_dma semaphore(%arg14 : memref<!tpu.dma_semaphore, #tpu.memory_space<semaphore_mem>>) src(%dma_wait3A_122 : memref<10000x128xf32, #tpu.memory_space<hbm>>) dst(%arg11 : memref<128x128xf32, #tpu.memory_space<vmem>>)
      %dma_wait3A_123 = arith.constant 0 : i32
      %dma_wait3A_124 = tpu.memref_slice %arg5[%dma_wait3A_123] : memref<320000xi32, #tpu.memory_space<hbm>> -> memref<128xi32, #tpu.memory_space<hbm>>
      %dma_wait3A_125 = arith.constant 0 : i32
      %dma_wait3A_126 = tpu.memref_slice %arg5[%dma_wait3A_125] : memref<320000xi32, #tpu.memory_space<hbm>> -> memref<128xi32, #tpu.memory_space<hbm>>
      tpu.wait_dma2 semaphore(%arg14 : memref<!tpu.dma_semaphore, #tpu.memory_space<semaphore_mem>>) src(%dma_wait3A_126 : memref<128xi32, #tpu.memory_space<hbm>>) dst(%arg9 : memref<128xi32, #tpu.memory_space<vmem>>)
      %dma_start3A_127 = arith.constant 0 : i32
      %dma_start3A_128 = arith.constant 0 : i32
      %dma_start3A_129 = tpu.memref_slice %arg13[%dma_start3A_127, %dma_start3A_128] : memref<10240x128xf32, #tpu.memory_space<vmem_shared>> -> memref<10240x128xf32, #tpu.memory_space<vmem_shared>>
      tpu.enqueue_indirect_dma source(%arg11 : memref<128x128xf32, #tpu.memory_space<vmem>>) target(%dma_start3A_129 : memref<10240x128xf32, #tpu.memory_space<vmem_shared>>) offsets(%arg9 : memref<128xi32, #tpu.memory_space<vmem>>) semaphore(%arg16 : memref<!tpu.dma_semaphore, #tpu.memory_space<semaphore_mem>>) {add = true}
      %mul3A_130 = arith.constant 2 : i32
      %mul3A_131 = arith.muli %mul3A_130, %scan3A_93 : i32
      %add3A_132 = arith.constant 1 : i32
      %add3A_133 = arith.addi %mul3A_131, %add3A_132 : i32
      %add3A_134 = arith.constant 1 : i32
      %add3A_135 = arith.addi %add3A_133, %add3A_134 : i32
      %dma_wait3A_136 = arith.constant 0 : i32
      %dma_wait3A_137 = arith.constant 0 : i32
      %dma_wait3A_138 = tpu.memref_slice %arg13[%dma_wait3A_136, %dma_wait3A_137] : memref<10240x128xf32, #tpu.memory_space<vmem_shared>> -> memref<10240x128xf32, #tpu.memory_space<vmem_shared>>
      tpu.wait_indirect_dma semaphore(%arg16 : memref<!tpu.dma_semaphore, #tpu.memory_space<semaphore_mem>>) src(%arg11 : memref<128x128xf32, #tpu.memory_space<vmem>>) dst(%dma_wait3A_138 : memref<10240x128xf32, #tpu.memory_space<vmem_shared>>)
      %lt3A_139 = arith.constant 78 : i32
      %lt3A_140 = arith.cmpi slt, %add3A_135, %lt3A_139 : i32
      %eq3A_141 = arith.constant 78 : i32
      %eq3A_142 = arith.cmpi eq, %add3A_135, %eq3A_141 : i32
      %lt3A_143 = arith.constant 4 : i32
      %lt3A_144 = arith.cmpi slt, %add3A, %lt3A_143 : i32
      %and3A_145 = arith.andi %eq3A_142, %lt3A_144 : i1
      %or3A_146 = arith.ori %lt3A_140, %and3A_145 : i1
      %convert_element_type3A_147 = arith.extui %or3A_146 : i1 to i32
      %cond3A_148 = arith.constant 0 : i32
      %cond3A_149 = arith.cmpi ne, %convert_element_type3A_147, %cond3A_148 : i32
      scf.if %cond3A_149 {
        %dma_start3A_164 = arith.constant 0 : i32
        %dma_start3A_165 = arith.constant 0 : i32
        %dma_start3A_166 = tpu.memref_slice %arg8[%add3A_135, %dma_start3A_164, %dma_start3A_165] : memref<79x1x128xi32, #tpu.memory_space<vmem>> -> memref<1x1x128xi32, #tpu.memory_space<vmem>>
        %dma_start3A_167 = tpu.memref_squeeze %dma_start3A_166 : memref<1x1x128xi32, #tpu.memory_space<vmem>> -> memref<128xi32, #tpu.memory_space<vmem>>
        %dma_start3A_168 = arith.constant 0 : i32
        %dma_start3A_169 = arith.constant 0 : i32
        %dma_start3A_170 = tpu.memref_slice %arg2[%dma_start3A_168, %dma_start3A_169] : memref<10000x128xf32, #tpu.memory_space<hbm>> -> memref<10000x128xf32, #tpu.memory_space<hbm>>
        tpu.enqueue_indirect_dma source(%dma_start3A_170 : memref<10000x128xf32, #tpu.memory_space<hbm>>) target(%arg11 : memref<128x128xf32, #tpu.memory_space<vmem>>) offsets(%dma_start3A_167 : memref<128xi32, #tpu.memory_space<vmem>>) semaphore(%arg14 : memref<!tpu.dma_semaphore, #tpu.memory_space<semaphore_mem>>)
        %lt3A_171 = arith.constant 78 : i32
        %lt3A_172 = arith.cmpi slt, %add3A_135, %lt3A_171 : i32
        %mul3A_173 = arith.constant 78 : i32
        %mul3A_174 = arith.muli %add3A, %mul3A_173 : i32
        %add3A_175 = arith.addi %mul3A_174, %add3A_135 : i32
        %add3A_176 = arith.constant 2496 : i32
        %add3A_177 = arith.addi %add3A_176, %add3A : i32
        %select_n3A_178 = arith.select %lt3A_172, %add3A_175, %add3A_177 : i32
        %mul3A_179 = arith.constant 128 : i32
        %mul3A_180 = arith.muli %select_n3A_178, %mul3A_179 : i32
        %dma_start3A_181 = tpu.memref_slice %arg5[%mul3A_180] : memref<320000xi32, #tpu.memory_space<hbm>> -> memref<128xi32, #tpu.memory_space<hbm>>
        %dma_start3A_182 = tpu.memref_slice %arg5[%mul3A_180] : memref<320000xi32, #tpu.memory_space<hbm>> -> memref<128xi32, #tpu.memory_space<hbm>>
        tpu.enqueue_dma source(%dma_start3A_182 : memref<128xi32, #tpu.memory_space<hbm>>) target(%arg9 : memref<128xi32, #tpu.memory_space<vmem>>) target_semaphore(%arg14 : memref<!tpu.dma_semaphore, #tpu.memory_space<semaphore_mem>>)
      } else {
      }
      %dma_wait3A_150 = arith.constant 0 : i32
      %dma_wait3A_151 = arith.constant 0 : i32
      %dma_wait3A_152 = tpu.memref_slice %arg8[%add3A_133, %dma_wait3A_150, %dma_wait3A_151] : memref<79x1x128xi32, #tpu.memory_space<vmem>> -> memref<1x1x128xi32, #tpu.memory_space<vmem>>
      %dma_wait3A_153 = tpu.memref_squeeze %dma_wait3A_152 : memref<1x1x128xi32, #tpu.memory_space<vmem>> -> memref<128xi32, #tpu.memory_space<vmem>>
      %dma_wait3A_154 = arith.constant 0 : i32
      %dma_wait3A_155 = arith.constant 0 : i32
      %dma_wait3A_156 = tpu.memref_slice %arg2[%dma_wait3A_154, %dma_wait3A_155] : memref<10000x128xf32, #tpu.memory_space<hbm>> -> memref<10000x128xf32, #tpu.memory_space<hbm>>
      tpu.wait_indirect_dma semaphore(%arg15 : memref<!tpu.dma_semaphore, #tpu.memory_space<semaphore_mem>>) src(%dma_wait3A_156 : memref<10000x128xf32, #tpu.memory_space<hbm>>) dst(%arg12 : memref<128x128xf32, #tpu.memory_space<vmem>>)
      %dma_wait3A_157 = arith.constant 0 : i32
      %dma_wait3A_158 = tpu.memref_slice %arg5[%dma_wait3A_157] : memref<320000xi32, #tpu.memory_space<hbm>> -> memref<128xi32, #tpu.memory_space<hbm>>
      %dma_wait3A_159 = arith.constant 0 : i32
      %dma_wait3A_160 = tpu.memref_slice %arg5[%dma_wait3A_159] : memref<320000xi32, #tpu.memory_space<hbm>> -> memref<128xi32, #tpu.memory_space<hbm>>
      tpu.wait_dma2 semaphore(%arg15 : memref<!tpu.dma_semaphore, #tpu.memory_space<semaphore_mem>>) src(%dma_wait3A_160 : memref<128xi32, #tpu.memory_space<hbm>>) dst(%arg10 : memref<128xi32, #tpu.memory_space<vmem>>)
      %dma_start3A_161 = arith.constant 0 : i32
      %dma_start3A_162 = arith.constant 0 : i32
      %dma_start3A_163 = tpu.memref_slice %arg13[%dma_start3A_161, %dma_start3A_162] : memref<10240x128xf32, #tpu.memory_space<vmem_shared>> -> memref<10240x128xf32, #tpu.memory_space<vmem_shared>>
      tpu.enqueue_indirect_dma source(%arg12 : memref<128x128xf32, #tpu.memory_space<vmem>>) target(%dma_start3A_163 : memref<10240x128xf32, #tpu.memory_space<vmem_shared>>) offsets(%arg10 : memref<128xi32, #tpu.memory_space<vmem>>) semaphore(%arg17 : memref<!tpu.dma_semaphore, #tpu.memory_space<semaphore_mem>>) {add = true}
    }
    %scan3A_79 = arith.constant 39 : i32
    %lt3A_80 = arith.constant 4 : i32
    %lt3A_81 = arith.cmpi slt, %add3A, %lt3A_80 : i32
    %convert_element_type3A_82 = arith.extui %lt3A_81 : i1 to i32
    %cond3A_83 = arith.constant 0 : i32
    %cond3A_84 = arith.cmpi ne, %convert_element_type3A_82, %cond3A_83 : i32
    scf.if %cond3A_84 {
      %dma_wait3A_93 = arith.constant 78 : i32
      %dma_wait3A_94 = arith.constant 0 : i32
      %dma_wait3A_95 = arith.constant 0 : i32
      %dma_wait3A_96 = tpu.memref_slice %arg8[%dma_wait3A_93, %dma_wait3A_94, %dma_wait3A_95] : memref<79x1x128xi32, #tpu.memory_space<vmem>> -> memref<1x1x128xi32, #tpu.memory_space<vmem>>
      %dma_wait3A_97 = tpu.memref_squeeze %dma_wait3A_96 : memref<1x1x128xi32, #tpu.memory_space<vmem>> -> memref<128xi32, #tpu.memory_space<vmem>>
      %dma_wait3A_98 = arith.constant 0 : i32
      %dma_wait3A_99 = arith.constant 0 : i32
      %dma_wait3A_100 = tpu.memref_slice %arg2[%dma_wait3A_98, %dma_wait3A_99] : memref<10000x128xf32, #tpu.memory_space<hbm>> -> memref<10000x128xf32, #tpu.memory_space<hbm>>
      tpu.wait_indirect_dma semaphore(%arg14 : memref<!tpu.dma_semaphore, #tpu.memory_space<semaphore_mem>>) src(%dma_wait3A_100 : memref<10000x128xf32, #tpu.memory_space<hbm>>) dst(%arg11 : memref<128x128xf32, #tpu.memory_space<vmem>>)
      %dma_wait3A_101 = arith.constant 0 : i32
      %dma_wait3A_102 = tpu.memref_slice %arg5[%dma_wait3A_101] : memref<320000xi32, #tpu.memory_space<hbm>> -> memref<128xi32, #tpu.memory_space<hbm>>
      %dma_wait3A_103 = arith.constant 0 : i32
      %dma_wait3A_104 = tpu.memref_slice %arg5[%dma_wait3A_103] : memref<320000xi32, #tpu.memory_space<hbm>> -> memref<128xi32, #tpu.memory_space<hbm>>
      tpu.wait_dma2 semaphore(%arg14 : memref<!tpu.dma_semaphore, #tpu.memory_space<semaphore_mem>>) src(%dma_wait3A_104 : memref<128xi32, #tpu.memory_space<hbm>>) dst(%arg9 : memref<128xi32, #tpu.memory_space<vmem>>)
      %dma_start3A_105 = arith.constant 0 : i32
      %dma_start3A_106 = arith.constant 0 : i32
      %dma_start3A_107 = tpu.memref_slice %arg13[%dma_start3A_105, %dma_start3A_106] : memref<10240x128xf32, #tpu.memory_space<vmem_shared>> -> memref<10240x128xf32, #tpu.memory_space<vmem_shared>>
      tpu.enqueue_indirect_dma source(%arg11 : memref<128x128xf32, #tpu.memory_space<vmem>>) target(%dma_start3A_107 : memref<10240x128xf32, #tpu.memory_space<vmem_shared>>) offsets(%arg9 : memref<128xi32, #tpu.memory_space<vmem>>) semaphore(%arg16 : memref<!tpu.dma_semaphore, #tpu.memory_space<semaphore_mem>>) {add = true}
      %dma_wait3A_108 = arith.constant 0 : i32
      %dma_wait3A_109 = arith.constant 0 : i32
      %dma_wait3A_110 = tpu.memref_slice %arg13[%dma_wait3A_108, %dma_wait3A_109] : memref<10240x128xf32, #tpu.memory_space<vmem_shared>> -> memref<10240x128xf32, #tpu.memory_space<vmem_shared>>
      tpu.wait_indirect_dma semaphore(%arg16 : memref<!tpu.dma_semaphore, #tpu.memory_space<semaphore_mem>>) src(%arg11 : memref<128x128xf32, #tpu.memory_space<vmem>>) dst(%dma_wait3A_110 : memref<10240x128xf32, #tpu.memory_space<vmem_shared>>)
    } else {
    }
    %dma_wait3A_85 = arith.constant 0 : i32
    %dma_wait3A_86 = arith.constant 0 : i32
    %dma_wait3A_87 = tpu.memref_slice %arg13[%dma_wait3A_85, %dma_wait3A_86] : memref<10240x128xf32, #tpu.memory_space<vmem_shared>> -> memref<10240x128xf32, #tpu.memory_space<vmem_shared>>
    tpu.wait_indirect_dma semaphore(%arg17 : memref<!tpu.dma_semaphore, #tpu.memory_space<semaphore_mem>>) src(%arg12 : memref<128x128xf32, #tpu.memory_space<vmem>>) dst(%dma_wait3A_87 : memref<10240x128xf32, #tpu.memory_space<vmem_shared>>)
    %barrier3A_88 = arith.constant 0 : index
    tpu.barrier barrier_id(%barrier3A_88)
    %mul3A_89 = arith.constant 640 : i32
    %mul3A_90 = arith.muli %arg1, %mul3A_89 : i32
    %mul3A_91 = arith.constant 640 : i32
    %mul3A_92 = arith.muli %arg1, %mul3A_91 : i32
    "tpu.region"() ({
      %run_scoped3A = tpu.sem_alloc : memref<!tpu.dma_semaphore, #tpu.memory_space<semaphore_mem>>
      %dma_start3A_93 = arith.constant 0 : i32
      %dma_start3A_94 = tpu.memref_slice %arg7[%arg0, %mul3A_92, %dma_start3A_93] : memref<2x10240x128xf32, #tpu.memory_space<hbm>> -> memref<1x640x128xf32, #tpu.memory_space<hbm>>
      %dma_start3A_95 = tpu.memref_squeeze %dma_start3A_94 : memref<1x640x128xf32, #tpu.memory_space<hbm>> -> memref<640x128xf32, #tpu.memory_space<hbm>>
      %dma_start3A_96 = arith.constant 0 : i32
      %dma_start3A_97 = tpu.memref_slice %arg13[%mul3A_90, %dma_start3A_96] : memref<10240x128xf32, #tpu.memory_space<vmem_shared>> -> memref<640x128xf32, #tpu.memory_space<vmem_shared>>
      tpu.enqueue_dma source(%dma_start3A_97 : memref<640x128xf32, #tpu.memory_space<vmem_shared>>) target(%dma_start3A_95 : memref<640x128xf32, #tpu.memory_space<hbm>>) target_semaphore(%run_scoped3A : memref<!tpu.dma_semaphore, #tpu.memory_space<semaphore_mem>>)
      %dma_wait3A_98 = arith.constant 0 : i32
      %dma_wait3A_99 = tpu.memref_slice %arg7[%arg0, %mul3A_92, %dma_wait3A_98] : memref<2x10240x128xf32, #tpu.memory_space<hbm>> -> memref<1x640x128xf32, #tpu.memory_space<hbm>>
      %dma_wait3A_100 = tpu.memref_squeeze %dma_wait3A_99 : memref<1x640x128xf32, #tpu.memory_space<hbm>> -> memref<640x128xf32, #tpu.memory_space<hbm>>
      %dma_wait3A_101 = arith.constant 0 : i32
      %dma_wait3A_102 = tpu.memref_slice %arg13[%mul3A_90, %dma_wait3A_101] : memref<10240x128xf32, #tpu.memory_space<vmem_shared>> -> memref<640x128xf32, #tpu.memory_space<vmem_shared>>
      tpu.wait_dma2 semaphore(%run_scoped3A : memref<!tpu.dma_semaphore, #tpu.memory_space<semaphore_mem>>) src(%dma_wait3A_102 : memref<640x128xf32, #tpu.memory_space<vmem_shared>>) dst(%dma_wait3A_100 : memref<640x128xf32, #tpu.memory_space<hbm>>)
      tpu.yield
    }) : () -> ()
    return
  }
}

#map = affine_map<(d0, d1) -> (0, 0)>
#map1 = affine_map<(d0, d1) -> (0, 0, 0)>
#map2 = affine_map<(d0, d1) -> (0)>
module attributes {stable_mosaic.version = 14 : i64} {
  func.func @_agg_body(%arg0: i32, %arg1: i32, %arg2: memref<10000x128xf32, #tpu.memory_space<hbm>>, %arg3: memref<2500x1x128xi32, #tpu.memory_space<hbm>>, %arg4: memref<320000xi32, #tpu.memory_space<hbm>>, %arg5: memref<320000xi32, #tpu.memory_space<hbm>>, %arg6: memref<640x128xf32, #tpu.memory_space<hbm>>, %arg7: memref<2x10240x128xf32, #tpu.memory_space<hbm>>, %arg8: memref<79x1x128xi32, #tpu.memory_space<vmem>>, %arg9: memref<128xi32, #tpu.memory_space<vmem>>, %arg10: memref<128xi32, #tpu.memory_space<vmem>>, %arg11: memref<128x128xf32, #tpu.memory_space<vmem>>, %arg12: memref<128x128xf32, #tpu.memory_space<vmem>>, %arg13: memref<10240x128xf32, #tpu.memory_space<vmem_shared>>, %arg14: memref<!tpu.dma_semaphore, #tpu.memory_space<semaphore_mem>>, %arg15: memref<!tpu.dma_semaphore, #tpu.memory_space<semaphore_mem>>, %arg16: memref<!tpu.dma_semaphore, #tpu.memory_space<semaphore_mem>>, %arg17: memref<!tpu.dma_semaphore, #tpu.memory_space<semaphore_mem>>) attributes {dimension_semantics = [#tpu.dimension_semantics<core_parallel>, #tpu.dimension_semantics<subcore_parallel>], iteration_bounds = array<i64: 2, 16>, scalar_prefetch = 0 : i64, scratch_operands = 10 : i64, tpu.core_type = #tpu.core_type<sc_vector_subcore>, window_params = [{transform_indices = #map}, {transform_indices = #map1}, {transform_indices = #map2}, {transform_indices = #map2}, {transform_indices = #map}, {transform_indices = #map1}]} {
    %mul3A = arith.constant 2 : i32
    %mul3A_0 = arith.muli %arg1, %mul3A : i32
    %add3A = arith.addi %mul3A_0, %arg0 : i32
    %mul3A_1 = arith.constant 78 : i32
    %mul3A_2 = arith.muli %add3A, %mul3A_1 : i32
    %dma_start3A = arith.constant 0 : i32
    %dma_start3A_3 = arith.constant 0 : i32
    %dma_start3A_4 = arith.constant 0 : i32
    %dma_start3A_5 = tpu.memref_slice %arg8[%dma_start3A, %dma_start3A_3, %dma_start3A_4] : memref<79x1x128xi32, #tpu.memory_space<vmem>> -> memref<78x1x128xi32, #tpu.memory_space<vmem>>
    %dma_start3A_6 = arith.constant 0 : i32
    %dma_start3A_7 = arith.constant 0 : i32
    %dma_start3A_8 = tpu.memref_slice %arg3[%mul3A_2, %dma_start3A_6, %dma_start3A_7] : memref<2500x1x128xi32, #tpu.memory_space<hbm>> -> memref<78x1x128xi32, #tpu.memory_space<hbm>>
    %dma_start3A_9 = arith.constant 0 : i32
    %dma_start3A_10 = arith.constant 0 : i32
    %dma_start3A_11 = arith.constant 0 : i32
    %dma_start3A_12 = tpu.memref_slice %arg8[%dma_start3A_9, %dma_start3A_10, %dma_start3A_11] : memref<79x1x128xi32, #tpu.memory_space<vmem>> -> memref<78x1x128xi32, #tpu.memory_space<vmem>>
    %dma_start3A_13 = arith.constant 0 : i32
    %dma_start3A_14 = arith.constant 0 : i32
    %dma_start3A_15 = tpu.memref_slice %arg3[%mul3A_2, %dma_start3A_13, %dma_start3A_14] : memref<2500x1x128xi32, #tpu.memory_space<hbm>> -> memref<78x1x128xi32, #tpu.memory_space<hbm>>
    tpu.enqueue_dma source(%dma_start3A_15 : memref<78x1x128xi32, #tpu.memory_space<hbm>>) target(%dma_start3A_12 : memref<78x1x128xi32, #tpu.memory_space<vmem>>) target_semaphore(%arg15 : memref<!tpu.dma_semaphore, #tpu.memory_space<semaphore_mem>>)
    %lt3A = arith.constant 4 : i32
    %lt3A_16 = arith.cmpi slt, %add3A, %lt3A : i32
    %convert_element_type3A = arith.extui %lt3A_16 : i1 to i32
    %cond3A = arith.constant 0 : i32
    %cond3A_17 = arith.cmpi ne, %convert_element_type3A, %cond3A : i32
    scf.if %cond3A_17 {
      %add3A_93 = arith.constant 2496 : i32
      %add3A_94 = arith.addi %add3A_93, %add3A : i32
      %mul3A_95 = arith.constant 128 : i32
      %mul3A_96 = arith.muli %add3A_94, %mul3A_95 : i32
      %dma_start3A_97 = arith.constant 78 : i32
      %dma_start3A_98 = arith.constant 0 : i32
      %dma_start3A_99 = arith.constant 0 : i32
      %dma_start3A_100 = tpu.memref_slice %arg8[%dma_start3A_97, %dma_start3A_98, %dma_start3A_99] : memref<79x1x128xi32, #tpu.memory_space<vmem>> -> memref<1x1x128xi32, #tpu.memory_space<vmem>>
      %dma_start3A_101 = tpu.memref_squeeze %dma_start3A_100 : memref<1x1x128xi32, #tpu.memory_space<vmem>> -> memref<128xi32, #tpu.memory_space<vmem>>
      %dma_start3A_102 = tpu.memref_slice %arg4[%mul3A_96] : memref<320000xi32, #tpu.memory_space<hbm>> -> memref<128xi32, #tpu.memory_space<hbm>>
      %dma_start3A_103 = arith.constant 0 : i32
      %dma_start3A_104 = tpu.memref_slice %arg8[%dma_start3A_97, %dma_start3A_98, %dma_start3A_103] : memref<79x1x128xi32, #tpu.memory_space<vmem>> -> memref<1x1x128xi32, #tpu.memory_space<vmem>>
      %dma_start3A_105 = tpu.memref_squeeze %dma_start3A_104 : memref<1x1x128xi32, #tpu.memory_space<vmem>> -> memref<128xi32, #tpu.memory_space<vmem>>
      %dma_start3A_106 = tpu.memref_slice %arg4[%mul3A_96] : memref<320000xi32, #tpu.memory_space<hbm>> -> memref<128xi32, #tpu.memory_space<hbm>>
      tpu.enqueue_dma source(%dma_start3A_106 : memref<128xi32, #tpu.memory_space<hbm>>) target(%dma_start3A_105 : memref<128xi32, #tpu.memory_space<vmem>>) target_semaphore(%arg15 : memref<!tpu.dma_semaphore, #tpu.memory_space<semaphore_mem>>)
    } else {
    }
    %eq3A = arith.constant 0 : i32
    %eq3A_18 = arith.cmpi eq, %arg0, %eq3A : i32
    %lt3A_19 = arith.constant 15 : i32
    %lt3A_20 = arith.cmpi slt, %arg1, %lt3A_19 : i32
    %and3A = arith.andi %eq3A_18, %lt3A_20 : i1
    %convert_element_type3A_21 = arith.extui %and3A : i1 to i32
    %cond3A_22 = arith.constant 0 : i32
    %cond3A_23 = arith.cmpi ne, %convert_element_type3A_21, %cond3A_22 : i32
    scf.if %cond3A_23 {
      %mul3A_93 = arith.constant 640 : i32
      %mul3A_94 = arith.muli %arg1, %mul3A_93 : i32
      %mul3A_95 = arith.constant 640 : i32
      %mul3A_96 = arith.muli %arg1, %mul3A_95 : i32
      "tpu.region"() ({
        %run_scoped3A = tpu.sem_alloc : memref<!tpu.dma_semaphore, #tpu.memory_space<semaphore_mem>>
        %dma_start3A_97 = arith.constant 0 : i32
        %dma_start3A_98 = tpu.memref_slice %arg13[%mul3A_96, %dma_start3A_97] : memref<10240x128xf32, #tpu.memory_space<vmem_shared>> -> memref<640x128xf32, #tpu.memory_space<vmem_shared>>
        %dma_start3A_99 = arith.constant 0 : i32
        %dma_start3A_100 = tpu.memref_slice %arg2[%mul3A_94, %dma_start3A_99] : memref<10000x128xf32, #tpu.memory_space<hbm>> -> memref<640x128xf32, #tpu.memory_space<hbm>>
        tpu.enqueue_dma source(%dma_start3A_100 : memref<640x128xf32, #tpu.memory_space<hbm>>) target(%dma_start3A_98 : memref<640x128xf32, #tpu.memory_space<vmem_shared>>) target_semaphore(%run_scoped3A : memref<!tpu.dma_semaphore, #tpu.memory_space<semaphore_mem>>)
        %dma_wait3A_101 = arith.constant 0 : i32
        %dma_wait3A_102 = tpu.memref_slice %arg13[%mul3A_96, %dma_wait3A_101] : memref<10240x128xf32, #tpu.memory_space<vmem_shared>> -> memref<640x128xf32, #tpu.memory_space<vmem_shared>>
        %dma_wait3A_103 = arith.constant 0 : i32
        %dma_wait3A_104 = tpu.memref_slice %arg2[%mul3A_94, %dma_wait3A_103] : memref<10000x128xf32, #tpu.memory_space<hbm>> -> memref<640x128xf32, #tpu.memory_space<hbm>>
        tpu.wait_dma2 semaphore(%run_scoped3A : memref<!tpu.dma_semaphore, #tpu.memory_space<semaphore_mem>>) src(%dma_wait3A_104 : memref<640x128xf32, #tpu.memory_space<hbm>>) dst(%dma_wait3A_102 : memref<640x128xf32, #tpu.memory_space<vmem_shared>>)
        tpu.yield
      }) : () -> ()
    } else {
    }
    %eq3A_24 = arith.constant 0 : i32
    %eq3A_25 = arith.cmpi eq, %arg0, %eq3A_24 : i32
    %eq3A_26 = arith.constant 15 : i32
    %eq3A_27 = arith.cmpi eq, %arg1, %eq3A_26 : i32
    %and3A_28 = arith.andi %eq3A_25, %eq3A_27 : i1
    %convert_element_type3A_29 = arith.extui %and3A_28 : i1 to i32
    %cond3A_30 = arith.constant 0 : i32
    %cond3A_31 = arith.cmpi ne, %convert_element_type3A_29, %cond3A_30 : i32
    scf.if %cond3A_31 {
      "tpu.region"() ({
        %run_scoped3A = tpu.sem_alloc : memref<!tpu.dma_semaphore, #tpu.memory_space<semaphore_mem>>
        %dma_start3A_93 = arith.constant 9600 : i32
        %dma_start3A_94 = arith.constant 0 : i32
        %dma_start3A_95 = tpu.memref_slice %arg13[%dma_start3A_93, %dma_start3A_94] : memref<10240x128xf32, #tpu.memory_space<vmem_shared>> -> memref<400x128xf32, #tpu.memory_space<vmem_shared>>
        %dma_start3A_96 = arith.constant 9600 : i32
        %dma_start3A_97 = arith.constant 0 : i32
        %dma_start3A_98 = tpu.memref_slice %arg2[%dma_start3A_96, %dma_start3A_97] : memref<10000x128xf32, #tpu.memory_space<hbm>> -> memref<400x128xf32, #tpu.memory_space<hbm>>
        tpu.enqueue_dma source(%dma_start3A_98 : memref<400x128xf32, #tpu.memory_space<hbm>>) target(%dma_start3A_95 : memref<400x128xf32, #tpu.memory_space<vmem_shared>>) target_semaphore(%run_scoped3A : memref<!tpu.dma_semaphore, #tpu.memory_space<semaphore_mem>>)
        %dma_wait3A_99 = arith.constant 9600 : i32
        %dma_wait3A_100 = arith.constant 0 : i32
        %dma_wait3A_101 = tpu.memref_slice %arg13[%dma_wait3A_99, %dma_wait3A_100] : memref<10240x128xf32, #tpu.memory_space<vmem_shared>> -> memref<400x128xf32, #tpu.memory_space<vmem_shared>>
        %dma_wait3A_102 = arith.constant 9600 : i32
        %dma_wait3A_103 = arith.constant 0 : i32
        %dma_wait3A_104 = tpu.memref_slice %arg2[%dma_wait3A_102, %dma_wait3A_103] : memref<10000x128xf32, #tpu.memory_space<hbm>> -> memref<400x128xf32, #tpu.memory_space<hbm>>
        tpu.wait_dma2 semaphore(%run_scoped3A : memref<!tpu.dma_semaphore, #tpu.memory_space<semaphore_mem>>) src(%dma_wait3A_104 : memref<400x128xf32, #tpu.memory_space<hbm>>) dst(%dma_wait3A_101 : memref<400x128xf32, #tpu.memory_space<vmem_shared>>)
        tpu.yield
      }) : () -> ()
      "tpu.region"() ({
        %run_scoped3A = tpu.sem_alloc : memref<!tpu.dma_semaphore, #tpu.memory_space<semaphore_mem>>
        %dma_start3A_93 = arith.constant 10000 : i32
        %dma_start3A_94 = arith.constant 0 : i32
        %dma_start3A_95 = tpu.memref_slice %arg13[%dma_start3A_93, %dma_start3A_94] : memref<10240x128xf32, #tpu.memory_space<vmem_shared>> -> memref<240x128xf32, #tpu.memory_space<vmem_shared>>
        %dma_start3A_96 = arith.constant 0 : i32
        %dma_start3A_97 = arith.constant 0 : i32
        %dma_start3A_98 = tpu.memref_slice %arg6[%dma_start3A_96, %dma_start3A_97] : memref<640x128xf32, #tpu.memory_space<hbm>> -> memref<240x128xf32, #tpu.memory_space<hbm>>
        tpu.enqueue_dma source(%dma_start3A_98 : memref<240x128xf32, #tpu.memory_space<hbm>>) target(%dma_start3A_95 : memref<240x128xf32, #tpu.memory_space<vmem_shared>>) target_semaphore(%run_scoped3A : memref<!tpu.dma_semaphore, #tpu.memory_space<semaphore_mem>>)
        %dma_wait3A_99 = arith.constant 10000 : i32
        %dma_wait3A_100 = arith.constant 0 : i32
        %dma_wait3A_101 = tpu.memref_slice %arg13[%dma_wait3A_99, %dma_wait3A_100] : memref<10240x128xf32, #tpu.memory_space<vmem_shared>> -> memref<240x128xf32, #tpu.memory_space<vmem_shared>>
        %dma_wait3A_102 = arith.constant 0 : i32
        %dma_wait3A_103 = arith.constant 0 : i32
        %dma_wait3A_104 = tpu.memref_slice %arg6[%dma_wait3A_102, %dma_wait3A_103] : memref<640x128xf32, #tpu.memory_space<hbm>> -> memref<240x128xf32, #tpu.memory_space<hbm>>
        tpu.wait_dma2 semaphore(%run_scoped3A : memref<!tpu.dma_semaphore, #tpu.memory_space<semaphore_mem>>) src(%dma_wait3A_104 : memref<240x128xf32, #tpu.memory_space<hbm>>) dst(%dma_wait3A_101 : memref<240x128xf32, #tpu.memory_space<vmem_shared>>)
        tpu.yield
      }) : () -> ()
    } else {
    }
    %ne3A = arith.constant 0 : i32
    %ne3A_32 = arith.cmpi ne, %arg0, %ne3A : i32
    %gt3A = arith.constant 15 : i32
    %gt3A_33 = arith.cmpi sgt, %arg1, %gt3A : i32
    %or3A = arith.ori %ne3A_32, %gt3A_33 : i1
    %convert_element_type3A_34 = arith.extui %or3A : i1 to i32
    %cond3A_35 = arith.constant 0 : i32
    %cond3A_36 = arith.cmpi ne, %convert_element_type3A_34, %cond3A_35 : i32
    scf.if %cond3A_36 {
      %mul3A_93 = arith.constant 640 : i32
      %mul3A_94 = arith.muli %arg1, %mul3A_93 : i32
      "tpu.region"() ({
        %run_scoped3A = tpu.sem_alloc : memref<!tpu.dma_semaphore, #tpu.memory_space<semaphore_mem>>
        %dma_start3A_95 = arith.constant 0 : i32
        %dma_start3A_96 = tpu.memref_slice %arg13[%mul3A_94, %dma_start3A_95] : memref<10240x128xf32, #tpu.memory_space<vmem_shared>> -> memref<640x128xf32, #tpu.memory_space<vmem_shared>>
        tpu.enqueue_dma source(%arg6 : memref<640x128xf32, #tpu.memory_space<hbm>>) target(%dma_start3A_96 : memref<640x128xf32, #tpu.memory_space<vmem_shared>>) target_semaphore(%run_scoped3A : memref<!tpu.dma_semaphore, #tpu.memory_space<semaphore_mem>>)
        %dma_wait3A_97 = arith.constant 0 : i32
        %dma_wait3A_98 = tpu.memref_slice %arg13[%mul3A_94, %dma_wait3A_97] : memref<10240x128xf32, #tpu.memory_space<vmem_shared>> -> memref<640x128xf32, #tpu.memory_space<vmem_shared>>
        tpu.wait_dma2 semaphore(%run_scoped3A : memref<!tpu.dma_semaphore, #tpu.memory_space<semaphore_mem>>) src(%arg6 : memref<640x128xf32, #tpu.memory_space<hbm>>) dst(%dma_wait3A_98 : memref<640x128xf32, #tpu.memory_space<vmem_shared>>)
        tpu.yield
      }) : () -> ()
    } else {
    }
    %mul3A_37 = arith.constant 78 : i32
    %mul3A_38 = arith.muli %add3A, %mul3A_37 : i32
    %dma_wait3A = arith.constant 0 : i32
    %dma_wait3A_39 = arith.constant 0 : i32
    %dma_wait3A_40 = arith.constant 0 : i32
    %dma_wait3A_41 = tpu.memref_slice %arg8[%dma_wait3A, %dma_wait3A_39, %dma_wait3A_40] : memref<79x1x128xi32, #tpu.memory_space<vmem>> -> memref<78x1x128xi32, #tpu.memory_space<vmem>>
    %dma_wait3A_42 = arith.constant 0 : i32
    %dma_wait3A_43 = arith.constant 0 : i32
    %dma_wait3A_44 = tpu.memref_slice %arg3[%mul3A_38, %dma_wait3A_42, %dma_wait3A_43] : memref<2500x1x128xi32, #tpu.memory_space<hbm>> -> memref<78x1x128xi32, #tpu.memory_space<hbm>>
    %dma_wait3A_45 = arith.constant 0 : i32
    %dma_wait3A_46 = arith.constant 0 : i32
    %dma_wait3A_47 = arith.constant 0 : i32
    %dma_wait3A_48 = tpu.memref_slice %arg8[%dma_wait3A_45, %dma_wait3A_46, %dma_wait3A_47] : memref<79x1x128xi32, #tpu.memory_space<vmem>> -> memref<78x1x128xi32, #tpu.memory_space<vmem>>
    %dma_wait3A_49 = arith.constant 0 : i32
    %dma_wait3A_50 = arith.constant 0 : i32
    %dma_wait3A_51 = tpu.memref_slice %arg3[%mul3A_38, %dma_wait3A_49, %dma_wait3A_50] : memref<2500x1x128xi32, #tpu.memory_space<hbm>> -> memref<78x1x128xi32, #tpu.memory_space<hbm>>
    tpu.wait_dma2 semaphore(%arg15 : memref<!tpu.dma_semaphore, #tpu.memory_space<semaphore_mem>>) src(%dma_wait3A_51 : memref<78x1x128xi32, #tpu.memory_space<hbm>>) dst(%dma_wait3A_48 : memref<78x1x128xi32, #tpu.memory_space<vmem>>)
    %lt3A_52 = arith.constant 4 : i32
    %lt3A_53 = arith.cmpi slt, %add3A, %lt3A_52 : i32
    %convert_element_type3A_54 = arith.extui %lt3A_53 : i1 to i32
    %cond3A_55 = arith.constant 0 : i32
    %cond3A_56 = arith.cmpi ne, %convert_element_type3A_54, %cond3A_55 : i32
    scf.if %cond3A_56 {
      %add3A_93 = arith.constant 2496 : i32
      %add3A_94 = arith.addi %add3A_93, %add3A : i32
      %mul3A_95 = arith.constant 128 : i32
      %mul3A_96 = arith.muli %add3A_94, %mul3A_95 : i32
      %dma_wait3A_97 = arith.constant 78 : i32
      %dma_wait3A_98 = arith.constant 0 : i32
      %dma_wait3A_99 = arith.constant 0 : i32
      %dma_wait3A_100 = tpu.memref_slice %arg8[%dma_wait3A_97, %dma_wait3A_98, %dma_wait3A_99] : memref<79x1x128xi32, #tpu.memory_space<vmem>> -> memref<1x1x128xi32, #tpu.memory_space<vmem>>
      %dma_wait3A_101 = tpu.memref_squeeze %dma_wait3A_100 : memref<1x1x128xi32, #tpu.memory_space<vmem>> -> memref<128xi32, #tpu.memory_space<vmem>>
      %dma_wait3A_102 = tpu.memref_slice %arg4[%mul3A_96] : memref<320000xi32, #tpu.memory_space<hbm>> -> memref<128xi32, #tpu.memory_space<hbm>>
      %dma_wait3A_103 = arith.constant 0 : i32
      %dma_wait3A_104 = tpu.memref_slice %arg8[%dma_wait3A_97, %dma_wait3A_98, %dma_wait3A_103] : memref<79x1x128xi32, #tpu.memory_space<vmem>> -> memref<1x1x128xi32, #tpu.memory_space<vmem>>
      %dma_wait3A_105 = tpu.memref_squeeze %dma_wait3A_104 : memref<1x1x128xi32, #tpu.memory_space<vmem>> -> memref<128xi32, #tpu.memory_space<vmem>>
      %dma_wait3A_106 = tpu.memref_slice %arg4[%mul3A_96] : memref<320000xi32, #tpu.memory_space<hbm>> -> memref<128xi32, #tpu.memory_space<hbm>>
      tpu.wait_dma2 semaphore(%arg15 : memref<!tpu.dma_semaphore, #tpu.memory_space<semaphore_mem>>) src(%dma_wait3A_106 : memref<128xi32, #tpu.memory_space<hbm>>) dst(%dma_wait3A_105 : memref<128xi32, #tpu.memory_space<vmem>>)
    } else {
    }
    %barrier3A = arith.constant 0 : index
    tpu.barrier barrier_id(%barrier3A)
    %dma_start3A_57 = arith.constant 0 : i32
    %dma_start3A_58 = arith.constant 0 : i32
    %dma_start3A_59 = arith.constant 0 : i32
    %dma_start3A_60 = tpu.memref_slice %arg8[%dma_start3A_57, %dma_start3A_58, %dma_start3A_59] : memref<79x1x128xi32, #tpu.memory_space<vmem>> -> memref<1x1x128xi32, #tpu.memory_space<vmem>>
    %dma_start3A_61 = tpu.memref_squeeze %dma_start3A_60 : memref<1x1x128xi32, #tpu.memory_space<vmem>> -> memref<128xi32, #tpu.memory_space<vmem>>
    %dma_start3A_62 = arith.constant 0 : i32
    %dma_start3A_63 = arith.constant 0 : i32
    %dma_start3A_64 = tpu.memref_slice %arg2[%dma_start3A_62, %dma_start3A_63] : memref<10000x128xf32, #tpu.memory_space<hbm>> -> memref<10000x128xf32, #tpu.memory_space<hbm>>
    tpu.enqueue_indirect_dma source(%dma_start3A_64 : memref<10000x128xf32, #tpu.memory_space<hbm>>) target(%arg11 : memref<128x128xf32, #tpu.memory_space<vmem>>) offsets(%dma_start3A_61 : memref<128xi32, #tpu.memory_space<vmem>>) semaphore(%arg14 : memref<!tpu.dma_semaphore, #tpu.memory_space<semaphore_mem>>)
    %mul3A_65 = arith.constant 78 : i32
    %mul3A_66 = arith.muli %add3A, %mul3A_65 : i32
    %add3A_67 = arith.constant 0 : i32
    %add3A_68 = arith.addi %mul3A_66, %add3A_67 : i32
    %add3A_69 = arith.constant 2496 : i32
    %add3A_70 = arith.addi %add3A_69, %add3A : i32
    %jit3A = arith.constant true
    %select_n3A = arith.select %jit3A, %add3A_68, %add3A_70 : i32
    %mul3A_71 = arith.constant 128 : i32
    %mul3A_72 = arith.muli %select_n3A, %mul3A_71 : i32
    %dma_start3A_73 = tpu.memref_slice %arg5[%mul3A_72] : memref<320000xi32, #tpu.memory_space<hbm>> -> memref<128xi32, #tpu.memory_space<hbm>>
    %dma_start3A_74 = tpu.memref_slice %arg5[%mul3A_72] : memref<320000xi32, #tpu.memory_space<hbm>> -> memref<128xi32, #tpu.memory_space<hbm>>
    tpu.enqueue_dma source(%dma_start3A_74 : memref<128xi32, #tpu.memory_space<hbm>>) target(%arg9 : memref<128xi32, #tpu.memory_space<vmem>>) target_semaphore(%arg14 : memref<!tpu.dma_semaphore, #tpu.memory_space<semaphore_mem>>)
    %scan3A = arith.constant 0 : i32
    %scan3A_75 = arith.constant 0 : i32
    %scan3A_76 = arith.constant 39 : i32
    %scan3A_77 = arith.addi %scan3A_75, %scan3A_76 : i32
    %scan3A_78 = arith.constant 1 : i32
    scf.for %scan3A_93 = %scan3A_75 to %scan3A_77 step %scan3A_78  : i32 {
      %mul3A_94 = arith.constant 2 : i32
      %mul3A_95 = arith.muli %mul3A_94, %scan3A_93 : i32
      %add3A_96 = arith.constant 0 : i32
      %add3A_97 = arith.addi %mul3A_95, %add3A_96 : i32
      %add3A_98 = arith.constant 1 : i32
      %add3A_99 = arith.addi %add3A_97, %add3A_98 : i32
      %gt3A_100 = arith.constant 0 : i32
      %gt3A_101 = arith.cmpi sgt, %scan3A_93, %gt3A_100 : i32
      %convert_element_type3A_102 = arith.extui %gt3A_101 : i1 to i32
      %cond3A_103 = arith.constant 0 : i32
      %cond3A_104 = arith.cmpi ne, %convert_element_type3A_102, %cond3A_103 : i32
      scf.if %cond3A_104 {
        %dma_wait3A_164 = arith.constant 0 : i32
        %dma_wait3A_165 = arith.constant 0 : i32
        %dma_wait3A_166 = tpu.memref_slice %arg13[%dma_wait3A_164, %dma_wait3A_165] : memref<10240x128xf32, #tpu.memory_space<vmem_shared>> -> memref<10240x128xf32, #tpu.memory_space<vmem_shared>>
        tpu.wait_indirect_dma semaphore(%arg17 : memref<!tpu.dma_semaphore, #tpu.memory_space<semaphore_mem>>) src(%arg12 : memref<128x128xf32, #tpu.memory_space<vmem>>) dst(%dma_wait3A_166 : memref<10240x128xf32, #tpu.memory_space<vmem_shared>>)
      } else {
      }
      %lt3A_105 = arith.constant 78 : i32
      %lt3A_106 = arith.cmpi slt, %add3A_99, %lt3A_105 : i32
      %eq3A_107 = arith.constant 78 : i32
      %eq3A_108 = arith.cmpi eq, %add3A_99, %eq3A_107 : i32
      %lt3A_109 = arith.constant 4 : i32
      %lt3A_110 = arith.cmpi slt, %add3A, %lt3A_109 : i32
      %and3A_111 = arith.andi %eq3A_108, %lt3A_110 : i1
      %or3A_112 = arith.ori %lt3A_106, %and3A_111 : i1
      %convert_element_type3A_113 = arith.extui %or3A_112 : i1 to i32
      %cond3A_114 = arith.constant 0 : i32
      %cond3A_115 = arith.cmpi ne, %convert_element_type3A_113, %cond3A_114 : i32
      scf.if %cond3A_115 {
        %dma_start3A_164 = arith.constant 0 : i32
        %dma_start3A_165 = arith.constant 0 : i32
        %dma_start3A_166 = tpu.memref_slice %arg8[%add3A_99, %dma_start3A_164, %dma_start3A_165] : memref<79x1x128xi32, #tpu.memory_space<vmem>> -> memref<1x1x128xi32, #tpu.memory_space<vmem>>
        %dma_start3A_167 = tpu.memref_squeeze %dma_start3A_166 : memref<1x1x128xi32, #tpu.memory_space<vmem>> -> memref<128xi32, #tpu.memory_space<vmem>>
        %dma_start3A_168 = arith.constant 0 : i32
        %dma_start3A_169 = arith.constant 0 : i32
        %dma_start3A_170 = tpu.memref_slice %arg2[%dma_start3A_168, %dma_start3A_169] : memref<10000x128xf32, #tpu.memory_space<hbm>> -> memref<10000x128xf32, #tpu.memory_space<hbm>>
        tpu.enqueue_indirect_dma source(%dma_start3A_170 : memref<10000x128xf32, #tpu.memory_space<hbm>>) target(%arg12 : memref<128x128xf32, #tpu.memory_space<vmem>>) offsets(%dma_start3A_167 : memref<128xi32, #tpu.memory_space<vmem>>) semaphore(%arg15 : memref<!tpu.dma_semaphore, #tpu.memory_space<semaphore_mem>>)
        %lt3A_171 = arith.constant 78 : i32
        %lt3A_172 = arith.cmpi slt, %add3A_99, %lt3A_171 : i32
        %mul3A_173 = arith.constant 78 : i32
        %mul3A_174 = arith.muli %add3A, %mul3A_173 : i32
        %add3A_175 = arith.addi %mul3A_174, %add3A_99 : i32
        %add3A_176 = arith.constant 2496 : i32
        %add3A_177 = arith.addi %add3A_176, %add3A : i32
        %select_n3A_178 = arith.select %lt3A_172, %add3A_175, %add3A_177 : i32
        %mul3A_179 = arith.constant 128 : i32
        %mul3A_180 = arith.muli %select_n3A_178, %mul3A_179 : i32
        %dma_start3A_181 = tpu.memref_slice %arg5[%mul3A_180] : memref<320000xi32, #tpu.memory_space<hbm>> -> memref<128xi32, #tpu.memory_space<hbm>>
        %dma_start3A_182 = tpu.memref_slice %arg5[%mul3A_180] : memref<320000xi32, #tpu.memory_space<hbm>> -> memref<128xi32, #tpu.memory_space<hbm>>
        tpu.enqueue_dma source(%dma_start3A_182 : memref<128xi32, #tpu.memory_space<hbm>>) target(%arg10 : memref<128xi32, #tpu.memory_space<vmem>>) target_semaphore(%arg15 : memref<!tpu.dma_semaphore, #tpu.memory_space<semaphore_mem>>)
      } else {
      }
      %dma_wait3A_116 = arith.constant 0 : i32
      %dma_wait3A_117 = arith.constant 0 : i32
      %dma_wait3A_118 = tpu.memref_slice %arg8[%add3A_97, %dma_wait3A_116, %dma_wait3A_117] : memref<79x1x128xi32, #tpu.memory_space<vmem>> -> memref<1x1x128xi32, #tpu.memory_space<vmem>>
      %dma_wait3A_119 = tpu.memref_squeeze %dma_wait3A_118 : memref<1x1x128xi32, #tpu.memory_space<vmem>> -> memref<128xi32, #tpu.memory_space<vmem>>
      %dma_wait3A_120 = arith.constant 0 : i32
      %dma_wait3A_121 = arith.constant 0 : i32
      %dma_wait3A_122 = tpu.memref_slice %arg2[%dma_wait3A_120, %dma_wait3A_121] : memref<10000x128xf32, #tpu.memory_space<hbm>> -> memref<10000x128xf32, #tpu.memory_space<hbm>>
      tpu.wait_indirect_dma semaphore(%arg14 : memref<!tpu.dma_semaphore, #tpu.memory_space<semaphore_mem>>) src(%dma_wait3A_122 : memref<10000x128xf32, #tpu.memory_space<hbm>>) dst(%arg11 : memref<128x128xf32, #tpu.memory_space<vmem>>)
      %dma_wait3A_123 = arith.constant 0 : i32
      %dma_wait3A_124 = tpu.memref_slice %arg5[%dma_wait3A_123] : memref<320000xi32, #tpu.memory_space<hbm>> -> memref<128xi32, #tpu.memory_space<hbm>>
      %dma_wait3A_125 = arith.constant 0 : i32
      %dma_wait3A_126 = tpu.memref_slice %arg5[%dma_wait3A_125] : memref<320000xi32, #tpu.memory_space<hbm>> -> memref<128xi32, #tpu.memory_space<hbm>>
      tpu.wait_dma2 semaphore(%arg14 : memref<!tpu.dma_semaphore, #tpu.memory_space<semaphore_mem>>) src(%dma_wait3A_126 : memref<128xi32, #tpu.memory_space<hbm>>) dst(%arg9 : memref<128xi32, #tpu.memory_space<vmem>>)
      %dma_start3A_127 = arith.constant 0 : i32
      %dma_start3A_128 = arith.constant 0 : i32
      %dma_start3A_129 = tpu.memref_slice %arg13[%dma_start3A_127, %dma_start3A_128] : memref<10240x128xf32, #tpu.memory_space<vmem_shared>> -> memref<10240x128xf32, #tpu.memory_space<vmem_shared>>
      tpu.enqueue_indirect_dma source(%arg11 : memref<128x128xf32, #tpu.memory_space<vmem>>) target(%dma_start3A_129 : memref<10240x128xf32, #tpu.memory_space<vmem_shared>>) offsets(%arg9 : memref<128xi32, #tpu.memory_space<vmem>>) semaphore(%arg16 : memref<!tpu.dma_semaphore, #tpu.memory_space<semaphore_mem>>) {add = true}
      %mul3A_130 = arith.constant 2 : i32
      %mul3A_131 = arith.muli %mul3A_130, %scan3A_93 : i32
      %add3A_132 = arith.constant 1 : i32
      %add3A_133 = arith.addi %mul3A_131, %add3A_132 : i32
      %add3A_134 = arith.constant 1 : i32
      %add3A_135 = arith.addi %add3A_133, %add3A_134 : i32
      %dma_wait3A_136 = arith.constant 0 : i32
      %dma_wait3A_137 = arith.constant 0 : i32
      %dma_wait3A_138 = tpu.memref_slice %arg13[%dma_wait3A_136, %dma_wait3A_137] : memref<10240x128xf32, #tpu.memory_space<vmem_shared>> -> memref<10240x128xf32, #tpu.memory_space<vmem_shared>>
      tpu.wait_indirect_dma semaphore(%arg16 : memref<!tpu.dma_semaphore, #tpu.memory_space<semaphore_mem>>) src(%arg11 : memref<128x128xf32, #tpu.memory_space<vmem>>) dst(%dma_wait3A_138 : memref<10240x128xf32, #tpu.memory_space<vmem_shared>>)
      %lt3A_139 = arith.constant 78 : i32
      %lt3A_140 = arith.cmpi slt, %add3A_135, %lt3A_139 : i32
      %eq3A_141 = arith.constant 78 : i32
      %eq3A_142 = arith.cmpi eq, %add3A_135, %eq3A_141 : i32
      %lt3A_143 = arith.constant 4 : i32
      %lt3A_144 = arith.cmpi slt, %add3A, %lt3A_143 : i32
      %and3A_145 = arith.andi %eq3A_142, %lt3A_144 : i1
      %or3A_146 = arith.ori %lt3A_140, %and3A_145 : i1
      %convert_element_type3A_147 = arith.extui %or3A_146 : i1 to i32
      %cond3A_148 = arith.constant 0 : i32
      %cond3A_149 = arith.cmpi ne, %convert_element_type3A_147, %cond3A_148 : i32
      scf.if %cond3A_149 {
        %dma_start3A_164 = arith.constant 0 : i32
        %dma_start3A_165 = arith.constant 0 : i32
        %dma_start3A_166 = tpu.memref_slice %arg8[%add3A_135, %dma_start3A_164, %dma_start3A_165] : memref<79x1x128xi32, #tpu.memory_space<vmem>> -> memref<1x1x128xi32, #tpu.memory_space<vmem>>
        %dma_start3A_167 = tpu.memref_squeeze %dma_start3A_166 : memref<1x1x128xi32, #tpu.memory_space<vmem>> -> memref<128xi32, #tpu.memory_space<vmem>>
        %dma_start3A_168 = arith.constant 0 : i32
        %dma_start3A_169 = arith.constant 0 : i32
        %dma_start3A_170 = tpu.memref_slice %arg2[%dma_start3A_168, %dma_start3A_169] : memref<10000x128xf32, #tpu.memory_space<hbm>> -> memref<10000x128xf32, #tpu.memory_space<hbm>>
        tpu.enqueue_indirect_dma source(%dma_start3A_170 : memref<10000x128xf32, #tpu.memory_space<hbm>>) target(%arg11 : memref<128x128xf32, #tpu.memory_space<vmem>>) offsets(%dma_start3A_167 : memref<128xi32, #tpu.memory_space<vmem>>) semaphore(%arg14 : memref<!tpu.dma_semaphore, #tpu.memory_space<semaphore_mem>>)
        %lt3A_171 = arith.constant 78 : i32
        %lt3A_172 = arith.cmpi slt, %add3A_135, %lt3A_171 : i32
        %mul3A_173 = arith.constant 78 : i32
        %mul3A_174 = arith.muli %add3A, %mul3A_173 : i32
        %add3A_175 = arith.addi %mul3A_174, %add3A_135 : i32
        %add3A_176 = arith.constant 2496 : i32
        %add3A_177 = arith.addi %add3A_176, %add3A : i32
        %select_n3A_178 = arith.select %lt3A_172, %add3A_175, %add3A_177 : i32
        %mul3A_179 = arith.constant 128 : i32
        %mul3A_180 = arith.muli %select_n3A_178, %mul3A_179 : i32
        %dma_start3A_181 = tpu.memref_slice %arg5[%mul3A_180] : memref<320000xi32, #tpu.memory_space<hbm>> -> memref<128xi32, #tpu.memory_space<hbm>>
        %dma_start3A_182 = tpu.memref_slice %arg5[%mul3A_180] : memref<320000xi32, #tpu.memory_space<hbm>> -> memref<128xi32, #tpu.memory_space<hbm>>
        tpu.enqueue_dma source(%dma_start3A_182 : memref<128xi32, #tpu.memory_space<hbm>>) target(%arg9 : memref<128xi32, #tpu.memory_space<vmem>>) target_semaphore(%arg14 : memref<!tpu.dma_semaphore, #tpu.memory_space<semaphore_mem>>)
      } else {
      }
      %dma_wait3A_150 = arith.constant 0 : i32
      %dma_wait3A_151 = arith.constant 0 : i32
      %dma_wait3A_152 = tpu.memref_slice %arg8[%add3A_133, %dma_wait3A_150, %dma_wait3A_151] : memref<79x1x128xi32, #tpu.memory_space<vmem>> -> memref<1x1x128xi32, #tpu.memory_space<vmem>>
      %dma_wait3A_153 = tpu.memref_squeeze %dma_wait3A_152 : memref<1x1x128xi32, #tpu.memory_space<vmem>> -> memref<128xi32, #tpu.memory_space<vmem>>
      %dma_wait3A_154 = arith.constant 0 : i32
      %dma_wait3A_155 = arith.constant 0 : i32
      %dma_wait3A_156 = tpu.memref_slice %arg2[%dma_wait3A_154, %dma_wait3A_155] : memref<10000x128xf32, #tpu.memory_space<hbm>> -> memref<10000x128xf32, #tpu.memory_space<hbm>>
      tpu.wait_indirect_dma semaphore(%arg15 : memref<!tpu.dma_semaphore, #tpu.memory_space<semaphore_mem>>) src(%dma_wait3A_156 : memref<10000x128xf32, #tpu.memory_space<hbm>>) dst(%arg12 : memref<128x128xf32, #tpu.memory_space<vmem>>)
      %dma_wait3A_157 = arith.constant 0 : i32
      %dma_wait3A_158 = tpu.memref_slice %arg5[%dma_wait3A_157] : memref<320000xi32, #tpu.memory_space<hbm>> -> memref<128xi32, #tpu.memory_space<hbm>>
      %dma_wait3A_159 = arith.constant 0 : i32
      %dma_wait3A_160 = tpu.memref_slice %arg5[%dma_wait3A_159] : memref<320000xi32, #tpu.memory_space<hbm>> -> memref<128xi32, #tpu.memory_space<hbm>>
      tpu.wait_dma2 semaphore(%arg15 : memref<!tpu.dma_semaphore, #tpu.memory_space<semaphore_mem>>) src(%dma_wait3A_160 : memref<128xi32, #tpu.memory_space<hbm>>) dst(%arg10 : memref<128xi32, #tpu.memory_space<vmem>>)
      %dma_start3A_161 = arith.constant 0 : i32
      %dma_start3A_162 = arith.constant 0 : i32
      %dma_start3A_163 = tpu.memref_slice %arg13[%dma_start3A_161, %dma_start3A_162] : memref<10240x128xf32, #tpu.memory_space<vmem_shared>> -> memref<10240x128xf32, #tpu.memory_space<vmem_shared>>
      tpu.enqueue_indirect_dma source(%arg12 : memref<128x128xf32, #tpu.memory_space<vmem>>) target(%dma_start3A_163 : memref<10240x128xf32, #tpu.memory_space<vmem_shared>>) offsets(%arg10 : memref<128xi32, #tpu.memory_space<vmem>>) semaphore(%arg17 : memref<!tpu.dma_semaphore, #tpu.memory_space<semaphore_mem>>) {add = true}
    }
    %scan3A_79 = arith.constant 39 : i32
    %lt3A_80 = arith.constant 4 : i32
    %lt3A_81 = arith.cmpi slt, %add3A, %lt3A_80 : i32
    %convert_element_type3A_82 = arith.extui %lt3A_81 : i1 to i32
    %cond3A_83 = arith.constant 0 : i32
    %cond3A_84 = arith.cmpi ne, %convert_element_type3A_82, %cond3A_83 : i32
    scf.if %cond3A_84 {
      %dma_wait3A_93 = arith.constant 78 : i32
      %dma_wait3A_94 = arith.constant 0 : i32
      %dma_wait3A_95 = arith.constant 0 : i32
      %dma_wait3A_96 = tpu.memref_slice %arg8[%dma_wait3A_93, %dma_wait3A_94, %dma_wait3A_95] : memref<79x1x128xi32, #tpu.memory_space<vmem>> -> memref<1x1x128xi32, #tpu.memory_space<vmem>>
      %dma_wait3A_97 = tpu.memref_squeeze %dma_wait3A_96 : memref<1x1x128xi32, #tpu.memory_space<vmem>> -> memref<128xi32, #tpu.memory_space<vmem>>
      %dma_wait3A_98 = arith.constant 0 : i32
      %dma_wait3A_99 = arith.constant 0 : i32
      %dma_wait3A_100 = tpu.memref_slice %arg2[%dma_wait3A_98, %dma_wait3A_99] : memref<10000x128xf32, #tpu.memory_space<hbm>> -> memref<10000x128xf32, #tpu.memory_space<hbm>>
      tpu.wait_indirect_dma semaphore(%arg14 : memref<!tpu.dma_semaphore, #tpu.memory_space<semaphore_mem>>) src(%dma_wait3A_100 : memref<10000x128xf32, #tpu.memory_space<hbm>>) dst(%arg11 : memref<128x128xf32, #tpu.memory_space<vmem>>)
      %dma_wait3A_101 = arith.constant 0 : i32
      %dma_wait3A_102 = tpu.memref_slice %arg5[%dma_wait3A_101] : memref<320000xi32, #tpu.memory_space<hbm>> -> memref<128xi32, #tpu.memory_space<hbm>>
      %dma_wait3A_103 = arith.constant 0 : i32
      %dma_wait3A_104 = tpu.memref_slice %arg5[%dma_wait3A_103] : memref<320000xi32, #tpu.memory_space<hbm>> -> memref<128xi32, #tpu.memory_space<hbm>>
      tpu.wait_dma2 semaphore(%arg14 : memref<!tpu.dma_semaphore, #tpu.memory_space<semaphore_mem>>) src(%dma_wait3A_104 : memref<128xi32, #tpu.memory_space<hbm>>) dst(%arg9 : memref<128xi32, #tpu.memory_space<vmem>>)
      %dma_start3A_105 = arith.constant 0 : i32
      %dma_start3A_106 = arith.constant 0 : i32
      %dma_start3A_107 = tpu.memref_slice %arg13[%dma_start3A_105, %dma_start3A_106] : memref<10240x128xf32, #tpu.memory_space<vmem_shared>> -> memref<10240x128xf32, #tpu.memory_space<vmem_shared>>
      tpu.enqueue_indirect_dma source(%arg11 : memref<128x128xf32, #tpu.memory_space<vmem>>) target(%dma_start3A_107 : memref<10240x128xf32, #tpu.memory_space<vmem_shared>>) offsets(%arg9 : memref<128xi32, #tpu.memory_space<vmem>>) semaphore(%arg16 : memref<!tpu.dma_semaphore, #tpu.memory_space<semaphore_mem>>) {add = true}
      %dma_wait3A_108 = arith.constant 0 : i32
      %dma_wait3A_109 = arith.constant 0 : i32
      %dma_wait3A_110 = tpu.memref_slice %arg13[%dma_wait3A_108, %dma_wait3A_109] : memref<10240x128xf32, #tpu.memory_space<vmem_shared>> -> memref<10240x128xf32, #tpu.memory_space<vmem_shared>>
      tpu.wait_indirect_dma semaphore(%arg16 : memref<!tpu.dma_semaphore, #tpu.memory_space<semaphore_mem>>) src(%arg11 : memref<128x128xf32, #tpu.memory_space<vmem>>) dst(%dma_wait3A_110 : memref<10240x128xf32, #tpu.memory_space<vmem_shared>>)
    } else {
    }
    %dma_wait3A_85 = arith.constant 0 : i32
    %dma_wait3A_86 = arith.constant 0 : i32
    %dma_wait3A_87 = tpu.memref_slice %arg13[%dma_wait3A_85, %dma_wait3A_86] : memref<10240x128xf32, #tpu.memory_space<vmem_shared>> -> memref<10240x128xf32, #tpu.memory_space<vmem_shared>>
    tpu.wait_indirect_dma semaphore(%arg17 : memref<!tpu.dma_semaphore, #tpu.memory_space<semaphore_mem>>) src(%arg12 : memref<128x128xf32, #tpu.memory_space<vmem>>) dst(%dma_wait3A_87 : memref<10240x128xf32, #tpu.memory_space<vmem_shared>>)
    %barrier3A_88 = arith.constant 0 : index
    tpu.barrier barrier_id(%barrier3A_88)
    %mul3A_89 = arith.constant 640 : i32
    %mul3A_90 = arith.muli %arg1, %mul3A_89 : i32
    %mul3A_91 = arith.constant 640 : i32
    %mul3A_92 = arith.muli %arg1, %mul3A_91 : i32
    "tpu.region"() ({
      %run_scoped3A = tpu.sem_alloc : memref<!tpu.dma_semaphore, #tpu.memory_space<semaphore_mem>>
      %dma_start3A_93 = arith.constant 0 : i32
      %dma_start3A_94 = tpu.memref_slice %arg7[%arg0, %mul3A_92, %dma_start3A_93] : memref<2x10240x128xf32, #tpu.memory_space<hbm>> -> memref<1x640x128xf32, #tpu.memory_space<hbm>>
      %dma_start3A_95 = tpu.memref_squeeze %dma_start3A_94 : memref<1x640x128xf32, #tpu.memory_space<hbm>> -> memref<640x128xf32, #tpu.memory_space<hbm>>
      %dma_start3A_96 = arith.constant 0 : i32
      %dma_start3A_97 = tpu.memref_slice %arg13[%mul3A_90, %dma_start3A_96] : memref<10240x128xf32, #tpu.memory_space<vmem_shared>> -> memref<640x128xf32, #tpu.memory_space<vmem_shared>>
      tpu.enqueue_dma source(%dma_start3A_97 : memref<640x128xf32, #tpu.memory_space<vmem_shared>>) target(%dma_start3A_95 : memref<640x128xf32, #tpu.memory_space<hbm>>) target_semaphore(%run_scoped3A : memref<!tpu.dma_semaphore, #tpu.memory_space<semaphore_mem>>)
      %dma_wait3A_98 = arith.constant 0 : i32
      %dma_wait3A_99 = tpu.memref_slice %arg7[%arg0, %mul3A_92, %dma_wait3A_98] : memref<2x10240x128xf32, #tpu.memory_space<hbm>> -> memref<1x640x128xf32, #tpu.memory_space<hbm>>
      %dma_wait3A_100 = tpu.memref_squeeze %dma_wait3A_99 : memref<1x640x128xf32, #tpu.memory_space<hbm>> -> memref<640x128xf32, #tpu.memory_space<hbm>>
      %dma_wait3A_101 = arith.constant 0 : i32
      %dma_wait3A_102 = tpu.memref_slice %arg13[%mul3A_90, %dma_wait3A_101] : memref<10240x128xf32, #tpu.memory_space<vmem_shared>> -> memref<640x128xf32, #tpu.memory_space<vmem_shared>>
      tpu.wait_dma2 semaphore(%run_scoped3A : memref<!tpu.dma_semaphore, #tpu.memory_space<semaphore_mem>>) src(%dma_wait3A_102 : memref<640x128xf32, #tpu.memory_space<vmem_shared>>) dst(%dma_wait3A_100 : memref<640x128xf32, #tpu.memory_space<hbm>>)
      tpu.yield
    }) : () -> ()
    return
  }
}

module attributes {stable_mosaic.version = 14 : i64} {
  func.func @_pre_body(%arg0: i32, %arg1: memref<2000x128xf32, #tpu.memory_space<vmem>>, %arg2: memref<128x128xf32, #tpu.memory_space<vmem>>, %arg3: memref<2000x1xf32, #tpu.memory_space<vmem>>, %arg4: memref<2000x128xf32, #tpu.memory_space<vmem>>) attributes {dimension_semantics = [#tpu.dimension_semantics<arbitrary>], iteration_bounds = array<i64: 5>, scalar_prefetch = 0 : i64, scratch_operands = 0 : i64, tpu.core_type = #tpu.core_type<tc>, window_params = [{transform_indices = @transform_0, window_bounds = array<i64: 2000, 128>}, {pipeline_mode = #tpu.pipeline_mode<synchronous>, transform_indices = @transform_1, window_bounds = array<i64: 128, 128>}, {transform_indices = @transform_2, window_bounds = array<i64: 2000, 1>}, {transform_indices = @transform_3, window_bounds = array<i64: 2000, 128>}]} {
    %get3A = arith.constant 0 : index
    %get3A_0 = arith.constant 0 : index
    %get3A_1 = vector.load %arg3[%get3A, %get3A_0] : memref<2000x1xf32, #tpu.memory_space<vmem>>, vector<2000x1xf32>
    %add3A = arith.constant 1.000000e+00 : f32
    %add3A_2 = vector.broadcast %add3A : f32 to vector<2000x1xf32>
    %add3A_3 = arith.addf %add3A_2, %get3A_1 : vector<2000x1xf32>
    %rsqrt3A = math.rsqrt %add3A_3 : vector<2000x1xf32>
    %get3A_4 = arith.constant 0 : index
    %get3A_5 = arith.constant 0 : index
    %get3A_6 = vector.load %arg1[%get3A_4, %get3A_5] : memref<2000x128xf32, #tpu.memory_space<vmem>>, vector<2000x128xf32>
    %get3A_7 = arith.constant 0 : index
    %get3A_8 = arith.constant 0 : index
    %get3A_9 = vector.load %arg2[%get3A_7, %get3A_8] : memref<128x128xf32, #tpu.memory_space<vmem>>, vector<128x128xf32>
    %dot_general3A = arith.constant dense<0.000000e+00> : vector<2000x128xf32>
    %dot_general3A_10 = tpu.matmul %get3A_6, %get3A_9, %dot_general3A {dimension_numbers = #tpu.dot_dimension_numbers<[1], [0], [0], [1], [0, 0, 1, 1], [], []>, transpose_lhs_hint = false} : vector<2000x128xf32>, vector<128x128xf32>, vector<2000x128xf32> -> vector<2000x128xf32>
    %mul3A = vector.broadcast %rsqrt3A : vector<2000x1xf32> to vector<2000x128xf32>
    %mul3A_11 = arith.mulf %mul3A, %dot_general3A_10 : vector<2000x128xf32>
    %swap3A = arith.constant 0 : index
    %swap3A_12 = arith.constant 0 : index
    %swap3A_13 = vector.load %arg4[%swap3A, %swap3A_12] : memref<2000x128xf32, #tpu.memory_space<vmem>>, vector<2000x128xf32>
    tpu.vector_store %arg4[%swap3A, %swap3A_12], %mul3A_11 {strides = array<i32>} : memref<2000x128xf32, #tpu.memory_space<vmem>>, vector<2000x128xf32>,
    return
  }
  func.func @transform_0(%arg0: i32) -> (i32, i32) {
    %c0_i32 = arith.constant 0 : i32
    %c0_i32_0 = arith.constant 0 : i32
    return %arg0, %c0_i32 : i32, i32
  }
  func.func @transform_1(%arg0: i32) -> (i32, i32) {
    %c0_i32 = arith.constant 0 : i32
    %c0_i32_0 = arith.constant 0 : i32
    %c0_i32_1 = arith.constant 0 : i32
    return %c0_i32, %c0_i32_0 : i32, i32
  }
  func.func @transform_2(%arg0: i32) -> (i32, i32) {
    %c0_i32 = arith.constant 0 : i32
    %c0_i32_0 = arith.constant 0 : i32
    return %arg0, %c0_i32 : i32, i32
  }
  func.func @transform_3(%arg0: i32) -> (i32, i32) {
    %c0_i32 = arith.constant 0 : i32
    %c0_i32_0 = arith.constant 0 : i32
    return %arg0, %c0_i32 : i32, i32
  }
}

module attributes {stable_mosaic.version = 14 : i64} {
  func.func @_mid1_body(%arg0: i32, %arg1: memref<2x2000x128xf32, #tpu.memory_space<vmem>>, %arg2: memref<2000x1xf32, #tpu.memory_space<vmem>>, %arg3: memref<128xf32, #tpu.memory_space<vmem>>, %arg4: memref<128x128xf32, #tpu.memory_space<vmem>>, %arg5: memref<384x64xf32, #tpu.memory_space<vmem>>, %arg6: memref<2000x128xf32, #tpu.memory_space<vmem>>, %arg7: memref<2000x64xf32, #tpu.memory_space<vmem>>) attributes {dimension_semantics = [#tpu.dimension_semantics<arbitrary>], iteration_bounds = array<i64: 5>, scalar_prefetch = 0 : i64, scratch_operands = 0 : i64, tpu.core_type = #tpu.core_type<tc>, window_params = [{transform_indices = @transform_0, window_bounds = array<i64: 2, 2000, 128>}, {transform_indices = @transform_1, window_bounds = array<i64: 2000, 1>}, {pipeline_mode = #tpu.pipeline_mode<synchronous>, transform_indices = @transform_2, window_bounds = array<i64: 128>}, {pipeline_mode = #tpu.pipeline_mode<synchronous>, transform_indices = @transform_3, window_bounds = array<i64: 128, 128>}, {pipeline_mode = #tpu.pipeline_mode<synchronous>, transform_indices = @transform_4, window_bounds = array<i64: 384, 64>}, {transform_indices = @transform_5, window_bounds = array<i64: 2000, 128>}, {transform_indices = @transform_6, window_bounds = array<i64: 2000, 64>}]} {
    %get3A = arith.constant 0 : index
    %get3A_0 = arith.constant 0 : index
    %get3A_1 = vector.load %arg2[%get3A, %get3A_0] : memref<2000x1xf32, #tpu.memory_space<vmem>>, vector<2000x1xf32>
    %add3A = arith.constant 1.000000e+00 : f32
    %add3A_2 = vector.broadcast %add3A : f32 to vector<2000x1xf32>
    %add3A_3 = arith.addf %add3A_2, %get3A_1 : vector<2000x1xf32>
    %rsqrt3A = math.rsqrt %add3A_3 : vector<2000x1xf32>
    %get3A_4 = arith.constant 0 : index
    %get3A_5 = arith.constant 0 : index
    %get3A_6 = arith.constant 0 : index
    %get3A_7 = vector.load %arg1[%get3A_4, %get3A_5, %get3A_6] : memref<2x2000x128xf32, #tpu.memory_space<vmem>>, vector<1x2000x128xf32>
    %get3A_8 = vector.shape_cast %get3A_7 : vector<1x2000x128xf32> to vector<2000x128xf32>
    %get3A_9 = arith.constant 1 : index
    %get3A_10 = arith.constant 0 : index
    %get3A_11 = arith.constant 0 : index
    %get3A_12 = vector.load %arg1[%get3A_9, %get3A_10, %get3A_11] : memref<2x2000x128xf32, #tpu.memory_space<vmem>>, vector<1x2000x128xf32>
    %get3A_13 = vector.shape_cast %get3A_12 : vector<1x2000x128xf32> to vector<2000x128xf32>
    %add3A_14 = arith.addf %get3A_8, %get3A_13 : vector<2000x128xf32>
    %mul3A = vector.broadcast %rsqrt3A : vector<2000x1xf32> to vector<2000x128xf32>
    %mul3A_15 = arith.mulf %mul3A, %add3A_14 : vector<2000x128xf32>
    %get3A_16 = arith.constant 0 : index
    %get3A_17 = vector.load %arg3[%get3A_16] : memref<128xf32, #tpu.memory_space<vmem>>, vector<128xf32>
    %broadcast_in_dim3A = vector.shape_cast %get3A_17 : vector<128xf32> to vector<1x128xf32>
    %add3A_18 = vector.broadcast %broadcast_in_dim3A : vector<1x128xf32> to vector<2000x128xf32>
    %add3A_19 = arith.addf %mul3A_15, %add3A_18 : vector<2000x128xf32>
    %max3A = arith.constant 0.000000e+00 : f32
    %max3A_20 = vector.broadcast %max3A : f32 to vector<2000x128xf32>
    %max3A_21 = arith.maximumf %add3A_19, %max3A_20 : vector<2000x128xf32>
    %get3A_22 = arith.constant 0 : index
    %get3A_23 = arith.constant 0 : index
    %get3A_24 = vector.load %arg4[%get3A_22, %get3A_23] : memref<128x128xf32, #tpu.memory_space<vmem>>, vector<128x128xf32>
    %dot_general3A = arith.constant dense<0.000000e+00> : vector<2000x128xf32>
    %dot_general3A_25 = tpu.matmul %max3A_21, %get3A_24, %dot_general3A {dimension_numbers = #tpu.dot_dimension_numbers<[1], [0], [0], [1], [0, 0, 1, 1], [], []>, transpose_lhs_hint = false} : vector<2000x128xf32>, vector<128x128xf32>, vector<2000x128xf32> -> vector<2000x128xf32>
    %mul3A_26 = vector.broadcast %rsqrt3A : vector<2000x1xf32> to vector<2000x128xf32>
    %mul3A_27 = arith.mulf %mul3A_26, %dot_general3A_25 : vector<2000x128xf32>
    %swap3A = arith.constant 0 : index
    %swap3A_28 = arith.constant 0 : index
    %swap3A_29 = vector.load %arg6[%swap3A, %swap3A_28] : memref<2000x128xf32, #tpu.memory_space<vmem>>, vector<2000x128xf32>
    tpu.vector_store %arg6[%swap3A, %swap3A_28], %mul3A_27 {strides = array<i32>} : memref<2000x128xf32, #tpu.memory_space<vmem>>, vector<2000x128xf32>,
    %get3A_30 = arith.constant 0 : index
    %get3A_31 = arith.constant 0 : index
    %get3A_32 = vector.load %arg5[%get3A_30, %get3A_31] : memref<384x64xf32, #tpu.memory_space<vmem>>, vector<128x64xf32>
    %dot_general3A_33 = arith.constant dense<0.000000e+00> : vector<2000x64xf32>
    %dot_general3A_34 = tpu.matmul %max3A_21, %get3A_32, %dot_general3A_33 {dimension_numbers = #tpu.dot_dimension_numbers<[1], [0], [0], [1], [0, 0, 1, 1], [], []>, transpose_lhs_hint = false} : vector<2000x128xf32>, vector<128x64xf32>, vector<2000x64xf32> -> vector<2000x64xf32>
    %swap3A_35 = arith.constant 0 : index
    %swap3A_36 = arith.constant 0 : index
    %swap3A_37 = vector.load %arg7[%swap3A_35, %swap3A_36] : memref<2000x64xf32, #tpu.memory_space<vmem>>, vector<2000x64xf32>
    tpu.vector_store %arg7[%swap3A_35, %swap3A_36], %dot_general3A_34 {strides = array<i32>} : memref<2000x64xf32, #tpu.memory_space<vmem>>, vector<2000x64xf32>,
    return
  }
  func.func @transform_0(%arg0: i32) -> (i32, i32, i32) {
    %c0_i32 = arith.constant 0 : i32
    %c0_i32_0 = arith.constant 0 : i32
    %c0_i32_1 = arith.constant 0 : i32
    return %c0_i32, %arg0, %c0_i32_0 : i32, i32, i32
  }
  func.func @transform_1(%arg0: i32) -> (i32, i32) {
    %c0_i32 = arith.constant 0 : i32
    %c0_i32_0 = arith.constant 0 : i32
    return %arg0, %c0_i32 : i32, i32
  }
  func.func @transform_2(%arg0: i32) -> i32 {
    %c0_i32 = arith.constant 0 : i32
    %c0_i32_0 = arith.constant 0 : i32
    return %c0_i32 : i32
  }
  func.func @transform_3(%arg0: i32) -> (i32, i32) {
    %c0_i32 = arith.constant 0 : i32
    %c0_i32_0 = arith.constant 0 : i32
    %c0_i32_1 = arith.constant 0 : i32
    return %c0_i32, %c0_i32_0 : i32, i32
  }
  func.func @transform_4(%arg0: i32) -> (i32, i32) {
    %c0_i32 = arith.constant 0 : i32
    %c0_i32_0 = arith.constant 0 : i32
    %c0_i32_1 = arith.constant 0 : i32
    return %c0_i32, %c0_i32_0 : i32, i32
  }
  func.func @transform_5(%arg0: i32) -> (i32, i32) {
    %c0_i32 = arith.constant 0 : i32
    %c0_i32_0 = arith.constant 0 : i32
    return %arg0, %c0_i32 : i32, i32
  }
  func.func @transform_6(%arg0: i32) -> (i32, i32) {
    %c0_i32 = arith.constant 0 : i32
    %c0_i32_0 = arith.constant 0 : i32
    return %arg0, %c0_i32 : i32, i32
  }
}

module attributes {stable_mosaic.version = 14 : i64} {
  func.func @_mid2_body(%arg0: i32, %arg1: memref<2x2000x128xf32, #tpu.memory_space<vmem>>, %arg2: memref<2000x1xf32, #tpu.memory_space<vmem>>, %arg3: memref<128xf32, #tpu.memory_space<vmem>>, %arg4: memref<128x128xf32, #tpu.memory_space<vmem>>, %arg5: memref<384x64xf32, #tpu.memory_space<vmem>>, %arg6: memref<2000x64xf32, #tpu.memory_space<vmem>>, %arg7: memref<2000x128xf32, #tpu.memory_space<vmem>>, %arg8: memref<2000x64xf32, #tpu.memory_space<vmem>>) attributes {dimension_semantics = [#tpu.dimension_semantics<arbitrary>], iteration_bounds = array<i64: 5>, scalar_prefetch = 0 : i64, scratch_operands = 0 : i64, tpu.core_type = #tpu.core_type<tc>, window_params = [{transform_indices = @transform_0, window_bounds = array<i64: 2, 2000, 128>}, {transform_indices = @transform_1, window_bounds = array<i64: 2000, 1>}, {pipeline_mode = #tpu.pipeline_mode<synchronous>, transform_indices = @transform_2, window_bounds = array<i64: 128>}, {pipeline_mode = #tpu.pipeline_mode<synchronous>, transform_indices = @transform_3, window_bounds = array<i64: 128, 128>}, {pipeline_mode = #tpu.pipeline_mode<synchronous>, transform_indices = @transform_4, window_bounds = array<i64: 384, 64>}, {transform_indices = @transform_5, window_bounds = array<i64: 2000, 64>}, {transform_indices = @transform_6, window_bounds = array<i64: 2000, 128>}, {transform_indices = @transform_7, window_bounds = array<i64: 2000, 64>}]} {
    %get3A = arith.constant 0 : index
    %get3A_0 = arith.constant 0 : index
    %get3A_1 = vector.load %arg2[%get3A, %get3A_0] : memref<2000x1xf32, #tpu.memory_space<vmem>>, vector<2000x1xf32>
    %add3A = arith.constant 1.000000e+00 : f32
    %add3A_2 = vector.broadcast %add3A : f32 to vector<2000x1xf32>
    %add3A_3 = arith.addf %add3A_2, %get3A_1 : vector<2000x1xf32>
    %rsqrt3A = math.rsqrt %add3A_3 : vector<2000x1xf32>
    %get3A_4 = arith.constant 0 : index
    %get3A_5 = arith.constant 0 : index
    %get3A_6 = arith.constant 0 : index
    %get3A_7 = vector.load %arg1[%get3A_4, %get3A_5, %get3A_6] : memref<2x2000x128xf32, #tpu.memory_space<vmem>>, vector<1x2000x128xf32>
    %get3A_8 = vector.shape_cast %get3A_7 : vector<1x2000x128xf32> to vector<2000x128xf32>
    %get3A_9 = arith.constant 1 : index
    %get3A_10 = arith.constant 0 : index
    %get3A_11 = arith.constant 0 : index
    %get3A_12 = vector.load %arg1[%get3A_9, %get3A_10, %get3A_11] : memref<2x2000x128xf32, #tpu.memory_space<vmem>>, vector<1x2000x128xf32>
    %get3A_13 = vector.shape_cast %get3A_12 : vector<1x2000x128xf32> to vector<2000x128xf32>
    %add3A_14 = arith.addf %get3A_8, %get3A_13 : vector<2000x128xf32>
    %mul3A = vector.broadcast %rsqrt3A : vector<2000x1xf32> to vector<2000x128xf32>
    %mul3A_15 = arith.mulf %mul3A, %add3A_14 : vector<2000x128xf32>
    %get3A_16 = arith.constant 0 : index
    %get3A_17 = vector.load %arg3[%get3A_16] : memref<128xf32, #tpu.memory_space<vmem>>, vector<128xf32>
    %broadcast_in_dim3A = vector.shape_cast %get3A_17 : vector<128xf32> to vector<1x128xf32>
    %add3A_18 = vector.broadcast %broadcast_in_dim3A : vector<1x128xf32> to vector<2000x128xf32>
    %add3A_19 = arith.addf %mul3A_15, %add3A_18 : vector<2000x128xf32>
    %max3A = arith.constant 0.000000e+00 : f32
    %max3A_20 = vector.broadcast %max3A : f32 to vector<2000x128xf32>
    %max3A_21 = arith.maximumf %add3A_19, %max3A_20 : vector<2000x128xf32>
    %get3A_22 = arith.constant 0 : index
    %get3A_23 = arith.constant 0 : index
    %get3A_24 = vector.load %arg4[%get3A_22, %get3A_23] : memref<128x128xf32, #tpu.memory_space<vmem>>, vector<128x128xf32>
    %dot_general3A = arith.constant dense<0.000000e+00> : vector<2000x128xf32>
    %dot_general3A_25 = tpu.matmul %max3A_21, %get3A_24, %dot_general3A {dimension_numbers = #tpu.dot_dimension_numbers<[1], [0], [0], [1], [0, 0, 1, 1], [], []>, transpose_lhs_hint = false} : vector<2000x128xf32>, vector<128x128xf32>, vector<2000x128xf32> -> vector<2000x128xf32>
    %mul3A_26 = vector.broadcast %rsqrt3A : vector<2000x1xf32> to vector<2000x128xf32>
    %mul3A_27 = arith.mulf %mul3A_26, %dot_general3A_25 : vector<2000x128xf32>
    %swap3A = arith.constant 0 : index
    %swap3A_28 = arith.constant 0 : index
    %swap3A_29 = vector.load %arg7[%swap3A, %swap3A_28] : memref<2000x128xf32, #tpu.memory_space<vmem>>, vector<2000x128xf32>
    tpu.vector_store %arg7[%swap3A, %swap3A_28], %mul3A_27 {strides = array<i32>} : memref<2000x128xf32, #tpu.memory_space<vmem>>, vector<2000x128xf32>,
    %get3A_30 = arith.constant 0 : index
    %get3A_31 = arith.constant 0 : index
    %get3A_32 = vector.load %arg6[%get3A_30, %get3A_31] : memref<2000x64xf32, #tpu.memory_space<vmem>>, vector<2000x64xf32>
    %get3A_33 = arith.constant 128 : index
    %get3A_34 = arith.constant 0 : index
    %get3A_35 = vector.load %arg5[%get3A_33, %get3A_34] : memref<384x64xf32, #tpu.memory_space<vmem>>, vector<128x64xf32>
    %dot_general3A_36 = arith.constant dense<0.000000e+00> : vector<2000x64xf32>
    %dot_general3A_37 = tpu.matmul %max3A_21, %get3A_35, %dot_general3A_36 {dimension_numbers = #tpu.dot_dimension_numbers<[1], [0], [0], [1], [0, 0, 1, 1], [], []>, transpose_lhs_hint = false} : vector<2000x128xf32>, vector<128x64xf32>, vector<2000x64xf32> -> vector<2000x64xf32>
    %add3A_38 = arith.addf %get3A_32, %dot_general3A_37 : vector<2000x64xf32>
    %swap3A_39 = arith.constant 0 : index
    %swap3A_40 = arith.constant 0 : index
    %swap3A_41 = vector.load %arg8[%swap3A_39, %swap3A_40] : memref<2000x64xf32, #tpu.memory_space<vmem>>, vector<2000x64xf32>
    tpu.vector_store %arg8[%swap3A_39, %swap3A_40], %add3A_38 {strides = array<i32>} : memref<2000x64xf32, #tpu.memory_space<vmem>>, vector<2000x64xf32>,
    return
  }
  func.func @transform_0(%arg0: i32) -> (i32, i32, i32) {
    %c0_i32 = arith.constant 0 : i32
    %c0_i32_0 = arith.constant 0 : i32
    %c0_i32_1 = arith.constant 0 : i32
    return %c0_i32, %arg0, %c0_i32_0 : i32, i32, i32
  }
  func.func @transform_1(%arg0: i32) -> (i32, i32) {
    %c0_i32 = arith.constant 0 : i32
    %c0_i32_0 = arith.constant 0 : i32
    return %arg0, %c0_i32 : i32, i32
  }
  func.func @transform_2(%arg0: i32) -> i32 {
    %c0_i32 = arith.constant 0 : i32
    %c0_i32_0 = arith.constant 0 : i32
    return %c0_i32 : i32
  }
  func.func @transform_3(%arg0: i32) -> (i32, i32) {
    %c0_i32 = arith.constant 0 : i32
    %c0_i32_0 = arith.constant 0 : i32
    %c0_i32_1 = arith.constant 0 : i32
    return %c0_i32, %c0_i32_0 : i32, i32
  }
  func.func @transform_4(%arg0: i32) -> (i32, i32) {
    %c0_i32 = arith.constant 0 : i32
    %c0_i32_0 = arith.constant 0 : i32
    %c0_i32_1 = arith.constant 0 : i32
    return %c0_i32, %c0_i32_0 : i32, i32
  }
  func.func @transform_5(%arg0: i32) -> (i32, i32) {
    %c0_i32 = arith.constant 0 : i32
    %c0_i32_0 = arith.constant 0 : i32
    return %arg0, %c0_i32 : i32, i32
  }
  func.func @transform_6(%arg0: i32) -> (i32, i32) {
    %c0_i32 = arith.constant 0 : i32
    %c0_i32_0 = arith.constant 0 : i32
    return %arg0, %c0_i32 : i32, i32
  }
  func.func @transform_7(%arg0: i32) -> (i32, i32) {
    %c0_i32 = arith.constant 0 : i32
    %c0_i32_0 = arith.constant 0 : i32
    return %arg0, %c0_i32 : i32, i32
  }
}

module attributes {stable_mosaic.version = 14 : i64} {
  func.func @_post_body(%arg0: i32, %arg1: memref<2x2000x128xf32, #tpu.memory_space<vmem>>, %arg2: memref<2000x1xf32, #tpu.memory_space<vmem>>, %arg3: memref<128xf32, #tpu.memory_space<vmem>>, %arg4: memref<384x64xf32, #tpu.memory_space<vmem>>, %arg5: memref<64xf32, #tpu.memory_space<vmem>>, %arg6: memref<2000x64xf32, #tpu.memory_space<vmem>>, %arg7: memref<2000x64xf32, #tpu.memory_space<vmem>>) attributes {dimension_semantics = [#tpu.dimension_semantics<arbitrary>], iteration_bounds = array<i64: 5>, scalar_prefetch = 0 : i64, scratch_operands = 0 : i64, tpu.core_type = #tpu.core_type<tc>, window_params = [{transform_indices = @transform_0, window_bounds = array<i64: 2, 2000, 128>}, {transform_indices = @transform_1, window_bounds = array<i64: 2000, 1>}, {pipeline_mode = #tpu.pipeline_mode<synchronous>, transform_indices = @transform_2, window_bounds = array<i64: 128>}, {pipeline_mode = #tpu.pipeline_mode<synchronous>, transform_indices = @transform_3, window_bounds = array<i64: 384, 64>}, {pipeline_mode = #tpu.pipeline_mode<synchronous>, transform_indices = @transform_4, window_bounds = array<i64: 64>}, {transform_indices = @transform_5, window_bounds = array<i64: 2000, 64>}, {transform_indices = @transform_6, window_bounds = array<i64: 2000, 64>}]} {
    %get3A = arith.constant 0 : index
    %get3A_0 = arith.constant 0 : index
    %get3A_1 = vector.load %arg2[%get3A, %get3A_0] : memref<2000x1xf32, #tpu.memory_space<vmem>>, vector<2000x1xf32>
    %add3A = arith.constant 1.000000e+00 : f32
    %add3A_2 = vector.broadcast %add3A : f32 to vector<2000x1xf32>
    %add3A_3 = arith.addf %add3A_2, %get3A_1 : vector<2000x1xf32>
    %rsqrt3A = math.rsqrt %add3A_3 : vector<2000x1xf32>
    %get3A_4 = arith.constant 0 : index
    %get3A_5 = arith.constant 0 : index
    %get3A_6 = arith.constant 0 : index
    %get3A_7 = vector.load %arg1[%get3A_4, %get3A_5, %get3A_6] : memref<2x2000x128xf32, #tpu.memory_space<vmem>>, vector<1x2000x128xf32>
    %get3A_8 = vector.shape_cast %get3A_7 : vector<1x2000x128xf32> to vector<2000x128xf32>
    %get3A_9 = arith.constant 1 : index
    %get3A_10 = arith.constant 0 : index
    %get3A_11 = arith.constant 0 : index
    %get3A_12 = vector.load %arg1[%get3A_9, %get3A_10, %get3A_11] : memref<2x2000x128xf32, #tpu.memory_space<vmem>>, vector<1x2000x128xf32>
    %get3A_13 = vector.shape_cast %get3A_12 : vector<1x2000x128xf32> to vector<2000x128xf32>
    %add3A_14 = arith.addf %get3A_8, %get3A_13 : vector<2000x128xf32>
    %mul3A = vector.broadcast %rsqrt3A : vector<2000x1xf32> to vector<2000x128xf32>
    %mul3A_15 = arith.mulf %mul3A, %add3A_14 : vector<2000x128xf32>
    %get3A_16 = arith.constant 0 : index
    %get3A_17 = vector.load %arg3[%get3A_16] : memref<128xf32, #tpu.memory_space<vmem>>, vector<128xf32>
    %broadcast_in_dim3A = vector.shape_cast %get3A_17 : vector<128xf32> to vector<1x128xf32>
    %add3A_18 = vector.broadcast %broadcast_in_dim3A : vector<1x128xf32> to vector<2000x128xf32>
    %add3A_19 = arith.addf %mul3A_15, %add3A_18 : vector<2000x128xf32>
    %max3A = arith.constant 0.000000e+00 : f32
    %max3A_20 = vector.broadcast %max3A : f32 to vector<2000x128xf32>
    %max3A_21 = arith.maximumf %add3A_19, %max3A_20 : vector<2000x128xf32>
    %get3A_22 = arith.constant 0 : index
    %get3A_23 = arith.constant 0 : index
    %get3A_24 = vector.load %arg6[%get3A_22, %get3A_23] : memref<2000x64xf32, #tpu.memory_space<vmem>>, vector<2000x64xf32>
    %get3A_25 = arith.constant 256 : index
    %get3A_26 = arith.constant 0 : index
    %get3A_27 = vector.load %arg4[%get3A_25, %get3A_26] : memref<384x64xf32, #tpu.memory_space<vmem>>, vector<128x64xf32>
    %dot_general3A = arith.constant dense<0.000000e+00> : vector<2000x64xf32>
    %dot_general3A_28 = tpu.matmul %max3A_21, %get3A_27, %dot_general3A {dimension_numbers = #tpu.dot_dimension_numbers<[1], [0], [0], [1], [0, 0, 1, 1], [], []>, transpose_lhs_hint = false} : vector<2000x128xf32>, vector<128x64xf32>, vector<2000x64xf32> -> vector<2000x64xf32>
    %add3A_29 = arith.addf %get3A_24, %dot_general3A_28 : vector<2000x64xf32>
    %get3A_30 = arith.constant 0 : index
    %get3A_31 = vector.load %arg5[%get3A_30] : memref<64xf32, #tpu.memory_space<vmem>>, vector<64xf32>
    %broadcast_in_dim3A_32 = vector.shape_cast %get3A_31 : vector<64xf32> to vector<1x64xf32>
    %add3A_33 = vector.broadcast %broadcast_in_dim3A_32 : vector<1x64xf32> to vector<2000x64xf32>
    %add3A_34 = arith.addf %add3A_29, %add3A_33 : vector<2000x64xf32>
    %reduce_max3A = arith.constant dense<0xFF800000> : vector<2000xf32>
    %reduce_max3A_35 = vector.multi_reduction <maximumf>, %add3A_34, %reduce_max3A [1] : vector<2000x64xf32> to vector<2000xf32>
    %broadcast_in_dim3A_36 = vector.shape_cast %reduce_max3A_35 : vector<2000xf32> to vector<2000x1xf32>
    %sub3A = vector.broadcast %broadcast_in_dim3A_36 : vector<2000x1xf32> to vector<2000x64xf32>
    %sub3A_37 = arith.subf %add3A_34, %sub3A : vector<2000x64xf32>
    %exp3A = math.exp %sub3A_37 : vector<2000x64xf32>
    %reduce_sum3A = arith.constant dense<0.000000e+00> : vector<2000xf32>
    %reduce_sum3A_38 = vector.multi_reduction <add>, %exp3A, %reduce_sum3A [1] : vector<2000x64xf32> to vector<2000xf32>
    %broadcast_in_dim3A_39 = vector.shape_cast %reduce_sum3A_38 : vector<2000xf32> to vector<2000x1xf32>
    %log3A = math.log %broadcast_in_dim3A_39 : vector<2000x1xf32>
    %add3A_40 = arith.addf %log3A, %broadcast_in_dim3A_36 : vector<2000x1xf32>
    %sub3A_41 = vector.broadcast %add3A_40 : vector<2000x1xf32> to vector<2000x64xf32>
    %sub3A_42 = arith.subf %add3A_34, %sub3A_41 : vector<2000x64xf32>
    %swap3A = arith.constant 0 : index
    %swap3A_43 = arith.constant 0 : index
    %swap3A_44 = vector.load %arg7[%swap3A, %swap3A_43] : memref<2000x64xf32, #tpu.memory_space<vmem>>, vector<2000x64xf32>
    tpu.vector_store %arg7[%swap3A, %swap3A_43], %sub3A_42 {strides = array<i32>} : memref<2000x64xf32, #tpu.memory_space<vmem>>, vector<2000x64xf32>,
    return
  }
  func.func @transform_0(%arg0: i32) -> (i32, i32, i32) {
    %c0_i32 = arith.constant 0 : i32
    %c0_i32_0 = arith.constant 0 : i32
    %c0_i32_1 = arith.constant 0 : i32
    return %c0_i32, %arg0, %c0_i32_0 : i32, i32, i32
  }
  func.func @transform_1(%arg0: i32) -> (i32, i32) {
    %c0_i32 = arith.constant 0 : i32
    %c0_i32_0 = arith.constant 0 : i32
    return %arg0, %c0_i32 : i32, i32
  }
  func.func @transform_2(%arg0: i32) -> i32 {
    %c0_i32 = arith.constant 0 : i32
    %c0_i32_0 = arith.constant 0 : i32
    return %c0_i32 : i32
  }
  func.func @transform_3(%arg0: i32) -> (i32, i32) {
    %c0_i32 = arith.constant 0 : i32
    %c0_i32_0 = arith.constant 0 : i32
    %c0_i32_1 = arith.constant 0 : i32
    return %c0_i32, %c0_i32_0 : i32, i32
  }
  func.func @transform_4(%arg0: i32) -> i32 {
    %c0_i32 = arith.constant 0 : i32
    %c0_i32_0 = arith.constant 0 : i32
    return %c0_i32 : i32
  }
  func.func @transform_5(%arg0: i32) -> (i32, i32) {
    %c0_i32 = arith.constant 0 : i32
    %c0_i32_0 = arith.constant 0 : i32
    return %arg0, %c0_i32 : i32, i32
  }
  func.func @transform_6(%arg0: i32) -> (i32, i32) {
    %c0_i32 = arith.constant 0 : i32
    %c0_i32_0 = arith.constant 0 : i32
    return %arg0, %c0_i32 : i32, i32
  }
}

</mosaic_0001>

<sc_bundles>
// kernel: kernel.10.cloned.1.call-start
scs
__scs_entry_jumppad:
0x0: {  	(pc) =	sbr.rel $0x88, $3  }
0x1: {  	(tag) =	ssettag $0x0;
	lr =	simm.s32 $0x1  }
0x2: {  	[smem:$0x3F97] =	sst lr;
	_ =	strace $0xD0000000  }
0x3: {  	_ = 	snop  }
0x4: {  	_ = 	snop  }
0x5: {  	_ = 	snop  }
0x6: {  	_ = 	snop  }
0x7: {  	_ = 	snop  }
__scs_overlays_trampoline_lowered:
0x8: {  	[smem:$0x3FA6] =	sst s0  }
0x9: {  	[smem:$0x3FA7] =	sst s1  }
0xa: {  	[smem:$0x3FA8] =	sst s2  }
0xb: {  	[smem:$0x3FA9] =	sst s3  }
0xc: {  	[smem:$0x3FAA] =	sst s4  }
0xd: {  	[smem:$0x3FAB] =	sst s5  }
0xe: {  	[smem:$0x3FAC] =	sst s6  }
0xf: {  	[smem:$0x3FAD] =	sst s7  }
0x10: {  	[smem:$0x3FAE] =	sst s8  }
0x11: {  	[smem:$0x3FAF] =	sst s9;
	s0 =	simm.s32 @!p0 $0x0  }
0x12: {  	s1 =	sld [smem:$0x3F95];
	s0 =	simm.s32 @p0 $0x1  }
0x13: {  	[smem:$0x3FB0] =	sst s0;
	s0 =	simm.s32 @!p1 $0x0  }
0x14: {  	s2 =	sld [smem:$0x3F94];
	s0 =	simm.s32 @p1 $0x1  }
0x15: {  	[smem:$0x3FB1] =	sst s0;
	s0 =	simm.s32 @!p2 $0x0  }
0x16: {  	s3 =	sld [smem:$0x3FDB];
	s0 =	simm.s32 @p2 $0x1  }
0x17: {  	s4 =	simm.s32 $0x1BF5;
	[smem:$0x3FB3] =	sst s0  }
0x18: {  	s0 =	sld [smem:$0x3F96];
	_ =	swait.ge [sflag:s4], $0x0  }
0x19: {  	s7 =	sld [smem:$0x3F97]  }
0x1a: {  	s8 =	sadd.s32 $0xFFFFE003, lr  }
0x1b: {  	s9 =	sadd.s32 $0xFFFFFEF7, lr;
	s5 =	simm.s32 $0xFFFFFFFF;
	p2 =	slt.u32 s8, $0xFFFFF086  }
0x1c: {  	p1 =	slt.u32 s9, $0xF7A;
	s5 =	simm.s32 @!p2 $0x0  }
0x1d: {  	s5 =	simm.s32 @p1 $0x1;
	p0 =	seq.s32 s7, s2  }
0x1e: {  	s7 =	smul.u32 @!p0 $0xF7A, s2;
	p2 =	seq.s32 @!p0 s5, $0x0  }
0x1f: {  	s9 =	smul.u32 $0xF7A, s1;
	s8 =	simm.s32 @!p0 $0x1BF5;
	p2 =	por !p2, p0  }
0x20: {  	[sflag:s8] =	ssyncset.s32 @!p0 $0xFFFFF086;
	s6 =	sadd.s32 @!p0 s3, s7;
	s7 =	simm.s32 @!p0 $0x108  }
0x21: {  	s3 =	sadd.s32 s3, s9;
	s6 =	sadd.s32 @!p0 $0x88, s6;
	s7 =	simm.s32 @p2 $0x1082  }
0x22: {  	[simem:s7], [sflag:s8] =	dma.local @!p0 [hbm:s6], $0xF7A  }
0x23: {  	s9 =	sor.u32 $0xD0000000, s2;
	s6 =	simm.s32 $0x108;
	_ =	swait.ge @!p0 [sflag:s8], $0x0  }
0x24: {  	s3 =	sadd.s32 $0x88, s3;
	s6 =	simm.s32 @!p1 $0x1082;
	[sflag:s4] =	ssyncset.s32 $0xFFFFF086  }
0x25: {  	[simem:s6], [sflag:s4] =	dma.local [hbm:s3], $0xF7A  }
0x26: {  	[smem:$0x3F97] =	sst s1;
	(tag) =	ssettag s2;
	_ =	strace s9  }
0x27: {  	s1 =	sld [smem:$0x3FA7]  }
0x28: {  	s2 =	sld [smem:$0x3FA8]  }
0x29: {  	s4 =	sld [smem:$0x3FAA]  }
0x2a: {  	p0 =	seq.s32 s5, $0x0;
	s5 =	sld [smem:$0x3FAB]  }
0x2b: {  	s6 =	sld [smem:$0x3FAC]  }
0x2c: {  	s7 =	sld [smem:$0x3FAD]  }
0x2d: {  	s3 =	simm.s32 $0x108;
	s8 =	sld [smem:$0x3FAE]  }
0x2e: {  	s3 =	simm.s32 @!p0 $0x1082;
	s9 =	sld [smem:$0x3FAF]  }
0x2f: {  	lr =	sadd.s32 s0, s3;
	s0 =	sld [smem:$0x3FA6]  }
0x30: {  	s3 =	sld [smem:$0x3FA9]  }
0x31: {  	[smem:$0x3FB2] =	sst s10  }
0x32: {  	s10 =	sld [smem:$0x3FB0];
	_ =	sdelay $0x3  }
0x33: {  	p0 =	seq.s32 s10, $0x1;
	s10 =	sld [smem:$0x3FB2];
	_ =	sdelay $0x3  }
0x34: {  	[smem:$0x3FB2] =	sst s10  }
0x35: {  	s10 =	sld [smem:$0x3FB1];
	_ =	sdelay $0x3  }
0x36: {  	p1 =	seq.s32 s10, $0x1;
	s10 =	sld [smem:$0x3FB2];
	_ =	sdelay $0x3  }
0x37: {  	[smem:$0x3FB2] =	sst s10  }
0x38: {  	s10 =	sld [smem:$0x3FB3]  }
0x39: {  	_ = 	snop;
	(pc) =	sbr.ind lr, $3  }
0x3a: {  	_ = 	snop  }
0x3b: {  	_ = 	snop  }
0x3c: {  	p2 =	seq.s32 s10, $0x1;
	s10 =	sld [smem:$0x3FB2]  }
0x3d: {  	_ =	shalt  }
0x3e: {  	_ =	shalt  }
0x3f: {  	_ =	shalt  }
0x40: {  	_ =	shalt  }
0x41: {  	_ =	shalt  }
0x42: {  	_ =	shalt  }
0x43: {  	_ =	shalt  }
0x44: {  	_ =	shalt  }
0x45: {  	_ =	shalt  }
0x46: {  	_ =	shalt  }
0x47: {  	_ =	shalt  }
0x48: {  	_ =	shalt  }
0x49: {  	_ =	shalt  }
0x4a: {  	_ =	shalt  }
0x4b: {  	_ =	shalt  }
0x4c: {  	_ =	shalt  }
0x4d: {  	_ =	shalt  }
0x4e: {  	_ =	shalt  }
0x4f: {  	_ =	shalt  }
0x50: {  	_ =	shalt  }
0x51: {  	_ =	shalt  }
0x52: {  	_ =	shalt  }
0x53: {  	_ =	shalt  }
0x54: {  	_ =	shalt  }
0x55: {  	_ =	shalt  }
0x56: {  	_ =	shalt  }
0x57: {  	_ =	shalt  }
0x58: {  	_ =	shalt  }
0x59: {  	_ =	shalt  }
0x5a: {  	_ =	shalt  }
0x5b: {  	_ =	shalt  }
0x5c: {  	_ =	shalt  }
0x5d: {  	_ =	shalt  }
0x5e: {  	_ =	shalt  }
0x5f: {  	_ =	shalt  }
0x60: {  	_ =	shalt  }
0x61: {  	_ =	shalt  }
0x62: {  	_ =	shalt  }
0x63: {  	_ =	shalt  }
0x64: {  	_ =	shalt  }
0x65: {  	_ =	shalt  }
0x66: {  	_ =	shalt  }
0x67: {  	_ =	shalt  }
0x68: {  	_ =	shalt  }
0x69: {  	_ =	shalt  }
0x6a: {  	_ =	shalt  }
0x6b: {  	_ =	shalt  }
0x6c: {  	_ =	shalt  }
0x6d: {  	_ =	shalt  }
0x6e: {  	_ =	shalt  }
0x6f: {  	_ =	shalt  }
0x70: {  	_ =	shalt  }
0x71: {  	_ =	shalt  }
0x72: {  	_ =	shalt  }
0x73: {  	_ =	shalt  }
0x74: {  	_ =	shalt  }
0x75: {  	_ =	shalt  }
0x76: {  	_ =	shalt  }
0x77: {  	_ =	shalt  }
0x78: {  	_ =	shalt  }
0x79: {  	_ =	shalt  }
0x7a: {  	_ =	shalt  }
0x7b: {  	_ =	shalt  }
0x7c: {  	_ =	shalt  }
0x7d: {  	_ =	shalt  }
0x7e: {  	_ =	shalt  }
0x7f: {  	_ =	shalt  }
0x80: {  	_ =	shalt  }
0x81: {  	_ =	shalt  }
0x82: {  	_ =	shalt  }
0x83: {  	_ =	shalt  }
0x84: {  	_ =	shalt  }
0x85: {  	_ =	shalt  }
0x86: {  	_ =	shalt  }
0x87: {  	_ =	shalt  }
.Lfunc_end0:
.L_simem_size_0:
called_computation_lowered:
.L_overlay_start_0:
0x88: {  	s2 =	sld [smem:$0x3FD9]  }
0x89: {  	s3 =	sld [smem:$0x3FFE];
	_ =	sdelay $0x1  }
0x8a: {  	s1 =	srdreg.scid  }
0x8b: {  	s0 =	sand.u32 $0x1, s1  }
0x8c: {  	s16 =	sshll.u32 s0, $0xA;
	s2 =	sadd.s32 s3, s2  }
0x8d: {  	s2 =	sadd.s32 s2, s16  }
0x8e: {  	[smem:$0x3FBE] =	sst s2  }
0x8f: {  	_ = 	snop  }
0x90: {  	(tm) =	ssettm $0x1  }
0x91: {  	s17 =	sld [smem:$0x3FFB];
	_ =	sdelay $0x3  }
0x92: {  	_ =	strace s17  }
0x93: {  	s2 =	sld [smem:$0x3FFC];
	_ =	sdelay $0x3  }
0x94: {  	_ =	strace s2  }
0x95: {  	s2 =	sld [smem:$0x3FFD];
	_ =	sdelay $0x3  }
0x96: {  	_ =	strace s2  }
0x97: {  	_ =	strace $0x8FFFFFFF  }
0x98: {  	s18 =	sld [smem:$0x3FDB];
	_ =	sdelay $0x1  }
0x99: {  	s19 =	simm.s32 $_scs_section_size  }
0x9a: {  	s4 =	simm.s32 $_size__tile_overlayer_lowered;
	s5 =	simm.s32 $_tile_overlayer_lowered  }
0x9b: {  	s22 =	simm.s32 $0x1BFF;
	s21 =	sshll.u32 s5, $0x1;
	s2 =	sadd.s32 s19, s18  }
0x9c: {  	s6 =	simm.s32 $0x0;
	s20 =	sshll.u32 s4, $0x1;
	s4 =	sadd.s32 s21, s2  }
0x9d: {  	[timem:s6], [sflag:s22] =	dma.local [hbm:s4], s20  }
0x9e: {  	_ =	swait.ge [sflag:s22], s20  }
0x9f: {  	s3 =	ssub.s32 $0x0, s20;
	[sflag:s22] =	ssyncset.done $0x0  }
0xa0: {  	[sflag:s22] =	ssyncadd.s32 s3;
	_ =	sdelay $0x1  }
0xa1: {  	s23 =	simm.s32 $0x1B8B  }
0xa2: {  	_ =	swait.ge [sflag:s23], $0x1  }
0xa3: {  	[sflag:s23] =	ssyncset.done $0x0  }
0xa4: {  	s25 =	simm.s32 $0x1B8E;
	s24 =	sld [smem:$0x3FFE];
	[sflag:s23] =	ssyncadd.s32 $0xFFFFFFFF  }
0xa5: {  	s26 =	simm.s32 $execute0_lowered;
	[smem:$0x3FD2] =	sst s25  }
0xa6: {  	s4 =	sshll.u32 s26, $0x1;
	_ =	strace $0x80000046;
	[dreg:$0x1] =	wrdreg $0xFFFFFFFF  }
0xa7: {  	s28 =	simm.s32 $_size_execute0_lowered;
	s2 =	sadd.s32 s2, s4;
	[dreg:$0x0] =	wrdreg $0x0  }
0xa8: {  	s4 =	sshll.u32 s28, $0x1;
	[dreg:$0x2] =	wrdreg s2  }
0xa9: {  	[dreg:$0x3] =	wrdreg s4  }
0xaa: {  	[dreg:$0x4] =	wrdreg $0xC0  }
0xab: {  	_ =	task [dreg:s6], $0x5FFFF  }
0xac: {  	[dreg:$0x1] =	wrdreg $0xFFFFFFFF  }
0xad: {  	[dreg:$0x0] =	wrdreg $0x60  }
0xae: {  	[dreg:$0x2] =	wrdreg s24  }
0xaf: {  	[dreg:$0x3] =	wrdreg $0x28000  }
0xb0: {  	[dreg:$0x4] =	wrdreg $0x9  }
0xb1: {  	_ =	task.clear_ibuf [dreg:s6], $0x5FFFF;
	_ =	strace $0x90000046  }
0xb2: {  	s29 =	simm.s32 $0x9;
	_ =	strace $0x80000048  }
0xb3: {  	_ =	swait.ge [sflag:s29], $0x1  }
0xb4: {  	[sflag:s29] =	ssyncadd.s32 $0xFFFFFFFF  }
0xb5: {  	_ =	strace $0x90000048  }
0xb6: {  	_ =	sfence  }
0xb7: {  	s30 =	sld [smem:$0x0];
	_ =	sdelay $0x2  }
0xb8: {  	s31 =	sshll.u32 s1, $0xD;
	s1 =	sshrl.u32 s1, $0x2  }
0xb9: {  	s3 =	sand.u32 $0x4000, s31;
	s1 =	sadd.s32 s1, s30  }
0xba: {  	s0 =	sor.u32 s3, s0;
	s1 =	sshll.u32 s1, $0x11  }
0xbb: {  	s0 =	sor.u32 s1, s0  }
0xbc: {  	s0 =	sadd.s32 $0x8F2B, s0  }
0xbd: {  	[sflag:s0] =	ssyncadd.remote.s32 $0x1  }
0xbe: {  	_ =	sfence.sel $0xFFFF  }
0xbf: {  	[dreg:$0x0] =	wrdreg $0xFFFFFFFF;
	(pc) =	sbr.abs _section_cstart, $3  }
0xc0: {  	[dreg:$0x1] =	wrdreg $0xFFFFFFFF  }
0xc1: {  	_ =	task.clear_ibuf [dreg:s6], $0x2FFFF;
	_ =	strace $0x9FFFFFFF  }
0xc2: {  	(tm) =	ssettm $0x7FFFFFFF  }
0xc3: {  	_ =	shalt  }
tec
execute0_lowered:
.L_overlay_start_1:
0x0: {  	(tag) =	ssettag $0x1  }
0x1: {  	s1 =	srdreg.scid;
	s5 =	rddreg [dreg:$0x0]  }
0x2: {  	s0 =	stileid.u32;
	s2 =	rddreg [dreg:$0x1];
	s3 =	simm.s32 $0x0  }
0x3: {  	s13 =	simm.s32 $0x2780;
	s14 =	simm.s32 $0x1;
	s15 =	simm.s32 $0x0  }
0x4: {  	s4 =	sand.u32 $0x1, s1;
	s26 =	sshll.u32 s0, $0x1;
	s1 =	rddreg [dreg:$0x2]  }
0x5: {  	s8 =	smul.u32 $0x280, s0;
	[smem:$0x7FF] =	sst s3;
	s31 =	sshll.u32 s0, $0x6  }
0x6: {  	p0 =	sgt.u32 s0, $0x1;
	s6 =	sor.u32 s4, s26;
	s9 =	smul.u32 $0x2800, s4  }
0x7: {  	_ =	strace $0x80000047;
	s29 =	ssub.s32 $0x2, s4;
	s4 =	sadd.s32 $0x20400, s5  }
0x8: {  	s7 =	smul.u32 $0x4E0, s6;
	s6 =	sshll.u32 s6, $0x4;
	s30 =	sshrl.u32 s29, $0x1  }
0x9: {  	s12 =	sadd.s32 s8, s2;
	s9 =	sadd.s32 s8, s9;
	s10 =	sadd.s32 s6, s5  }
0xa: {  	s7 =	sadd.s32 s7, s5;
	s28 =	sshrl.u32 s9, $0x3;
	s9 =	ssub.s32 s29, s30  }
0xb: {  	s11 =	sadd.s32 s28, s5;
	s5 =	sor.u32 $0x1C02, s31;
	s6 =	sadd.s32 $0x2A00, s7  }
0xc: {  	s7 =	sadd.s32 $0x16400, s10;
	s9 =	smax.u32 s9, $0x1;
	s10 =	sshrl.u32 s12, $0x3  }
0xd: {  	v0 =	vimm.f32 $1.000000000e+00;
	s12 =	simm.s32 $0x80;
	s8 =	sadd.s32 $0x20600, s11;
	s11 =	simm.s32 $0x2  }
.LBB2_1:
0xe: {  	[tilespmem:$0x2780] =	vst v0  }
0xf: {  	[tilespmem:$0x2790] =	vst v0  }
0x10: {  	[tilespmem:$0x27A0] =	vst v0  }
0x11: {  	[tilespmem:$0x27B0] =	vst v0  }
0x12: {  	[tilespmem:$0x27C0] =	vst v0  }
0x13: {  	[tilespmem:$0x27D0] =	vst v0  }
0x14: {  	[tilespmem:$0x27E0] =	vst v0  }
0x15: {  	[tilespmem:$0x27F0] =	vst v0  }
0x16: {  	[spmem:s10], [sflag:s5] =	dma.local [hbm:s4], $0x50  }
0x17: {  	_ =	swait.ge [sflag:s11], $0x50  }
0x18: {  	[sflag:s11] =	ssyncset.done $0x0  }
0x19: {  	[sflag:s11] =	ssyncadd.s32 $0xFFFFFFB0  }
0x1a: {  	[tilespmem:s3], [sflag:$0x2] =	stream.linear.gather [hbm4b:s6+s3], $0x2700, $0x38;
	[tilespmem:$0x2A80] =	vst v63  }
0x1b: {  	_ =	swait.ge [sflag:s11], $0x2700  }
0x1c: {  	[sflag:s11] =	ssyncset.done $0x0  }
0x1d: {  	s16 =	simm.s32 @!p0 $0x0;
	s17 =	simm.s32 @!p0 $0x2700;
	[sflag:s11] =	ssyncadd.s32 $0xFFFFD900  }
0x1e: {  	[tilespmem:s17], [sflag:$0x2] =	stream.linear.gather @!p0 [hbm4b:s7+s16], $0x80, $0x38;
	[tilespmem:$0x2A80] =	vst v63  }
0x1f: {  	s16 =	simm.s32 @!p0 $0x2  }
0x20: {  	_ =	swait.ge @!p0 [sflag:s16], $0x80  }
0x21: {  	[sflag:s16] =	ssyncset.done @!p0 $0x0  }
0x22: {  	[sflag:s16] =	ssyncadd.s32 @!p0 $0xFFFFFF80  }
0x23: {  	s17 =	simm.s32 $0x0;
	s16 =	simm.s32 $0x200;
	[bflag:$0x0] =	sbarrier.arrive $0xFFFF  }
.LBB2_2:
0x24: {  	[spmem:s2] =	stream.indirect.scatter.add.f32 [tilespmem:s13], [sflag:$0x1], $0x1, s17, s12, $0xb8;
	[tilespmem:$0x2A80] =	vst v63  }
0x25: {  	s17 =	smov.u32 s16;
	p1 =	sne.s32 s16, $0x9A00  }
.Ltmp0:
0x26: {  	s16 =	sadd.s32 $0x200, s16;
	(pc) =	sbr.rel @p1 .LBB2_2-.Ltmp0, $2  }
0x27: {  	_ =	sdelay $0x2  }
0x28: {  	s17 =	sshra.s32 s17, $0x2  }
0x29: {  	[spmem:s2] =	stream.indirect.scatter.add.f32 [tilespmem:s13], [sflag:$0x1], $0x1, s17, s12, $0xb8;
	[tilespmem:$0x2A80] =	vst v63  }
0x2a: {  	s16 =	simm.s32 @!p0 $0x80;
	s17 =	simm.s32 @!p0 $0x2700;
	s18 =	simm.s32 @!p0 $0x2780  }
0x2b: {  	[spmem:s2] =	stream.indirect.scatter.add.f32 @!p0 [tilespmem:s18], [sflag:$0x1], $0x1, s17, s16, $0xb8;
	[tilespmem:$0x2A80] =	vst v63  }
0x2c: {  	_ =	swait.ge [sflag:s14], $0x80  }
0x2d: {  	s16 =	simm.s32 $0x4D;
	[sflag:s14] =	ssyncset.done $0x0  }
.LBB2_4:
0x2e: {  	p1 =	sne.s32 s16, $0x1;
	s16 =	sadd.s32 $0xFFFFFFFF, s16;
	[sflag:s14] =	ssyncadd.s32 $0xFFFFFF80  }
.Ltmp1:
0x2f: {  	(pc) =	sbr.rel @p1 .LBB2_4-.Ltmp1, $3  }
0x30: {  	_ =	sdelay $0x1  }
0x31: {  	_ =	swait.ge [sflag:s14], $0x80  }
0x32: {  	[sflag:s14] =	ssyncset.done $0x0  }
0x33: {  	[sflag:s14] =	ssyncadd.s32 $0xFFFFFF80;
	s16 =	simm.s32 @!p0 $0x1  }
0x34: {  	_ =	swait.ge @!p0 [sflag:s16], $0x80  }
0x35: {  	s15 =	sadd.s32 $0x1, s15;
	[sflag:s16] =	ssyncset.done @!p0 $0x0  }
0x36: {  	p1 =	sne.s32 s15, s9;
	[sflag:s16] =	ssyncadd.s32 @!p0 $0xFFFFFF80  }
.Ltmp2:
0x37: {  	[bflag:$0x0] =	sbarrier.arrive $0xFFFF;
	(pc) =	sbr.rel @p1 .LBB2_1-.Ltmp2, $4  }
0x38: {  	[hbm:s8], [sflag:s5] =	dma.local [spmem:s10], $0x50  }
0x39: {  	_ =	swait.ge [sflag:s11], $0x50  }
0x3a: {  	[sflag:s11] =	ssyncset.done $0x0  }
0x3b: {  	[sflag:s11] =	ssyncadd.s32 $0xFFFFFFB0  }
0x3c: {  	_ =	sfence.sel $0x180000  }
0x3d: {  	[bflag:$0x0] =	sbarrier.arrive $0xFFFF  }
0x3e: {  	p0 =	sne.s32 s0, $0x0;
	_ =	strace $0x90000047  }
0x3f: {  	s0 =	sadd.s32 @!p0 $0x100000, s1;
	[bflag:$0x2] =	sbarrier.arrive $0xFFFF  }
0x40: {  	[sflag:s0] =	ssyncadd.tile.s32 @!p0 $0x1;
	_ =	shalt  }
.Lfunc_end2:
_tile_overlayer_lowered:
.L_overlay_start_2:
0x41: {  	(tag) =	ssettag $0x2  }
0x42: {  	s0 =	rddreg [dreg:$0x0];
	s2 =	stileid.u32  }
0x43: {  	s1 =	rddreg [dreg:$0x1];
	p0 =	sne.s32 s2, $0x0  }
0x44: {  	s3 =	rddreg [dreg:$0x2];
	[bflag:$0x3] =	sbarrier.arrive $0xFFFF;
	s2 =	simm.s32 @!p0 $0x1C02  }
0x45: {  	[timem:s3], [sflag:s2] =	dma.local @!p0 [hbm:s0], s1  }
0x46: {  	s0 =	simm.s32 @!p0 $0x2  }
0x47: {  	_ =	swait.ge @!p0 [sflag:s0], s1  }
0x48: {  	s1 =	ssub.s32 @!p0 $0x0, s1;
	[sflag:s0] =	ssyncset.done @!p0 $0x0  }
0x49: {  	[sflag:s0] =	ssyncadd.s32 @!p0 s1  }
0x4a: {  	[bflag:$0x3] =	sbarrier.arrive $0xFFFF  }
0x4b: {  	_ =	shalt  }

// kernel: kernel.13.cloned.1.call-start
scs
__scs_entry_jumppad:
0x0: {  	(pc) =	sbr.rel $0x88, $3  }
0x1: {  	(tag) =	ssettag $0x0;
	lr =	simm.s32 $0x1  }
0x2: {  	[smem:$0x3F97] =	sst lr;
	_ =	strace $0xD0000000  }
0x3: {  	_ = 	snop  }
0x4: {  	_ = 	snop  }
0x5: {  	_ = 	snop  }
0x6: {  	_ = 	snop  }
0x7: {  	_ = 	snop  }
__scs_overlays_trampoline_lowered:
0x8: {  	[smem:$0x3FA6] =	sst s0  }
0x9: {  	[smem:$0x3FA7] =	sst s1  }
0xa: {  	[smem:$0x3FA8] =	sst s2  }
0xb: {  	[smem:$0x3FA9] =	sst s3  }
0xc: {  	[smem:$0x3FAA] =	sst s4  }
0xd: {  	[smem:$0x3FAB] =	sst s5  }
0xe: {  	[smem:$0x3FAC] =	sst s6  }
0xf: {  	[smem:$0x3FAD] =	sst s7  }
0x10: {  	[smem:$0x3FAE] =	sst s8  }
0x11: {  	[smem:$0x3FAF] =	sst s9;
	s0 =	simm.s32 @!p0 $0x0  }
0x12: {  	s1 =	sld [smem:$0x3F95];
	s0 =	simm.s32 @p0 $0x1  }
0x13: {  	[smem:$0x3FB0] =	sst s0;
	s0 =	simm.s32 @!p1 $0x0  }
0x14: {  	s2 =	sld [smem:$0x3F94];
	s0 =	simm.s32 @p1 $0x1  }
0x15: {  	[smem:$0x3FB1] =	sst s0;
	s0 =	simm.s32 @!p2 $0x0  }
0x16: {  	s3 =	sld [smem:$0x3FDB];
	s0 =	simm.s32 @p2 $0x1  }
0x17: {  	s4 =	simm.s32 $0x1BF5;
	[smem:$0x3FB3] =	sst s0  }
0x18: {  	s0 =	sld [smem:$0x3F96];
	_ =	swait.ge [sflag:s4], $0x0  }
0x19: {  	s7 =	sld [smem:$0x3F97]  }
0x1a: {  	s8 =	sadd.s32 $0xFFFFE003, lr  }
0x1b: {  	s9 =	sadd.s32 $0xFFFFFEF7, lr;
	s5 =	simm.s32 $0xFFFFFFFF;
	p2 =	slt.u32 s8, $0xFFFFF086  }
0x1c: {  	p1 =	slt.u32 s9, $0xF7A;
	s5 =	simm.s32 @!p2 $0x0  }
0x1d: {  	s5 =	simm.s32 @p1 $0x1;
	p0 =	seq.s32 s7, s2  }
0x1e: {  	s7 =	smul.u32 @!p0 $0xF7A, s2;
	p2 =	seq.s32 @!p0 s5, $0x0  }
0x1f: {  	s9 =	smul.u32 $0xF7A, s1;
	s8 =	simm.s32 @!p0 $0x1BF5;
	p2 =	por !p2, p0  }
0x20: {  	[sflag:s8] =	ssyncset.s32 @!p0 $0xFFFFF086;
	s6 =	sadd.s32 @!p0 s3, s7;
	s7 =	simm.s32 @!p0 $0x108  }
0x21: {  	s3 =	sadd.s32 s3, s9;
	s6 =	sadd.s32 @!p0 $0x88, s6;
	s7 =	simm.s32 @p2 $0x1082  }
0x22: {  	[simem:s7], [sflag:s8] =	dma.local @!p0 [hbm:s6], $0xF7A  }
0x23: {  	s9 =	sor.u32 $0xD0000000, s2;
	s6 =	simm.s32 $0x108;
	_ =	swait.ge @!p0 [sflag:s8], $0x0  }
0x24: {  	s3 =	sadd.s32 $0x88, s3;
	s6 =	simm.s32 @!p1 $0x1082;
	[sflag:s4] =	ssyncset.s32 $0xFFFFF086  }
0x25: {  	[simem:s6], [sflag:s4] =	dma.local [hbm:s3], $0xF7A  }
0x26: {  	[smem:$0x3F97] =	sst s1;
	(tag) =	ssettag s2;
	_ =	strace s9  }
0x27: {  	s1 =	sld [smem:$0x3FA7]  }
0x28: {  	s2 =	sld [smem:$0x3FA8]  }
0x29: {  	s4 =	sld [smem:$0x3FAA]  }
0x2a: {  	p0 =	seq.s32 s5, $0x0;
	s5 =	sld [smem:$0x3FAB]  }
0x2b: {  	s6 =	sld [smem:$0x3FAC]  }
0x2c: {  	s7 =	sld [smem:$0x3FAD]  }
0x2d: {  	s3 =	simm.s32 $0x108;
	s8 =	sld [smem:$0x3FAE]  }
0x2e: {  	s3 =	simm.s32 @!p0 $0x1082;
	s9 =	sld [smem:$0x3FAF]  }
0x2f: {  	lr =	sadd.s32 s0, s3;
	s0 =	sld [smem:$0x3FA6]  }
0x30: {  	s3 =	sld [smem:$0x3FA9]  }
0x31: {  	[smem:$0x3FB2] =	sst s10  }
0x32: {  	s10 =	sld [smem:$0x3FB0];
	_ =	sdelay $0x3  }
0x33: {  	p0 =	seq.s32 s10, $0x1;
	s10 =	sld [smem:$0x3FB2];
	_ =	sdelay $0x3  }
0x34: {  	[smem:$0x3FB2] =	sst s10  }
0x35: {  	s10 =	sld [smem:$0x3FB1];
	_ =	sdelay $0x3  }
0x36: {  	p1 =	seq.s32 s10, $0x1;
	s10 =	sld [smem:$0x3FB2];
	_ =	sdelay $0x3  }
0x37: {  	[smem:$0x3FB2] =	sst s10  }
0x38: {  	s10 =	sld [smem:$0x3FB3]  }
0x39: {  	_ = 	snop;
	(pc) =	sbr.ind lr, $3  }
0x3a: {  	_ = 	snop  }
0x3b: {  	_ = 	snop  }
0x3c: {  	p2 =	seq.s32 s10, $0x1;
	s10 =	sld [smem:$0x3FB2]  }
0x3d: {  	_ =	shalt  }
0x3e: {  	_ =	shalt  }
0x3f: {  	_ =	shalt  }
0x40: {  	_ =	shalt  }
0x41: {  	_ =	shalt  }
0x42: {  	_ =	shalt  }
0x43: {  	_ =	shalt  }
0x44: {  	_ =	shalt  }
0x45: {  	_ =	shalt  }
0x46: {  	_ =	shalt  }
0x47: {  	_ =	shalt  }
0x48: {  	_ =	shalt  }
0x49: {  	_ =	shalt  }
0x4a: {  	_ =	shalt  }
0x4b: {  	_ =	shalt  }
0x4c: {  	_ =	shalt  }
0x4d: {  	_ =	shalt  }
0x4e: {  	_ =	shalt  }
0x4f: {  	_ =	shalt  }
0x50: {  	_ =	shalt  }
0x51: {  	_ =	shalt  }
0x52: {  	_ =	shalt  }
0x53: {  	_ =	shalt  }
0x54: {  	_ =	shalt  }
0x55: {  	_ =	shalt  }
0x56: {  	_ =	shalt  }
0x57: {  	_ =	shalt  }
0x58: {  	_ =	shalt  }
0x59: {  	_ =	shalt  }
0x5a: {  	_ =	shalt  }
0x5b: {  	_ =	shalt  }
0x5c: {  	_ =	shalt  }
0x5d: {  	_ =	shalt  }
0x5e: {  	_ =	shalt  }
0x5f: {  	_ =	shalt  }
0x60: {  	_ =	shalt  }
0x61: {  	_ =	shalt  }
0x62: {  	_ =	shalt  }
0x63: {  	_ =	shalt  }
0x64: {  	_ =	shalt  }
0x65: {  	_ =	shalt  }
0x66: {  	_ =	shalt  }
0x67: {  	_ =	shalt  }
0x68: {  	_ =	shalt  }
0x69: {  	_ =	shalt  }
0x6a: {  	_ =	shalt  }
0x6b: {  	_ =	shalt  }
0x6c: {  	_ =	shalt  }
0x6d: {  	_ =	shalt  }
0x6e: {  	_ =	shalt  }
0x6f: {  	_ =	shalt  }
0x70: {  	_ =	shalt  }
0x71: {  	_ =	shalt  }
0x72: {  	_ =	shalt  }
0x73: {  	_ =	shalt  }
0x74: {  	_ =	shalt  }
0x75: {  	_ =	shalt  }
0x76: {  	_ =	shalt  }
0x77: {  	_ =	shalt  }
0x78: {  	_ =	shalt  }
0x79: {  	_ =	shalt  }
0x7a: {  	_ =	shalt  }
0x7b: {  	_ =	shalt  }
0x7c: {  	_ =	shalt  }
0x7d: {  	_ =	shalt  }
0x7e: {  	_ =	shalt  }
0x7f: {  	_ =	shalt  }
0x80: {  	_ =	shalt  }
0x81: {  	_ =	shalt  }
0x82: {  	_ =	shalt  }
0x83: {  	_ =	shalt  }
0x84: {  	_ =	shalt  }
0x85: {  	_ =	shalt  }
0x86: {  	_ =	shalt  }
0x87: {  	_ =	shalt  }
.Lfunc_end0:
.L_simem_size_0:
called_computation.1_lowered:
.L_overlay_start_0:
0x88: {  	s2 =	sld [smem:$0x3FD9]  }
0x89: {  	s3 =	sld [smem:$0x3FFE];
	_ =	sdelay $0x1  }
0x8a: {  	s1 =	srdreg.scid  }
0x8b: {  	s0 =	sand.u32 $0x1, s1  }
0x8c: {  	s17 =	sshll.u32 s0, $0xA;
	s2 =	sadd.s32 s3, s2  }
0x8d: {  	s2 =	sadd.s32 s2, s17  }
0x8e: {  	[smem:$0x3FBE] =	sst s2  }
0x8f: {  	_ = 	snop  }
0x90: {  	s2 =	sld [smem:$0x3FD0];
	(tm) =	ssettm $0x1  }
0x91: {  	s18 =	sld [smem:$0x3FFB];
	_ =	sdelay $0x3  }
0x92: {  	_ =	strace s18  }
0x93: {  	s3 =	sld [smem:$0x3FFC];
	_ =	sdelay $0x3  }
0x94: {  	_ =	strace s3  }
0x95: {  	s3 =	sld [smem:$0x3FFD];
	_ =	sdelay $0x3  }
0x96: {  	_ =	strace s3  }
0x97: {  	_ =	strace $0x8FFFFFFF  }
0x98: {  	s19 =	sld [smem:$0x3FDB];
	_ =	sdelay $0x1  }
0x99: {  	s4 =	simm.s32 $_scs_section_size  }
0x9a: {  	s5 =	simm.s32 $_size__tile_overlayer_lowered;
	s6 =	simm.s32 $_tile_overlayer_lowered  }
0x9b: {  	s22 =	simm.s32 $0x1BFF;
	s21 =	sshll.u32 s6, $0x1;
	s3 =	sadd.s32 s4, s19  }
0x9c: {  	s7 =	simm.s32 $0x0;
	s20 =	sshll.u32 s5, $0x1;
	s5 =	sadd.s32 s21, s3  }
0x9d: {  	[timem:s7], [sflag:s22] =	dma.local [hbm:s5], s20  }
0x9e: {  	_ =	swait.ge [sflag:s22], s20  }
0x9f: {  	s4 =	ssub.s32 $0x0, s20;
	[sflag:s22] =	ssyncset.done $0x0  }
0xa0: {  	[sflag:s22] =	ssyncadd.s32 s4;
	_ =	sdelay $0x1  }
0xa1: {  	s23 =	simm.s32 $0x1B8B  }
0xa2: {  	_ =	swait.ge [sflag:s23], $0x1  }
0xa3: {  	[sflag:s23] =	ssyncset.done $0x0  }
0xa4: {  	s25 =	simm.s32 $0x1B8E;
	s24 =	sld [smem:$0x3FFE];
	[sflag:s23] =	ssyncadd.s32 $0xFFFFFFFF  }
0xa5: {  	s26 =	simm.s32 $execute0_lowered;
	[smem:$0x3FD2] =	sst s25  }
0xa6: {  	s5 =	sshll.u32 s26, $0x1;
	_ =	strace $0x80000049;
	[dreg:$0x1] =	wrdreg $0xFFFFFFFF  }
0xa7: {  	s28 =	simm.s32 $_size_execute0_lowered;
	s3 =	sadd.s32 s3, s5;
	[dreg:$0x0] =	wrdreg $0x0  }
0xa8: {  	s5 =	sshll.u32 s28, $0x1;
	[dreg:$0x2] =	wrdreg s3  }
0xa9: {  	[dreg:$0x3] =	wrdreg s5  }
0xaa: {  	[dreg:$0x4] =	wrdreg $0xC0  }
0xab: {  	_ =	task [dreg:s7], $0x5FFFF  }
0xac: {  	[dreg:$0x1] =	wrdreg $0xFFFFFFFF  }
0xad: {  	[dreg:$0x0] =	wrdreg $0x60  }
0xae: {  	[dreg:$0x2] =	wrdreg s24  }
0xaf: {  	[dreg:$0x3] =	wrdreg s2  }
0xb0: {  	[dreg:$0x4] =	wrdreg $0xA8800  }
0xb1: {  	[dreg:$0x5] =	wrdreg $0x9  }
0xb2: {  	_ =	task.clear_ibuf [dreg:s7], $0x6FFFF;
	_ =	strace $0x90000049  }
0xb3: {  	s29 =	simm.s32 $0x9;
	_ =	strace $0x8000004B  }
0xb4: {  	_ =	swait.ge [sflag:s29], $0x1  }
0xb5: {  	[sflag:s29] =	ssyncadd.s32 $0xFFFFFFFF  }
0xb6: {  	_ =	strace $0x9000004B  }
0xb7: {  	_ =	sfence  }
0xb8: {  	s30 =	sld [smem:$0x0];
	_ =	sdelay $0x2  }
0xb9: {  	s31 =	sshll.u32 s1, $0xD;
	s1 =	sshrl.u32 s1, $0x2  }
0xba: {  	s3 =	sand.u32 $0x4000, s31;
	s1 =	sadd.s32 s1, s30  }
0xbb: {  	s0 =	sor.u32 s3, s0;
	s1 =	sshll.u32 s1, $0x11  }
0xbc: {  	s0 =	sor.u32 s1, s0  }
0xbd: {  	s0 =	sadd.s32 $0x8F2B, s0  }
0xbe: {  	[sflag:s0] =	ssyncadd.remote.s32 $0x1  }
0xbf: {  	_ =	sfence.sel $0xFFFF  }
0xc0: {  	[dreg:$0x0] =	wrdreg $0xFFFFFFFF;
	(pc) =	sbr.abs _section_cstart, $3  }
0xc1: {  	[dreg:$0x1] =	wrdreg $0xFFFFFFFF  }
0xc2: {  	_ =	task.clear_ibuf [dreg:s7], $0x2FFFF;
	_ =	strace $0x9FFFFFFF  }
0xc3: {  	(tm) =	ssettm $0x7FFFFFFF  }
tec
execute0_lowered:
.L_overlay_start_1:
0x0: {  	(tag) =	ssettag $0x1  }
0x1: {  	s0 =	srdreg.scid;
	s1 =	rddreg [dreg:$0x0]  }
0x2: {  	s20 =	stileid.u32;
	s5 =	rddreg [dreg:$0x1];
	s3 =	simm.s32 $0x0  }
0x3: {  	s28 =	simm.s32 $0x2780;
	s29 =	simm.s32 $0x6880;
	s30 =	simm.s32 $0x2800  }
0x4: {  	s31 =	simm.s32 $0x1;
	s0 =	sand.u32 $0x1, s0;
	s2 =	sshll.u32 s20, $0x1  }
0x5: {  	[smem:$0x7FF] =	sst s3;
	s8 =	smul.u32 $0x14000, s20;
	s4 =	sadd.s32 $0x20400, s1  }
0x6: {  	s18 =	sadd.s32 $0xC800, s1;
	s11 =	sadd.s32 $0x2A00, s1;
	s24 =	smul.u32 $0x50000, s20  }
0x7: {  	p1 =	sne.s32 s20, $0xF;
	p2 =	seq.s32 s20, $0xF;
	s26 =	smul.u32 $0x2800, s20  }
0x8: {  	s15 =	smul.u32 $0x9C, s20;
	p3 =	sgt.u32 s20, $0x1;
	s7 =	sor.u32 s0, s2  }
0x9: {  	s2 =	rddreg [dreg:$0x2];
	s6 =	smul.u32 $0x140000, s0;
	_ =	strace $0x8000004A  }
0xa: {  	s21 =	ssub.s32 $0x2, s0;
	p0 =	seq.s32 s0, $0x0;
	s0 =	smul.u32 $0x4E, s0  }
0xb: {  	[dreg:$0x4] =	wrdreg s11;
	s9 =	smul.u32 $0x4E0, s7;
	s22 =	sshrl.u32 s21, $0x1  }
0xc: {  	s16 =	sshll.u32 s7, $0x4;
	p1 =	por !p0, !p1;
	p2 =	por !p0, !p2  }
0xd: {  	s25 =	sshrl.u32 s24, $0x2;
	s7 =	sadd.s32 $0x138800, s2;
	s24 =	sshll.u32 s20, $0x6  }
0xe: {  	s6 =	sadd.s32 s8, s6;
	s13 =	ssub.s32 s21, s22;
	s5 =	sadd.s32 s16, s5  }
0xf: {  	p1 =	por !p1, !p1;
	p2 =	por !p2, !p2;
	s8 =	sadd.s32 s25, s2  }
0x10: {  	s0 =	sadd.s32 s0, s15;
	s20 =	sor.u32 $0x1C05, s24;
	s21 =	simm.s32 $0x5  }
0x11: {  	s22 =	simm.s32 $0x2;
	s10 =	sadd.s32 s9, s1;
	s6 =	sshrl.u32 s6, $0x3  }
0x12: {  	s5 =	sadd.s32 $0x9C00, s5;
	s11 =	sadd.s32 s18, s9;
	s13 =	smax.u32 s13, $0x1  }
0x13: {  	s0 =	sshll.u32 s0, $0x4;
	s9 =	simm.s32 $0x4;
	s12 =	sadd.s32 s6, s1  }
0x14: {  	s23 =	sadd.s32 $0x16600, s10;
	[dreg:$0x6] =	wrdreg s5;
	s6 =	sadd.s32 $0x12C000, s2  }
0x15: {  	s1 =	sadd.s32 $0x45C00, s1;
	s10 =	sadd.s32 s4, s26;
	s14 =	sadd.s32 $0x10, s11  }
0x16: {  	s15 =	sadd.s32 $0x20, s11;
	s0 =	sadd.s32 s18, s0;
	[dreg:$0x5] =	wrdreg s23  }
0x17: {  	s26 =	sshrl.u32 s7, $0x3;
	[dreg:$0x7] =	wrdreg s1;
	s12 =	sadd.s32 $0x47600, s12  }
0x18: {  	s23 =	sadd.s32 s16, s18;
	s16 =	sadd.s32 $0x4D0, s11;
	s18 =	sadd.s32 $0x30, s0  }
0x19: {  	s19 =	sadd.s32 $0x40, s0;
	s25 =	sshrl.u32 s6, $0x3;
	[dreg:$0x9] =	wrdreg s26  }
0x1a: {  	s26 =	simm.s32 $0x2880;
	s1 =	simm.s32 $0x3;
	s17 =	sadd.s32 $0x9C00, s23  }
0x1b: {  	s23 =	simm.s32 $0x80;
	[dreg:$0x8] =	wrdreg s25;
	s25 =	simm.s32 $0x0  }
.LBB2_1:
.Ltmp0:
0x1c: {  	s0 =	rddreg [dreg:$0x5];
	(pc) =	sbr.rel @!p1 .LBB2_2-.Ltmp0, $4  }
0x1d: {  	[tilespmem:s3], [sflag:$0x2] =	stream.linear.gather [hbm4b:s0+s3], $0x2700, $0x38;
	[tilespmem:$0x1E880] =	vst v63  }
0x1e: {  	s5 =	simm.s32 @!p3 $0x2700;
	s6 =	rddreg [dreg:$0x6];
	s0 =	simm.s32 @!p3 $0x0  }
0x1f: {  	[tilespmem:s5], [sflag:$0x2] =	stream.linear.gather @!p3 [hbm4b:s6+s0], $0x80, $0x38;
	[tilespmem:$0x1E880] =	vst v63  }
0x20: {  	s0 =	smov.u32 s10  }
.LBB2_6:
0x21: {  	s5 =	sshrl.u32 s8, $0x3  }
0x22: {  	[spmem:s5], [sflag:s20] =	dma.local [hbm:s0], $0x2800  }
0x23: {  	_ =	swait.ge [sflag:s21], $0x2800  }
0x24: {  	[sflag:s21] =	ssyncset.done $0x0  }
0x25: {  	[sflag:s21] =	ssyncadd.s32 $0xFFFFD800  }
.LBB2_7:
0x26: {  	_ =	swait.ge [sflag:s22], $0x2700  }
.Ltmp1:
0x27: {  	[sflag:s22] =	ssyncset.done $0x0;
	(pc) =	sbr.rel .LBB2_8-.Ltmp1, $4  }
0x28: {  	s0 =	simm.s32 @!p3 $0x2;
	[sflag:s22] =	ssyncadd.s32 $0xFFFFD900  }
0x29: {  	_ =	swait.ge @!p3 [sflag:s0], $0x80  }
0x2a: {  	[sflag:s0] =	ssyncset.done @!p3 $0x0  }
0x2b: {  	[sflag:s0] =	ssyncadd.s32 @!p3 $0xFFFFFF80  }
.LBB2_2:
.Ltmp2:
0x2c: {  	(pc) =	sbr.rel @!p2 .LBB2_4-.Ltmp2, $1  }
0x2d: {  	_ =	sdelay $0x3  }
0x2e: {  	s0 =	rddreg [dreg:$0x7]  }
0x2f: {  	s5 =	rddreg [dreg:$0x8];
	s6 =	simm.s32 $0x1FC5  }
0x30: {  	[spmem:s5], [sflag:s6] =	dma.local [hbm:s0], $0x1900  }
0x31: {  	_ =	swait.ge [sflag:s21], $0x1900  }
0x32: {  	[sflag:s21] =	ssyncset.done $0x0;
	s7 =	rddreg [dreg:$0x4]  }
0x33: {  	s24 =	rddreg [dreg:$0x9];
	[sflag:s21] =	ssyncadd.s32 $0xFFFFE700  }
0x34: {  	[spmem:s24], [sflag:s6] =	dma.local [hbm:s7], $0xF00  }
0x35: {  	_ =	swait.ge [sflag:s21], $0xF00  }
0x36: {  	[sflag:s21] =	ssyncset.done $0x0  }
0x37: {  	[sflag:s21] =	ssyncadd.s32 $0xFFFFF100  }
0x38: {  	_ =	swait.ge [sflag:s22], $0x2700  }
0x39: {  	[sflag:s22] =	ssyncset.done $0x0  }
0x3a: {  	[sflag:s22] =	ssyncadd.s32 $0xFFFFD900  }
.LBB2_8:
0x3b: {  	[bflag:$0x0] =	sbarrier.arrive $0xFFFF;
	s0 =	simm.s32 $0x0  }
0x3c: {  	[tilespmem:s26], [sflag:$0x1] =	stream.indirect.gather [hbm4b:s4+s23], $0x80, s0, s23, $0xb8;
	[tilespmem:$0x1E880] =	vst v63  }
0x3d: {  	_ = 	snop  }
0x3e: {  	[tilespmem:s28], [sflag:$0x1] =	stream.linear.gather [hbm4b:s11+s0], $0x80, $0x38;
	[tilespmem:$0x1E880] =	vst v63  }
0x3f: {  	_ = 	snop  }
0x40: {  	[tilespmem:s29], [sflag:$0x2] =	stream.indirect.gather [hbm4b:s4+s23], $0x80, s23, s23, $0xb8;
	[tilespmem:$0x1E880] =	vst v63  }
0x41: {  	_ = 	snop  }
0x42: {  	[tilespmem:s30], [sflag:$0x2] =	stream.linear.gather [hbm4b:s14+s0], $0x80, $0x38;
	[tilespmem:$0x1E880] =	vst v63  }
0x43: {  	_ =	swait.ge [sflag:s31], $0x4000  }
0x44: {  	[sflag:s31] =	ssyncset.done $0x0  }
0x45: {  	[sflag:s31] =	ssyncadd.s32 $0xFFFFC000  }
0x46: {  	_ =	swait.ge [sflag:s31], $0x80  }
0x47: {  	[sflag:s31] =	ssyncset.done $0x0  }
0x48: {  	[sflag:s31] =	ssyncadd.s32 $0xFFFFFF80  }
0x49: {  	[spmem:s2] =	stream.indirect.scatter.add.f32 [tilespmem:s26], [sflag:$0x3], $0x80, s28, s23, $0xb8;
	[tilespmem:$0x1E880] =	vst v63  }
0x4a: {  	_ =	swait.ge [sflag:s1], $0x4000  }
0x4b: {  	[sflag:s1] =	ssyncset.done $0x0  }
0x4c: {  	s5 =	simm.s32 $0x100;
	[sflag:s1] =	ssyncadd.s32 $0xFFFFC000  }
0x4d: {  	[tilespmem:s26], [sflag:$0x1] =	stream.indirect.gather [hbm4b:s4+s23], $0x80, s5, s23, $0xb8;
	[tilespmem:$0x1E880] =	vst v63  }
0x4e: {  	_ = 	snop  }
0x4f: {  	[tilespmem:s28], [sflag:$0x1] =	stream.linear.gather [hbm4b:s15+s0], $0x80, $0x38;
	[tilespmem:$0x1E880] =	vst v63  }
0x50: {  	_ =	swait.ge [sflag:s22], $0x4000  }
0x51: {  	[sflag:s22] =	ssyncset.done $0x0  }
0x52: {  	[sflag:s22] =	ssyncadd.s32 $0xFFFFC000  }
0x53: {  	_ =	swait.ge [sflag:s22], $0x80  }
0x54: {  	[sflag:s22] =	ssyncset.done $0x0  }
0x55: {  	[sflag:s22] =	ssyncadd.s32 $0xFFFFFF80  }
0x56: {  	[spmem:s2] =	stream.indirect.scatter.add.f32 [tilespmem:s29], [sflag:$0x4], $0x80, s30, s23, $0xb8;
	[tilespmem:$0x1E880] =	vst v63  }
0x57: {  	_ =	swait.ge [sflag:s9], $0x4000  }
0x58: {  	[sflag:s9] =	ssyncset.done $0x0  }
0x59: {  	s5 =	simm.s32 $0x180;
	[sflag:s9] =	ssyncadd.s32 $0xFFFFC000  }
0x5a: {  	[tilespmem:s29], [sflag:$0x2] =	stream.indirect.gather [hbm4b:s4+s23], $0x80, s5, s23, $0xb8;
	[tilespmem:$0x1E880] =	vst v63  }
0x5b: {  	s6 =	sadd.s32 $0x0, s18  }
0x5c: {  	[tilespmem:s30], [sflag:$0x2] =	stream.linear.gather [hbm4b:s6+s3], $0x80, $0x38;
	[tilespmem:$0x1E880] =	vst v63  }
0x5d: {  	_ =	swait.ge [sflag:s31], $0x4000  }
0x5e: {  	[sflag:s31] =	ssyncset.done $0x0  }
0x5f: {  	[sflag:s31] =	ssyncadd.s32 $0xFFFFC000  }
0x60: {  	_ =	swait.ge [sflag:s31], $0x80  }
0x61: {  	[sflag:s31] =	ssyncset.done $0x0  }
0x62: {  	[sflag:s31] =	ssyncadd.s32 $0xFFFFFF80  }
0x63: {  	[spmem:s2] =	stream.indirect.scatter.add.f32 [tilespmem:s26], [sflag:$0x3], $0x80, s28, s23, $0xb8;
	[tilespmem:$0x1E880] =	vst v63  }
0x64: {  	_ =	swait.ge [sflag:s1], $0x4000  }
0x65: {  	[sflag:s1] =	ssyncset.done $0x0  }
0x66: {  	s7 =	simm.s32 $0x200;
	[sflag:s1] =	ssyncadd.s32 $0xFFFFC000  }
0x67: {  	[tilespmem:s26], [sflag:$0x1] =	stream.indirect.gather [hbm4b:s4+s23], $0x80, s7, s23, $0xb8;
	[tilespmem:$0x1E880] =	vst v63  }
0x68: {  	s24 =	sadd.s32 $0x0, s19  }
0x69: {  	[tilespmem:s28], [sflag:$0x1] =	stream.linear.gather [hbm4b:s24+s3], $0x80, $0x38;
	[tilespmem:$0x1E880] =	vst v63  }
0x6a: {  	_ =	swait.ge [sflag:s22], $0x4000  }
0x6b: {  	[sflag:s22] =	ssyncset.done $0x0  }
0x6c: {  	[sflag:s22] =	ssyncadd.s32 $0xFFFFC000  }
0x6d: {  	_ =	swait.ge [sflag:s22], $0x80  }
0x6e: {  	[sflag:s22] =	ssyncset.done $0x0  }
0x6f: {  	s0 =	simm.s32 $0x280;
	s5 =	simm.s32 $0x20;
	[sflag:s22] =	ssyncadd.s32 $0xFFFFFF80  }
.LBB2_9:
0x70: {  	[spmem:s2] =	stream.indirect.scatter.add.f32 [tilespmem:s29], [sflag:$0x4], $0x80, s30, s23, $0xb8;
	[tilespmem:$0x1E880] =	vst v63  }
0x71: {  	s24 =	smov.u32 s5  }
0x72: {  	p4 =	sne.s32 s5, $0x480;
	s5 =	sadd.s32 $0x20, s5;
	_ =	swait.ge [sflag:s9], $0x4000  }
0x73: {  	[sflag:s9] =	ssyncset.done $0x0  }
0x74: {  	[sflag:s9] =	ssyncadd.s32 $0xFFFFC000  }
0x75: {  	[tilespmem:s29], [sflag:$0x2] =	stream.indirect.gather [hbm4b:s4+s23], $0x80, s0, s23, $0xb8;
	[tilespmem:$0x1E880] =	vst v63  }
0x76: {  	s6 =	sadd.s32 s24, s18  }
0x77: {  	[tilespmem:s30], [sflag:$0x2] =	stream.linear.gather [hbm4b:s6+s3], $0x80, $0x38;
	[tilespmem:$0x1E880] =	vst v63  }
0x78: {  	_ =	swait.ge [sflag:s31], $0x4000  }
0x79: {  	[sflag:s31] =	ssyncset.done $0x0  }
0x7a: {  	[sflag:s31] =	ssyncadd.s32 $0xFFFFC000  }
0x7b: {  	_ =	swait.ge [sflag:s31], $0x80  }
0x7c: {  	[sflag:s31] =	ssyncset.done $0x0  }
0x7d: {  	[sflag:s31] =	ssyncadd.s32 $0xFFFFFF80  }
0x7e: {  	[spmem:s2] =	stream.indirect.scatter.add.f32 [tilespmem:s26], [sflag:$0x3], $0x80, s28, s23, $0xb8;
	[tilespmem:$0x1E880] =	vst v63  }
0x7f: {  	_ =	swait.ge [sflag:s1], $0x4000  }
0x80: {  	[sflag:s1] =	ssyncset.done $0x0  }
0x81: {  	s6 =	sadd.s32 $0x80, s0;
	[sflag:s1] =	ssyncadd.s32 $0xFFFFC000  }
0x82: {  	[tilespmem:s26], [sflag:$0x1] =	stream.indirect.gather [hbm4b:s4+s23], $0x80, s6, s23, $0xb8;
	[tilespmem:$0x1E880] =	vst v63  }
0x83: {  	s6 =	sadd.s32 s24, s19  }
0x84: {  	[tilespmem:s28], [sflag:$0x1] =	stream.linear.gather [hbm4b:s6+s3], $0x80, $0x38;
	[tilespmem:$0x1E880] =	vst v63  }
0x85: {  	_ =	swait.ge [sflag:s22], $0x4000  }
.Ltmp3:
0x86: {  	[sflag:s22] =	ssyncset.done $0x0;
	(pc) =	sbr.rel @p4 .LBB2_9-.Ltmp3, $4  }
0x87: {  	[sflag:s22] =	ssyncadd.s32 $0xFFFFC000  }
0x88: {  	_ =	swait.ge [sflag:s22], $0x80  }
0x89: {  	[sflag:s22] =	ssyncset.done $0x0  }
0x8a: {  	s0 =	sadd.s32 $0x100, s0;
	[sflag:s22] =	ssyncadd.s32 $0xFFFFFF80  }
0x8b: {  	[spmem:s2] =	stream.indirect.scatter.add.f32 [tilespmem:s29], [sflag:$0x4], $0x80, s30, s23, $0xb8;
	[tilespmem:$0x1E880] =	vst v63  }
0x8c: {  	_ =	swait.ge [sflag:s9], $0x4000  }
0x8d: {  	[sflag:s9] =	ssyncset.done $0x0  }
0x8e: {  	s0 =	simm.s32 $0x2680;
	[sflag:s9] =	ssyncadd.s32 $0xFFFFC000  }
0x8f: {  	[tilespmem:s29], [sflag:$0x2] =	stream.indirect.gather [hbm4b:s4+s23], $0x80, s0, s23, $0xb8;
	[tilespmem:$0x1E880] =	vst v63  }
0x90: {  	_ = 	snop  }
0x91: {  	[tilespmem:s30], [sflag:$0x2] =	stream.linear.gather [hbm4b:s16+s3], $0x80, $0x38;
	[tilespmem:$0x1E880] =	vst v63  }
0x92: {  	_ =	swait.ge [sflag:s31], $0x4000  }
0x93: {  	[sflag:s31] =	ssyncset.done $0x0  }
0x94: {  	[sflag:s31] =	ssyncadd.s32 $0xFFFFC000  }
0x95: {  	_ =	swait.ge [sflag:s31], $0x80  }
0x96: {  	[sflag:s31] =	ssyncset.done $0x0  }
0x97: {  	[sflag:s31] =	ssyncadd.s32 $0xFFFFFF80  }
0x98: {  	[spmem:s2] =	stream.indirect.scatter.add.f32 [tilespmem:s26], [sflag:$0x3], $0x80, s28, s23, $0xb8;
	[tilespmem:$0x1E880] =	vst v63  }
0x99: {  	_ =	swait.ge [sflag:s1], $0x4000  }
0x9a: {  	[sflag:s1] =	ssyncset.done $0x0  }
0x9b: {  	s0 =	simm.s32 @p3 $0x2;
	[sflag:s1] =	ssyncadd.s32 $0xFFFFC000  }
0x9c: {  	_ =	swait.ge @p3 [sflag:s0], $0x4000  }
0x9d: {  	[sflag:s0] =	ssyncset.done @p3 $0x0  }
0x9e: {  	[sflag:s0] =	ssyncadd.s32 @p3 $0xFFFFC000  }
0x9f: {  	_ =	swait.ge @p3 [sflag:s0], $0x80  }
0xa0: {  	s5 =	simm.s32 @p3 $0x2800;
	[sflag:s0] =	ssyncset.done @p3 $0x0  }
0xa1: {  	s6 =	simm.s32 @p3 $0x6880;
	[sflag:s0] =	ssyncadd.s32 @p3 $0xFFFFFF80;
	s0 =	simm.s32 @p3 $0x80  }
0xa2: {  	[spmem:s2] =	stream.indirect.scatter.add.f32 @p3 [tilespmem:s6], [sflag:$0x4], $0x80, s5, s0, $0xb8;
	[tilespmem:$0x1E880] =	vst v63  }
0xa3: {  	s0 =	simm.s32 @!p3 $0x80;
	s5 =	simm.s32 @!p3 $0x2700;
	s6 =	simm.s32 @!p3 $0x2880  }
0xa4: {  	[tilespmem:s6], [sflag:$0x1] =	stream.indirect.gather @!p3 [hbm4b:s4+s0], $0x80, s5, s0, $0xb8;
	[tilespmem:$0x1E880] =	vst v63  }
0xa5: {  	s24 =	simm.s32 @!p3 $0x2780;
	s5 =	simm.s32 @!p3 $0x0  }
0xa6: {  	[tilespmem:s24], [sflag:$0x1] =	stream.linear.gather @!p3 [hbm4b:s17+s5], $0x80, $0x38;
	[tilespmem:$0x1E880] =	vst v63  }
0xa7: {  	s5 =	simm.s32 @!p3 $0x2  }
0xa8: {  	_ =	swait.ge @!p3 [sflag:s5], $0x4000  }
0xa9: {  	[sflag:s5] =	ssyncset.done @!p3 $0x0  }
0xaa: {  	[sflag:s5] =	ssyncadd.s32 @!p3 $0xFFFFC000  }
0xab: {  	_ =	swait.ge @!p3 [sflag:s5], $0x80  }
0xac: {  	[sflag:s5] =	ssyncset.done @!p3 $0x0  }
0xad: {  	s7 =	simm.s32 @!p3 $0x6880;
	[sflag:s5] =	ssyncadd.s32 @!p3 $0xFFFFFF80;
	s5 =	simm.s32 @!p3 $0x2800  }
0xae: {  	[spmem:s2] =	stream.indirect.scatter.add.f32 @!p3 [tilespmem:s7], [sflag:$0x4], $0x80, s5, s0, $0xb8;
	[tilespmem:$0x1E880] =	vst v63  }
0xaf: {  	s5 =	simm.s32 @!p3 $0x1  }
0xb0: {  	_ =	swait.ge @!p3 [sflag:s5], $0x4000  }
0xb1: {  	[sflag:s5] =	ssyncset.done @!p3 $0x0  }
0xb2: {  	[sflag:s5] =	ssyncadd.s32 @!p3 $0xFFFFC000  }
0xb3: {  	_ =	swait.ge @!p3 [sflag:s5], $0x80  }
0xb4: {  	[sflag:s5] =	ssyncset.done @!p3 $0x0  }
0xb5: {  	[sflag:s5] =	ssyncadd.s32 @!p3 $0xFFFFFF80  }
0xb6: {  	[spmem:s2] =	stream.indirect.scatter.add.f32 @!p3 [tilespmem:s6], [sflag:$0x3], $0x80, s24, s0, $0xb8;
	[tilespmem:$0x1E880] =	vst v63  }
0xb7: {  	s0 =	simm.s32 @!p3 $0x3  }
0xb8: {  	_ =	swait.ge @!p3 [sflag:s0], $0x4000  }
0xb9: {  	[sflag:s0] =	ssyncset.done @!p3 $0x0  }
0xba: {  	[sflag:s0] =	ssyncadd.s32 @!p3 $0xFFFFC000  }
0xbb: {  	_ =	swait.ge [sflag:s9], $0x4000  }
0xbc: {  	[sflag:s9] =	ssyncset.done $0x0  }
0xbd: {  	s25 =	sadd.s32 $0x1, s25;
	[sflag:s9] =	ssyncadd.s32 $0xFFFFC000  }
0xbe: {  	p4 =	sne.s32 s25, s13;
	s24 =	sshrl.u32 s8, $0x3;
	[bflag:$0x0] =	sbarrier.arrive $0xFFFF  }
0xbf: {  	[hbm:s12], [sflag:s20] =	dma.local [spmem:s24], $0x2800  }
.Ltmp4:
0xc0: {  	_ = 	snop;
	(pc) =	sbr.rel @p4 .LBB2_1-.Ltmp4, $4  }
.Ltmp5:
0xc1: {  	_ = 	snop;
	(pc) =	sbr.rel @!p4 .LBB2_11-.Ltmp5, $4  }
0xc2: {  	_ =	swait.ge [sflag:s21], $0x2800  }
0xc3: {  	[sflag:s21] =	ssyncset.done $0x0  }
0xc4: {  	[sflag:s21] =	ssyncadd.s32 $0xFFFFD800  }
0xc5: {  	_ = 	snop  }
.LBB2_4:
.Ltmp6:
0xc6: {  	(pc) =	sbr.rel @p0 .LBB2_7-.Ltmp6, $1  }
0xc7: {  	_ =	sdelay $0x3  }
.Ltmp7:
0xc8: {  	(pc) =	sbr.rel .LBB2_6-.Ltmp7, $2  }
0xc9: {  	_ =	sdelay $0x2  }
0xca: {  	s0 =	rddreg [dreg:$0x4]  }
.LBB2_11:
0xcb: {  	_ =	sfence.sel $0x180000  }
0xcc: {  	[bflag:$0x0] =	sbarrier.arrive $0xFFFF  }
0xcd: {  	_ =	strace $0x9000004A  }
0xce: {  	s0 =	stileid.u32;
	[bflag:$0x2] =	sbarrier.arrive $0xFFFF  }
0xcf: {  	p0 =	sne.s32 s0, $0x0;
	s0 =	rddreg [dreg:$0x3]  }
0xd0: {  	s0 =	sadd.s32 @!p0 $0x100000, s0  }
0xd1: {  	[sflag:s0] =	ssyncadd.tile.s32 @!p0 $0x1;
	_ =	shalt  }
.Lfunc_end2:
_tile_overlayer_lowered:
.L_overlay_start_2:
0xd2: {  	(tag) =	ssettag $0x2  }
0xd3: {  	s0 =	rddreg [dreg:$0x0];
	s2 =	stileid.u32  }
0xd4: {  	s1 =	rddreg [dreg:$0x1];
	p0 =	sne.s32 s2, $0x0  }
0xd5: {  	s3 =	rddreg [dreg:$0x2];
	[bflag:$0x3] =	sbarrier.arrive $0xFFFF;
	s2 =	simm.s32 @!p0 $0x1C05  }
0xd6: {  	[timem:s3], [sflag:s2] =	dma.local @!p0 [hbm:s0], s1  }
0xd7: {  	s0 =	simm.s32 @!p0 $0x5  }
0xd8: {  	_ =	swait.ge @!p0 [sflag:s0], s1  }
0xd9: {  	s1 =	ssub.s32 @!p0 $0x0, s1;
	[sflag:s0] =	ssyncset.done @!p0 $0x0  }
0xda: {  	[sflag:s0] =	ssyncadd.s32 @!p0 s1  }
0xdb: {  	[bflag:$0x3] =	sbarrier.arrive $0xFFFF  }
0xdc: {  	_ =	shalt  }

// kernel: kernel.16.cloned.1.call-start
scs
__scs_entry_jumppad:
0x0: {  	(pc) =	sbr.rel $0x88, $3  }
0x1: {  	(tag) =	ssettag $0x0;
	lr =	simm.s32 $0x1  }
0x2: {  	[smem:$0x3F97] =	sst lr;
	_ =	strace $0xD0000000  }
0x3: {  	_ = 	snop  }
0x4: {  	_ = 	snop  }
0x5: {  	_ = 	snop  }
0x6: {  	_ = 	snop  }
0x7: {  	_ = 	snop  }
__scs_overlays_trampoline_lowered:
0x8: {  	[smem:$0x3FA6] =	sst s0  }
0x9: {  	[smem:$0x3FA7] =	sst s1  }
0xa: {  	[smem:$0x3FA8] =	sst s2  }
0xb: {  	[smem:$0x3FA9] =	sst s3  }
0xc: {  	[smem:$0x3FAA] =	sst s4  }
0xd: {  	[smem:$0x3FAB] =	sst s5  }
0xe: {  	[smem:$0x3FAC] =	sst s6  }
0xf: {  	[smem:$0x3FAD] =	sst s7  }
0x10: {  	[smem:$0x3FAE] =	sst s8  }
0x11: {  	[smem:$0x3FAF] =	sst s9;
	s0 =	simm.s32 @!p0 $0x0  }
0x12: {  	s1 =	sld [smem:$0x3F95];
	s0 =	simm.s32 @p0 $0x1  }
0x13: {  	[smem:$0x3FB0] =	sst s0;
	s0 =	simm.s32 @!p1 $0x0  }
0x14: {  	s2 =	sld [smem:$0x3F94];
	s0 =	simm.s32 @p1 $0x1  }
0x15: {  	[smem:$0x3FB1] =	sst s0;
	s0 =	simm.s32 @!p2 $0x0  }
0x16: {  	s3 =	sld [smem:$0x3FDB];
	s0 =	simm.s32 @p2 $0x1  }
0x17: {  	s4 =	simm.s32 $0x1BF5;
	[smem:$0x3FB3] =	sst s0  }
0x18: {  	s0 =	sld [smem:$0x3F96];
	_ =	swait.ge [sflag:s4], $0x0  }
0x19: {  	s7 =	sld [smem:$0x3F97]  }
0x1a: {  	s8 =	sadd.s32 $0xFFFFE003, lr  }
0x1b: {  	s9 =	sadd.s32 $0xFFFFFEF7, lr;
	s5 =	simm.s32 $0xFFFFFFFF;
	p2 =	slt.u32 s8, $0xFFFFF086  }
0x1c: {  	p1 =	slt.u32 s9, $0xF7A;
	s5 =	simm.s32 @!p2 $0x0  }
0x1d: {  	s5 =	simm.s32 @p1 $0x1;
	p0 =	seq.s32 s7, s2  }
0x1e: {  	s7 =	smul.u32 @!p0 $0xF7A, s2;
	p2 =	seq.s32 @!p0 s5, $0x0  }
0x1f: {  	s9 =	smul.u32 $0xF7A, s1;
	s8 =	simm.s32 @!p0 $0x1BF5;
	p2 =	por !p2, p0  }
0x20: {  	[sflag:s8] =	ssyncset.s32 @!p0 $0xFFFFF086;
	s6 =	sadd.s32 @!p0 s3, s7;
	s7 =	simm.s32 @!p0 $0x108  }
0x21: {  	s3 =	sadd.s32 s3, s9;
	s6 =	sadd.s32 @!p0 $0x88, s6;
	s7 =	simm.s32 @p2 $0x1082  }
0x22: {  	[simem:s7], [sflag:s8] =	dma.local @!p0 [hbm:s6], $0xF7A  }
0x23: {  	s9 =	sor.u32 $0xD0000000, s2;
	s6 =	simm.s32 $0x108;
	_ =	swait.ge @!p0 [sflag:s8], $0x0  }
0x24: {  	s3 =	sadd.s32 $0x88, s3;
	s6 =	simm.s32 @!p1 $0x1082;
	[sflag:s4] =	ssyncset.s32 $0xFFFFF086  }
0x25: {  	[simem:s6], [sflag:s4] =	dma.local [hbm:s3], $0xF7A  }
0x26: {  	[smem:$0x3F97] =	sst s1;
	(tag) =	ssettag s2;
	_ =	strace s9  }
0x27: {  	s1 =	sld [smem:$0x3FA7]  }
0x28: {  	s2 =	sld [smem:$0x3FA8]  }
0x29: {  	s4 =	sld [smem:$0x3FAA]  }
0x2a: {  	p0 =	seq.s32 s5, $0x0;
	s5 =	sld [smem:$0x3FAB]  }
0x2b: {  	s6 =	sld [smem:$0x3FAC]  }
0x2c: {  	s7 =	sld [smem:$0x3FAD]  }
0x2d: {  	s3 =	simm.s32 $0x108;
	s8 =	sld [smem:$0x3FAE]  }
0x2e: {  	s3 =	simm.s32 @!p0 $0x1082;
	s9 =	sld [smem:$0x3FAF]  }
0x2f: {  	lr =	sadd.s32 s0, s3;
	s0 =	sld [smem:$0x3FA6]  }
0x30: {  	s3 =	sld [smem:$0x3FA9]  }
0x31: {  	[smem:$0x3FB2] =	sst s10  }
0x32: {  	s10 =	sld [smem:$0x3FB0];
	_ =	sdelay $0x3  }
0x33: {  	p0 =	seq.s32 s10, $0x1;
	s10 =	sld [smem:$0x3FB2];
	_ =	sdelay $0x3  }
0x34: {  	[smem:$0x3FB2] =	sst s10  }
0x35: {  	s10 =	sld [smem:$0x3FB1];
	_ =	sdelay $0x3  }
0x36: {  	p1 =	seq.s32 s10, $0x1;
	s10 =	sld [smem:$0x3FB2];
	_ =	sdelay $0x3  }
0x37: {  	[smem:$0x3FB2] =	sst s10  }
0x38: {  	s10 =	sld [smem:$0x3FB3]  }
0x39: {  	_ = 	snop;
	(pc) =	sbr.ind lr, $3  }
0x3a: {  	_ = 	snop  }
0x3b: {  	_ = 	snop  }
0x3c: {  	p2 =	seq.s32 s10, $0x1;
	s10 =	sld [smem:$0x3FB2]  }
0x3d: {  	_ =	shalt  }
0x3e: {  	_ =	shalt  }
0x3f: {  	_ =	shalt  }
0x40: {  	_ =	shalt  }
0x41: {  	_ =	shalt  }
0x42: {  	_ =	shalt  }
0x43: {  	_ =	shalt  }
0x44: {  	_ =	shalt  }
0x45: {  	_ =	shalt  }
0x46: {  	_ =	shalt  }
0x47: {  	_ =	shalt  }
0x48: {  	_ =	shalt  }
0x49: {  	_ =	shalt  }
0x4a: {  	_ =	shalt  }
0x4b: {  	_ =	shalt  }
0x4c: {  	_ =	shalt  }
0x4d: {  	_ =	shalt  }
0x4e: {  	_ =	shalt  }
0x4f: {  	_ =	shalt  }
0x50: {  	_ =	shalt  }
0x51: {  	_ =	shalt  }
0x52: {  	_ =	shalt  }
0x53: {  	_ =	shalt  }
0x54: {  	_ =	shalt  }
0x55: {  	_ =	shalt  }
0x56: {  	_ =	shalt  }
0x57: {  	_ =	shalt  }
0x58: {  	_ =	shalt  }
0x59: {  	_ =	shalt  }
0x5a: {  	_ =	shalt  }
0x5b: {  	_ =	shalt  }
0x5c: {  	_ =	shalt  }
0x5d: {  	_ =	shalt  }
0x5e: {  	_ =	shalt  }
0x5f: {  	_ =	shalt  }
0x60: {  	_ =	shalt  }
0x61: {  	_ =	shalt  }
0x62: {  	_ =	shalt  }
0x63: {  	_ =	shalt  }
0x64: {  	_ =	shalt  }
0x65: {  	_ =	shalt  }
0x66: {  	_ =	shalt  }
0x67: {  	_ =	shalt  }
0x68: {  	_ =	shalt  }
0x69: {  	_ =	shalt  }
0x6a: {  	_ =	shalt  }
0x6b: {  	_ =	shalt  }
0x6c: {  	_ =	shalt  }
0x6d: {  	_ =	shalt  }
0x6e: {  	_ =	shalt  }
0x6f: {  	_ =	shalt  }
0x70: {  	_ =	shalt  }
0x71: {  	_ =	shalt  }
0x72: {  	_ =	shalt  }
0x73: {  	_ =	shalt  }
0x74: {  	_ =	shalt  }
0x75: {  	_ =	shalt  }
0x76: {  	_ =	shalt  }
0x77: {  	_ =	shalt  }
0x78: {  	_ =	shalt  }
0x79: {  	_ =	shalt  }
0x7a: {  	_ =	shalt  }
0x7b: {  	_ =	shalt  }
0x7c: {  	_ =	shalt  }
0x7d: {  	_ =	shalt  }
0x7e: {  	_ =	shalt  }
0x7f: {  	_ =	shalt  }
0x80: {  	_ =	shalt  }
0x81: {  	_ =	shalt  }
0x82: {  	_ =	shalt  }
0x83: {  	_ =	shalt  }
0x84: {  	_ =	shalt  }
0x85: {  	_ =	shalt  }
0x86: {  	_ =	shalt  }
0x87: {  	_ =	shalt  }
.Lfunc_end0:
.L_simem_size_0:
called_computation.2_lowered:
.L_overlay_start_0:
0x88: {  	s2 =	sld [smem:$0x3FD9]  }
0x89: {  	s3 =	sld [smem:$0x3FFE];
	_ =	sdelay $0x1  }
0x8a: {  	s1 =	srdreg.scid  }
0x8b: {  	s0 =	sand.u32 $0x1, s1  }
0x8c: {  	s17 =	sshll.u32 s0, $0xA;
	s2 =	sadd.s32 s3, s2  }
0x8d: {  	s2 =	sadd.s32 s2, s17  }
0x8e: {  	[smem:$0x3FBE] =	sst s2  }
0x8f: {  	_ = 	snop  }
0x90: {  	s2 =	sld [smem:$0x3FD0];
	(tm) =	ssettm $0x1  }
0x91: {  	s18 =	sld [smem:$0x3FFB];
	_ =	sdelay $0x3  }
0x92: {  	_ =	strace s18  }
0x93: {  	s3 =	sld [smem:$0x3FFC];
	_ =	sdelay $0x3  }
0x94: {  	_ =	strace s3  }
0x95: {  	s3 =	sld [smem:$0x3FFD];
	_ =	sdelay $0x3  }
0x96: {  	_ =	strace s3  }
0x97: {  	_ =	strace $0x8FFFFFFF  }
0x98: {  	s19 =	sld [smem:$0x3FDB];
	_ =	sdelay $0x1  }
0x99: {  	s4 =	simm.s32 $_scs_section_size  }
0x9a: {  	s5 =	simm.s32 $_size__tile_overlayer_lowered;
	s6 =	simm.s32 $_tile_overlayer_lowered  }
0x9b: {  	s22 =	simm.s32 $0x1BFF;
	s21 =	sshll.u32 s6, $0x1;
	s3 =	sadd.s32 s4, s19  }
0x9c: {  	s7 =	simm.s32 $0x0;
	s20 =	sshll.u32 s5, $0x1;
	s5 =	sadd.s32 s21, s3  }
0x9d: {  	[timem:s7], [sflag:s22] =	dma.local [hbm:s5], s20  }
0x9e: {  	_ =	swait.ge [sflag:s22], s20  }
0x9f: {  	s4 =	ssub.s32 $0x0, s20;
	[sflag:s22] =	ssyncset.done $0x0  }
0xa0: {  	[sflag:s22] =	ssyncadd.s32 s4;
	_ =	sdelay $0x1  }
0xa1: {  	s23 =	simm.s32 $0x1B8B  }
0xa2: {  	_ =	swait.ge [sflag:s23], $0x1  }
0xa3: {  	[sflag:s23] =	ssyncset.done $0x0  }
0xa4: {  	s25 =	simm.s32 $0x1B8E;
	s24 =	sld [smem:$0x3FFE];
	[sflag:s23] =	ssyncadd.s32 $0xFFFFFFFF  }
0xa5: {  	s26 =	simm.s32 $execute0_lowered;
	[smem:$0x3FD2] =	sst s25  }
0xa6: {  	s5 =	sshll.u32 s26, $0x1;
	_ =	strace $0x8000004C;
	[dreg:$0x1] =	wrdreg $0xFFFFFFFF  }
0xa7: {  	s28 =	simm.s32 $_size_execute0_lowered;
	s3 =	sadd.s32 s3, s5;
	[dreg:$0x0] =	wrdreg $0x0  }
0xa8: {  	s5 =	sshll.u32 s28, $0x1;
	[dreg:$0x2] =	wrdreg s3  }
0xa9: {  	[dreg:$0x3] =	wrdreg s5  }
0xaa: {  	[dreg:$0x4] =	wrdreg $0xC0  }
0xab: {  	_ =	task [dreg:s7], $0x5FFFF  }
0xac: {  	[dreg:$0x1] =	wrdreg $0xFFFFFFFF  }
0xad: {  	[dreg:$0x0] =	wrdreg $0x60  }
0xae: {  	[dreg:$0x2] =	wrdreg s24  }
0xaf: {  	[dreg:$0x3] =	wrdreg s2  }
0xb0: {  	[dreg:$0x4] =	wrdreg $0xA8800  }
0xb1: {  	[dreg:$0x5] =	wrdreg $0x9  }
0xb2: {  	_ =	task.clear_ibuf [dreg:s7], $0x6FFFF;
	_ =	strace $0x9000004C  }
0xb3: {  	s29 =	simm.s32 $0x9;
	_ =	strace $0x8000004E  }
0xb4: {  	_ =	swait.ge [sflag:s29], $0x1  }
0xb5: {  	[sflag:s29] =	ssyncadd.s32 $0xFFFFFFFF  }
0xb6: {  	_ =	strace $0x9000004E  }
0xb7: {  	_ =	sfence  }
0xb8: {  	s30 =	sld [smem:$0x0];
	_ =	sdelay $0x2  }
0xb9: {  	s31 =	sshll.u32 s1, $0xD;
	s1 =	sshrl.u32 s1, $0x2  }
0xba: {  	s3 =	sand.u32 $0x4000, s31;
	s1 =	sadd.s32 s1, s30  }
0xbb: {  	s0 =	sor.u32 s3, s0;
	s1 =	sshll.u32 s1, $0x11  }
0xbc: {  	s0 =	sor.u32 s1, s0  }
0xbd: {  	s0 =	sadd.s32 $0x8F2B, s0  }
0xbe: {  	[sflag:s0] =	ssyncadd.remote.s32 $0x1  }
0xbf: {  	_ =	sfence.sel $0xFFFF  }
0xc0: {  	[dreg:$0x0] =	wrdreg $0xFFFFFFFF;
	(pc) =	sbr.abs _section_cstart, $3  }
0xc1: {  	[dreg:$0x1] =	wrdreg $0xFFFFFFFF  }
0xc2: {  	_ =	task.clear_ibuf [dreg:s7], $0x2FFFF;
	_ =	strace $0x9FFFFFFF  }
0xc3: {  	(tm) =	ssettm $0x7FFFFFFF  }
tec
execute0_lowered:
.L_overlay_start_1:
0x0: {  	(tag) =	ssettag $0x1  }
0x1: {  	s0 =	srdreg.scid;
	s1 =	rddreg [dreg:$0x0]  }
0x2: {  	s20 =	stileid.u32;
	s5 =	rddreg [dreg:$0x1];
	s3 =	simm.s32 $0x0  }
0x3: {  	s28 =	simm.s32 $0x2780;
	s29 =	simm.s32 $0x6880;
	s30 =	simm.s32 $0x2800  }
0x4: {  	s31 =	simm.s32 $0x1;
	s0 =	sand.u32 $0x1, s0;
	s2 =	sshll.u32 s20, $0x1  }
0x5: {  	[smem:$0x7FF] =	sst s3;
	s8 =	smul.u32 $0x14000, s20;
	s4 =	sadd.s32 $0x20400, s1  }
0x6: {  	s18 =	sadd.s32 $0xC800, s1;
	s11 =	sadd.s32 $0x2A00, s1;
	s24 =	smul.u32 $0x50000, s20  }
0x7: {  	p1 =	sne.s32 s20, $0xF;
	p2 =	seq.s32 s20, $0xF;
	s26 =	smul.u32 $0x2800, s20  }
0x8: {  	s15 =	smul.u32 $0x9C, s20;
	p3 =	sgt.u32 s20, $0x1;
	s7 =	sor.u32 s0, s2  }
0x9: {  	s2 =	rddreg [dreg:$0x2];
	s6 =	smul.u32 $0x140000, s0;
	_ =	strace $0x8000004D  }
0xa: {  	s21 =	ssub.s32 $0x2, s0;
	p0 =	seq.s32 s0, $0x0;
	s0 =	smul.u32 $0x4E, s0  }
0xb: {  	[dreg:$0x4] =	wrdreg s11;
	s9 =	smul.u32 $0x4E0, s7;
	s22 =	sshrl.u32 s21, $0x1  }
0xc: {  	s16 =	sshll.u32 s7, $0x4;
	p1 =	por !p0, !p1;
	p2 =	por !p0, !p2  }
0xd: {  	s25 =	sshrl.u32 s24, $0x2;
	s7 =	sadd.s32 $0x138800, s2;
	s24 =	sshll.u32 s20, $0x6  }
0xe: {  	s6 =	sadd.s32 s8, s6;
	s13 =	ssub.s32 s21, s22;
	s5 =	sadd.s32 s16, s5  }
0xf: {  	p1 =	por !p1, !p1;
	p2 =	por !p2, !p2;
	s8 =	sadd.s32 s25, s2  }
0x10: {  	s0 =	sadd.s32 s0, s15;
	s20 =	sor.u32 $0x1C05, s24;
	s21 =	simm.s32 $0x5  }
0x11: {  	s22 =	simm.s32 $0x2;
	s10 =	sadd.s32 s9, s1;
	s6 =	sshrl.u32 s6, $0x3  }
0x12: {  	s5 =	sadd.s32 $0x9C00, s5;
	s11 =	sadd.s32 s18, s9;
	s13 =	smax.u32 s13, $0x1  }
0x13: {  	s0 =	sshll.u32 s0, $0x4;
	s9 =	simm.s32 $0x4;
	s12 =	sadd.s32 s6, s1  }
0x14: {  	s23 =	sadd.s32 $0x16600, s10;
	[dreg:$0x6] =	wrdreg s5;
	s6 =	sadd.s32 $0x12C000, s2  }
0x15: {  	s1 =	sadd.s32 $0x45C00, s1;
	s10 =	sadd.s32 s4, s26;
	s14 =	sadd.s32 $0x10, s11  }
0x16: {  	s15 =	sadd.s32 $0x20, s11;
	s0 =	sadd.s32 s18, s0;
	[dreg:$0x5] =	wrdreg s23  }
0x17: {  	s26 =	sshrl.u32 s7, $0x3;
	[dreg:$0x7] =	wrdreg s1;
	s12 =	sadd.s32 $0x47600, s12  }
0x18: {  	s23 =	sadd.s32 s16, s18;
	s16 =	sadd.s32 $0x4D0, s11;
	s18 =	sadd.s32 $0x30, s0  }
0x19: {  	s19 =	sadd.s32 $0x40, s0;
	s25 =	sshrl.u32 s6, $0x3;
	[dreg:$0x9] =	wrdreg s26  }
0x1a: {  	s26 =	simm.s32 $0x2880;
	s1 =	simm.s32 $0x3;
	s17 =	sadd.s32 $0x9C00, s23  }
0x1b: {  	s23 =	simm.s32 $0x80;
	[dreg:$0x8] =	wrdreg s25;
	s25 =	simm.s32 $0x0  }
.LBB2_1:
.Ltmp0:
0x1c: {  	s0 =	rddreg [dreg:$0x5];
	(pc) =	sbr.rel @!p1 .LBB2_2-.Ltmp0, $4  }
0x1d: {  	[tilespmem:s3], [sflag:$0x2] =	stream.linear.gather [hbm4b:s0+s3], $0x2700, $0x38;
	[tilespmem:$0x1E880] =	vst v63  }
0x1e: {  	s5 =	simm.s32 @!p3 $0x2700;
	s6 =	rddreg [dreg:$0x6];
	s0 =	simm.s32 @!p3 $0x0  }
0x1f: {  	[tilespmem:s5], [sflag:$0x2] =	stream.linear.gather @!p3 [hbm4b:s6+s0], $0x80, $0x38;
	[tilespmem:$0x1E880] =	vst v63  }
0x20: {  	s0 =	smov.u32 s10  }
.LBB2_6:
0x21: {  	s5 =	sshrl.u32 s8, $0x3  }
0x22: {  	[spmem:s5], [sflag:s20] =	dma.local [hbm:s0], $0x2800  }
0x23: {  	_ =	swait.ge [sflag:s21], $0x2800  }
0x24: {  	[sflag:s21] =	ssyncset.done $0x0  }
0x25: {  	[sflag:s21] =	ssyncadd.s32 $0xFFFFD800  }
.LBB2_7:
0x26: {  	_ =	swait.ge [sflag:s22], $0x2700  }
.Ltmp1:
0x27: {  	[sflag:s22] =	ssyncset.done $0x0;
	(pc) =	sbr.rel .LBB2_8-.Ltmp1, $4  }
0x28: {  	s0 =	simm.s32 @!p3 $0x2;
	[sflag:s22] =	ssyncadd.s32 $0xFFFFD900  }
0x29: {  	_ =	swait.ge @!p3 [sflag:s0], $0x80  }
0x2a: {  	[sflag:s0] =	ssyncset.done @!p3 $0x0  }
0x2b: {  	[sflag:s0] =	ssyncadd.s32 @!p3 $0xFFFFFF80  }
.LBB2_2:
.Ltmp2:
0x2c: {  	(pc) =	sbr.rel @!p2 .LBB2_4-.Ltmp2, $1  }
0x2d: {  	_ =	sdelay $0x3  }
0x2e: {  	s0 =	rddreg [dreg:$0x7]  }
0x2f: {  	s5 =	rddreg [dreg:$0x8];
	s6 =	simm.s32 $0x1FC5  }
0x30: {  	[spmem:s5], [sflag:s6] =	dma.local [hbm:s0], $0x1900  }
0x31: {  	_ =	swait.ge [sflag:s21], $0x1900  }
0x32: {  	[sflag:s21] =	ssyncset.done $0x0;
	s7 =	rddreg [dreg:$0x4]  }
0x33: {  	s24 =	rddreg [dreg:$0x9];
	[sflag:s21] =	ssyncadd.s32 $0xFFFFE700  }
0x34: {  	[spmem:s24], [sflag:s6] =	dma.local [hbm:s7], $0xF00  }
0x35: {  	_ =	swait.ge [sflag:s21], $0xF00  }
0x36: {  	[sflag:s21] =	ssyncset.done $0x0  }
0x37: {  	[sflag:s21] =	ssyncadd.s32 $0xFFFFF100  }
0x38: {  	_ =	swait.ge [sflag:s22], $0x2700  }
0x39: {  	[sflag:s22] =	ssyncset.done $0x0  }
0x3a: {  	[sflag:s22] =	ssyncadd.s32 $0xFFFFD900  }
.LBB2_8:
0x3b: {  	[bflag:$0x0] =	sbarrier.arrive $0xFFFF;
	s0 =	simm.s32 $0x0  }
0x3c: {  	[tilespmem:s26], [sflag:$0x1] =	stream.indirect.gather [hbm4b:s4+s23], $0x80, s0, s23, $0xb8;
	[tilespmem:$0x1E880] =	vst v63  }
0x3d: {  	_ = 	snop  }
0x3e: {  	[tilespmem:s28], [sflag:$0x1] =	stream.linear.gather [hbm4b:s11+s0], $0x80, $0x38;
	[tilespmem:$0x1E880] =	vst v63  }
0x3f: {  	_ = 	snop  }
0x40: {  	[tilespmem:s29], [sflag:$0x2] =	stream.indirect.gather [hbm4b:s4+s23], $0x80, s23, s23, $0xb8;
	[tilespmem:$0x1E880] =	vst v63  }
0x41: {  	_ = 	snop  }
0x42: {  	[tilespmem:s30], [sflag:$0x2] =	stream.linear.gather [hbm4b:s14+s0], $0x80, $0x38;
	[tilespmem:$0x1E880] =	vst v63  }
0x43: {  	_ =	swait.ge [sflag:s31], $0x4000  }
0x44: {  	[sflag:s31] =	ssyncset.done $0x0  }
0x45: {  	[sflag:s31] =	ssyncadd.s32 $0xFFFFC000  }
0x46: {  	_ =	swait.ge [sflag:s31], $0x80  }
0x47: {  	[sflag:s31] =	ssyncset.done $0x0  }
0x48: {  	[sflag:s31] =	ssyncadd.s32 $0xFFFFFF80  }
0x49: {  	[spmem:s2] =	stream.indirect.scatter.add.f32 [tilespmem:s26], [sflag:$0x3], $0x80, s28, s23, $0xb8;
	[tilespmem:$0x1E880] =	vst v63  }
0x4a: {  	_ =	swait.ge [sflag:s1], $0x4000  }
0x4b: {  	[sflag:s1] =	ssyncset.done $0x0  }
0x4c: {  	s5 =	simm.s32 $0x100;
	[sflag:s1] =	ssyncadd.s32 $0xFFFFC000  }
0x4d: {  	[tilespmem:s26], [sflag:$0x1] =	stream.indirect.gather [hbm4b:s4+s23], $0x80, s5, s23, $0xb8;
	[tilespmem:$0x1E880] =	vst v63  }
0x4e: {  	_ = 	snop  }
0x4f: {  	[tilespmem:s28], [sflag:$0x1] =	stream.linear.gather [hbm4b:s15+s0], $0x80, $0x38;
	[tilespmem:$0x1E880] =	vst v63  }
0x50: {  	_ =	swait.ge [sflag:s22], $0x4000  }
0x51: {  	[sflag:s22] =	ssyncset.done $0x0  }
0x52: {  	[sflag:s22] =	ssyncadd.s32 $0xFFFFC000  }
0x53: {  	_ =	swait.ge [sflag:s22], $0x80  }
0x54: {  	[sflag:s22] =	ssyncset.done $0x0  }
0x55: {  	[sflag:s22] =	ssyncadd.s32 $0xFFFFFF80  }
0x56: {  	[spmem:s2] =	stream.indirect.scatter.add.f32 [tilespmem:s29], [sflag:$0x4], $0x80, s30, s23, $0xb8;
	[tilespmem:$0x1E880] =	vst v63  }
0x57: {  	_ =	swait.ge [sflag:s9], $0x4000  }
0x58: {  	[sflag:s9] =	ssyncset.done $0x0  }
0x59: {  	s5 =	simm.s32 $0x180;
	[sflag:s9] =	ssyncadd.s32 $0xFFFFC000  }
0x5a: {  	[tilespmem:s29], [sflag:$0x2] =	stream.indirect.gather [hbm4b:s4+s23], $0x80, s5, s23, $0xb8;
	[tilespmem:$0x1E880] =	vst v63  }
0x5b: {  	s6 =	sadd.s32 $0x0, s18  }
0x5c: {  	[tilespmem:s30], [sflag:$0x2] =	stream.linear.gather [hbm4b:s6+s3], $0x80, $0x38;
	[tilespmem:$0x1E880] =	vst v63  }
0x5d: {  	_ =	swait.ge [sflag:s31], $0x4000  }
0x5e: {  	[sflag:s31] =	ssyncset.done $0x0  }
0x5f: {  	[sflag:s31] =	ssyncadd.s32 $0xFFFFC000  }
0x60: {  	_ =	swait.ge [sflag:s31], $0x80  }
0x61: {  	[sflag:s31] =	ssyncset.done $0x0  }
0x62: {  	[sflag:s31] =	ssyncadd.s32 $0xFFFFFF80  }
0x63: {  	[spmem:s2] =	stream.indirect.scatter.add.f32 [tilespmem:s26], [sflag:$0x3], $0x80, s28, s23, $0xb8;
	[tilespmem:$0x1E880] =	vst v63  }
0x64: {  	_ =	swait.ge [sflag:s1], $0x4000  }
0x65: {  	[sflag:s1] =	ssyncset.done $0x0  }
0x66: {  	s7 =	simm.s32 $0x200;
	[sflag:s1] =	ssyncadd.s32 $0xFFFFC000  }
0x67: {  	[tilespmem:s26], [sflag:$0x1] =	stream.indirect.gather [hbm4b:s4+s23], $0x80, s7, s23, $0xb8;
	[tilespmem:$0x1E880] =	vst v63  }
0x68: {  	s24 =	sadd.s32 $0x0, s19  }
0x69: {  	[tilespmem:s28], [sflag:$0x1] =	stream.linear.gather [hbm4b:s24+s3], $0x80, $0x38;
	[tilespmem:$0x1E880] =	vst v63  }
0x6a: {  	_ =	swait.ge [sflag:s22], $0x4000  }
0x6b: {  	[sflag:s22] =	ssyncset.done $0x0  }
0x6c: {  	[sflag:s22] =	ssyncadd.s32 $0xFFFFC000  }
0x6d: {  	_ =	swait.ge [sflag:s22], $0x80  }
0x6e: {  	[sflag:s22] =	ssyncset.done $0x0  }
0x6f: {  	s0 =	simm.s32 $0x280;
	s5 =	simm.s32 $0x20;
	[sflag:s22] =	ssyncadd.s32 $0xFFFFFF80  }
.LBB2_9:
0x70: {  	[spmem:s2] =	stream.indirect.scatter.add.f32 [tilespmem:s29], [sflag:$0x4], $0x80, s30, s23, $0xb8;
	[tilespmem:$0x1E880] =	vst v63  }
0x71: {  	s24 =	smov.u32 s5  }
0x72: {  	p4 =	sne.s32 s5, $0x480;
	s5 =	sadd.s32 $0x20, s5;
	_ =	swait.ge [sflag:s9], $0x4000  }
0x73: {  	[sflag:s9] =	ssyncset.done $0x0  }
0x74: {  	[sflag:s9] =	ssyncadd.s32 $0xFFFFC000  }
0x75: {  	[tilespmem:s29], [sflag:$0x2] =	stream.indirect.gather [hbm4b:s4+s23], $0x80, s0, s23, $0xb8;
	[tilespmem:$0x1E880] =	vst v63  }
0x76: {  	s6 =	sadd.s32 s24, s18  }
0x77: {  	[tilespmem:s30], [sflag:$0x2] =	stream.linear.gather [hbm4b:s6+s3], $0x80, $0x38;
	[tilespmem:$0x1E880] =	vst v63  }
0x78: {  	_ =	swait.ge [sflag:s31], $0x4000  }
0x79: {  	[sflag:s31] =	ssyncset.done $0x0  }
0x7a: {  	[sflag:s31] =	ssyncadd.s32 $0xFFFFC000  }
0x7b: {  	_ =	swait.ge [sflag:s31], $0x80  }
0x7c: {  	[sflag:s31] =	ssyncset.done $0x0  }
0x7d: {  	[sflag:s31] =	ssyncadd.s32 $0xFFFFFF80  }
0x7e: {  	[spmem:s2] =	stream.indirect.scatter.add.f32 [tilespmem:s26], [sflag:$0x3], $0x80, s28, s23, $0xb8;
	[tilespmem:$0x1E880] =	vst v63  }
0x7f: {  	_ =	swait.ge [sflag:s1], $0x4000  }
0x80: {  	[sflag:s1] =	ssyncset.done $0x0  }
0x81: {  	s6 =	sadd.s32 $0x80, s0;
	[sflag:s1] =	ssyncadd.s32 $0xFFFFC000  }
0x82: {  	[tilespmem:s26], [sflag:$0x1] =	stream.indirect.gather [hbm4b:s4+s23], $0x80, s6, s23, $0xb8;
	[tilespmem:$0x1E880] =	vst v63  }
0x83: {  	s6 =	sadd.s32 s24, s19  }
0x84: {  	[tilespmem:s28], [sflag:$0x1] =	stream.linear.gather [hbm4b:s6+s3], $0x80, $0x38;
	[tilespmem:$0x1E880] =	vst v63  }
0x85: {  	_ =	swait.ge [sflag:s22], $0x4000  }
.Ltmp3:
0x86: {  	[sflag:s22] =	ssyncset.done $0x0;
	(pc) =	sbr.rel @p4 .LBB2_9-.Ltmp3, $4  }
0x87: {  	[sflag:s22] =	ssyncadd.s32 $0xFFFFC000  }
0x88: {  	_ =	swait.ge [sflag:s22], $0x80  }
0x89: {  	[sflag:s22] =	ssyncset.done $0x0  }
0x8a: {  	s0 =	sadd.s32 $0x100, s0;
	[sflag:s22] =	ssyncadd.s32 $0xFFFFFF80  }
0x8b: {  	[spmem:s2] =	stream.indirect.scatter.add.f32 [tilespmem:s29], [sflag:$0x4], $0x80, s30, s23, $0xb8;
	[tilespmem:$0x1E880] =	vst v63  }
0x8c: {  	_ =	swait.ge [sflag:s9], $0x4000  }
0x8d: {  	[sflag:s9] =	ssyncset.done $0x0  }
0x8e: {  	s0 =	simm.s32 $0x2680;
	[sflag:s9] =	ssyncadd.s32 $0xFFFFC000  }
0x8f: {  	[tilespmem:s29], [sflag:$0x2] =	stream.indirect.gather [hbm4b:s4+s23], $0x80, s0, s23, $0xb8;
	[tilespmem:$0x1E880] =	vst v63  }
0x90: {  	_ = 	snop  }
0x91: {  	[tilespmem:s30], [sflag:$0x2] =	stream.linear.gather [hbm4b:s16+s3], $0x80, $0x38;
	[tilespmem:$0x1E880] =	vst v63  }
0x92: {  	_ =	swait.ge [sflag:s31], $0x4000  }
0x93: {  	[sflag:s31] =	ssyncset.done $0x0  }
0x94: {  	[sflag:s31] =	ssyncadd.s32 $0xFFFFC000  }
0x95: {  	_ =	swait.ge [sflag:s31], $0x80  }
0x96: {  	[sflag:s31] =	ssyncset.done $0x0  }
0x97: {  	[sflag:s31] =	ssyncadd.s32 $0xFFFFFF80  }
0x98: {  	[spmem:s2] =	stream.indirect.scatter.add.f32 [tilespmem:s26], [sflag:$0x3], $0x80, s28, s23, $0xb8;
	[tilespmem:$0x1E880] =	vst v63  }
0x99: {  	_ =	swait.ge [sflag:s1], $0x4000  }
0x9a: {  	[sflag:s1] =	ssyncset.done $0x0  }
0x9b: {  	s0 =	simm.s32 @p3 $0x2;
	[sflag:s1] =	ssyncadd.s32 $0xFFFFC000  }
0x9c: {  	_ =	swait.ge @p3 [sflag:s0], $0x4000  }
0x9d: {  	[sflag:s0] =	ssyncset.done @p3 $0x0  }
0x9e: {  	[sflag:s0] =	ssyncadd.s32 @p3 $0xFFFFC000  }
0x9f: {  	_ =	swait.ge @p3 [sflag:s0], $0x80  }
0xa0: {  	s5 =	simm.s32 @p3 $0x2800;
	[sflag:s0] =	ssyncset.done @p3 $0x0  }
0xa1: {  	s6 =	simm.s32 @p3 $0x6880;
	[sflag:s0] =	ssyncadd.s32 @p3 $0xFFFFFF80;
	s0 =	simm.s32 @p3 $0x80  }
0xa2: {  	[spmem:s2] =	stream.indirect.scatter.add.f32 @p3 [tilespmem:s6], [sflag:$0x4], $0x80, s5, s0, $0xb8;
	[tilespmem:$0x1E880] =	vst v63  }
0xa3: {  	s0 =	simm.s32 @!p3 $0x80;
	s5 =	simm.s32 @!p3 $0x2700;
	s6 =	simm.s32 @!p3 $0x2880  }
0xa4: {  	[tilespmem:s6], [sflag:$0x1] =	stream.indirect.gather @!p3 [hbm4b:s4+s0], $0x80, s5, s0, $0xb8;
	[tilespmem:$0x1E880] =	vst v63  }
0xa5: {  	s24 =	simm.s32 @!p3 $0x2780;
	s5 =	simm.s32 @!p3 $0x0  }
0xa6: {  	[tilespmem:s24], [sflag:$0x1] =	stream.linear.gather @!p3 [hbm4b:s17+s5], $0x80, $0x38;
	[tilespmem:$0x1E880] =	vst v63  }
0xa7: {  	s5 =	simm.s32 @!p3 $0x2  }
0xa8: {  	_ =	swait.ge @!p3 [sflag:s5], $0x4000  }
0xa9: {  	[sflag:s5] =	ssyncset.done @!p3 $0x0  }
0xaa: {  	[sflag:s5] =	ssyncadd.s32 @!p3 $0xFFFFC000  }
0xab: {  	_ =	swait.ge @!p3 [sflag:s5], $0x80  }
0xac: {  	[sflag:s5] =	ssyncset.done @!p3 $0x0  }
0xad: {  	s7 =	simm.s32 @!p3 $0x6880;
	[sflag:s5] =	ssyncadd.s32 @!p3 $0xFFFFFF80;
	s5 =	simm.s32 @!p3 $0x2800  }
0xae: {  	[spmem:s2] =	stream.indirect.scatter.add.f32 @!p3 [tilespmem:s7], [sflag:$0x4], $0x80, s5, s0, $0xb8;
	[tilespmem:$0x1E880] =	vst v63  }
0xaf: {  	s5 =	simm.s32 @!p3 $0x1  }
0xb0: {  	_ =	swait.ge @!p3 [sflag:s5], $0x4000  }
0xb1: {  	[sflag:s5] =	ssyncset.done @!p3 $0x0  }
0xb2: {  	[sflag:s5] =	ssyncadd.s32 @!p3 $0xFFFFC000  }
0xb3: {  	_ =	swait.ge @!p3 [sflag:s5], $0x80  }
0xb4: {  	[sflag:s5] =	ssyncset.done @!p3 $0x0  }
0xb5: {  	[sflag:s5] =	ssyncadd.s32 @!p3 $0xFFFFFF80  }
0xb6: {  	[spmem:s2] =	stream.indirect.scatter.add.f32 @!p3 [tilespmem:s6], [sflag:$0x3], $0x80, s24, s0, $0xb8;
	[tilespmem:$0x1E880] =	vst v63  }
0xb7: {  	s0 =	simm.s32 @!p3 $0x3  }
0xb8: {  	_ =	swait.ge @!p3 [sflag:s0], $0x4000  }
0xb9: {  	[sflag:s0] =	ssyncset.done @!p3 $0x0  }
0xba: {  	[sflag:s0] =	ssyncadd.s32 @!p3 $0xFFFFC000  }
0xbb: {  	_ =	swait.ge [sflag:s9], $0x4000  }
0xbc: {  	[sflag:s9] =	ssyncset.done $0x0  }
0xbd: {  	s25 =	sadd.s32 $0x1, s25;
	[sflag:s9] =	ssyncadd.s32 $0xFFFFC000  }
0xbe: {  	p4 =	sne.s32 s25, s13;
	s24 =	sshrl.u32 s8, $0x3;
	[bflag:$0x0] =	sbarrier.arrive $0xFFFF  }
0xbf: {  	[hbm:s12], [sflag:s20] =	dma.local [spmem:s24], $0x2800  }
.Ltmp4:
0xc0: {  	_ = 	snop;
	(pc) =	sbr.rel @p4 .LBB2_1-.Ltmp4, $4  }
.Ltmp5:
0xc1: {  	_ = 	snop;
	(pc) =	sbr.rel @!p4 .LBB2_11-.Ltmp5, $4  }
0xc2: {  	_ =	swait.ge [sflag:s21], $0x2800  }
0xc3: {  	[sflag:s21] =	ssyncset.done $0x0  }
0xc4: {  	[sflag:s21] =	ssyncadd.s32 $0xFFFFD800  }
0xc5: {  	_ = 	snop  }
.LBB2_4:
.Ltmp6:
0xc6: {  	(pc) =	sbr.rel @p0 .LBB2_7-.Ltmp6, $1  }
0xc7: {  	_ =	sdelay $0x3  }
.Ltmp7:
0xc8: {  	(pc) =	sbr.rel .LBB2_6-.Ltmp7, $2  }
0xc9: {  	_ =	sdelay $0x2  }
0xca: {  	s0 =	rddreg [dreg:$0x4]  }
.LBB2_11:
0xcb: {  	_ =	sfence.sel $0x180000  }
0xcc: {  	[bflag:$0x0] =	sbarrier.arrive $0xFFFF  }
0xcd: {  	_ =	strace $0x9000004D  }
0xce: {  	s0 =	stileid.u32;
	[bflag:$0x2] =	sbarrier.arrive $0xFFFF  }
0xcf: {  	p0 =	sne.s32 s0, $0x0;
	s0 =	rddreg [dreg:$0x3]  }
0xd0: {  	s0 =	sadd.s32 @!p0 $0x100000, s0  }
0xd1: {  	[sflag:s0] =	ssyncadd.tile.s32 @!p0 $0x1;
	_ =	shalt  }
.Lfunc_end2:
_tile_overlayer_lowered:
.L_overlay_start_2:
0xd2: {  	(tag) =	ssettag $0x2  }
0xd3: {  	s0 =	rddreg [dreg:$0x0];
	s2 =	stileid.u32  }
0xd4: {  	s1 =	rddreg [dreg:$0x1];
	p0 =	sne.s32 s2, $0x0  }
0xd5: {  	s3 =	rddreg [dreg:$0x2];
	[bflag:$0x3] =	sbarrier.arrive $0xFFFF;
	s2 =	simm.s32 @!p0 $0x1C05  }
0xd6: {  	[timem:s3], [sflag:s2] =	dma.local @!p0 [hbm:s0], s1  }
0xd7: {  	s0 =	simm.s32 @!p0 $0x5  }
0xd8: {  	_ =	swait.ge @!p0 [sflag:s0], s1  }
0xd9: {  	s1 =	ssub.s32 @!p0 $0x0, s1;
	[sflag:s0] =	ssyncset.done @!p0 $0x0  }
0xda: {  	[sflag:s0] =	ssyncadd.s32 @!p0 s1  }
0xdb: {  	[bflag:$0x3] =	sbarrier.arrive $0xFFFF  }
0xdc: {  	_ =	shalt  }

// kernel: kernel.19.cloned.1.call-start
scs
__scs_entry_jumppad:
0x0: {  	(pc) =	sbr.rel $0x88, $3  }
0x1: {  	(tag) =	ssettag $0x0;
	lr =	simm.s32 $0x1  }
0x2: {  	[smem:$0x3F97] =	sst lr;
	_ =	strace $0xD0000000  }
0x3: {  	_ = 	snop  }
0x4: {  	_ = 	snop  }
0x5: {  	_ = 	snop  }
0x6: {  	_ = 	snop  }
0x7: {  	_ = 	snop  }
__scs_overlays_trampoline_lowered:
0x8: {  	[smem:$0x3FA6] =	sst s0  }
0x9: {  	[smem:$0x3FA7] =	sst s1  }
0xa: {  	[smem:$0x3FA8] =	sst s2  }
0xb: {  	[smem:$0x3FA9] =	sst s3  }
0xc: {  	[smem:$0x3FAA] =	sst s4  }
0xd: {  	[smem:$0x3FAB] =	sst s5  }
0xe: {  	[smem:$0x3FAC] =	sst s6  }
0xf: {  	[smem:$0x3FAD] =	sst s7  }
0x10: {  	[smem:$0x3FAE] =	sst s8  }
0x11: {  	[smem:$0x3FAF] =	sst s9;
	s0 =	simm.s32 @!p0 $0x0  }
0x12: {  	s1 =	sld [smem:$0x3F95];
	s0 =	simm.s32 @p0 $0x1  }
0x13: {  	[smem:$0x3FB0] =	sst s0;
	s0 =	simm.s32 @!p1 $0x0  }
0x14: {  	s2 =	sld [smem:$0x3F94];
	s0 =	simm.s32 @p1 $0x1  }
0x15: {  	[smem:$0x3FB1] =	sst s0;
	s0 =	simm.s32 @!p2 $0x0  }
0x16: {  	s3 =	sld [smem:$0x3FDB];
	s0 =	simm.s32 @p2 $0x1  }
0x17: {  	s4 =	simm.s32 $0x1BF5;
	[smem:$0x3FB3] =	sst s0  }
0x18: {  	s0 =	sld [smem:$0x3F96];
	_ =	swait.ge [sflag:s4], $0x0  }
0x19: {  	s7 =	sld [smem:$0x3F97]  }
0x1a: {  	s8 =	sadd.s32 $0xFFFFE003, lr  }
0x1b: {  	s9 =	sadd.s32 $0xFFFFFEF7, lr;
	s5 =	simm.s32 $0xFFFFFFFF;
	p2 =	slt.u32 s8, $0xFFFFF086  }
0x1c: {  	p1 =	slt.u32 s9, $0xF7A;
	s5 =	simm.s32 @!p2 $0x0  }
0x1d: {  	s5 =	simm.s32 @p1 $0x1;
	p0 =	seq.s32 s7, s2  }
0x1e: {  	s7 =	smul.u32 @!p0 $0xF7A, s2;
	p2 =	seq.s32 @!p0 s5, $0x0  }
0x1f: {  	s9 =	smul.u32 $0xF7A, s1;
	s8 =	simm.s32 @!p0 $0x1BF5;
	p2 =	por !p2, p0  }
0x20: {  	[sflag:s8] =	ssyncset.s32 @!p0 $0xFFFFF086;
	s6 =	sadd.s32 @!p0 s3, s7;
	s7 =	simm.s32 @!p0 $0x108  }
0x21: {  	s3 =	sadd.s32 s3, s9;
	s6 =	sadd.s32 @!p0 $0x88, s6;
	s7 =	simm.s32 @p2 $0x1082  }
0x22: {  	[simem:s7], [sflag:s8] =	dma.local @!p0 [hbm:s6], $0xF7A  }
0x23: {  	s9 =	sor.u32 $0xD0000000, s2;
	s6 =	simm.s32 $0x108;
	_ =	swait.ge @!p0 [sflag:s8], $0x0  }
0x24: {  	s3 =	sadd.s32 $0x88, s3;
	s6 =	simm.s32 @!p1 $0x1082;
	[sflag:s4] =	ssyncset.s32 $0xFFFFF086  }
0x25: {  	[simem:s6], [sflag:s4] =	dma.local [hbm:s3], $0xF7A  }
0x26: {  	[smem:$0x3F97] =	sst s1;
	(tag) =	ssettag s2;
	_ =	strace s9  }
0x27: {  	s1 =	sld [smem:$0x3FA7]  }
0x28: {  	s2 =	sld [smem:$0x3FA8]  }
0x29: {  	s4 =	sld [smem:$0x3FAA]  }
0x2a: {  	p0 =	seq.s32 s5, $0x0;
	s5 =	sld [smem:$0x3FAB]  }
0x2b: {  	s6 =	sld [smem:$0x3FAC]  }
0x2c: {  	s7 =	sld [smem:$0x3FAD]  }
0x2d: {  	s3 =	simm.s32 $0x108;
	s8 =	sld [smem:$0x3FAE]  }
0x2e: {  	s3 =	simm.s32 @!p0 $0x1082;
	s9 =	sld [smem:$0x3FAF]  }
0x2f: {  	lr =	sadd.s32 s0, s3;
	s0 =	sld [smem:$0x3FA6]  }
0x30: {  	s3 =	sld [smem:$0x3FA9]  }
0x31: {  	[smem:$0x3FB2] =	sst s10  }
0x32: {  	s10 =	sld [smem:$0x3FB0];
	_ =	sdelay $0x3  }
0x33: {  	p0 =	seq.s32 s10, $0x1;
	s10 =	sld [smem:$0x3FB2];
	_ =	sdelay $0x3  }
0x34: {  	[smem:$0x3FB2] =	sst s10  }
0x35: {  	s10 =	sld [smem:$0x3FB1];
	_ =	sdelay $0x3  }
0x36: {  	p1 =	seq.s32 s10, $0x1;
	s10 =	sld [smem:$0x3FB2];
	_ =	sdelay $0x3  }
0x37: {  	[smem:$0x3FB2] =	sst s10  }
0x38: {  	s10 =	sld [smem:$0x3FB3]  }
0x39: {  	_ = 	snop;
	(pc) =	sbr.ind lr, $3  }
0x3a: {  	_ = 	snop  }
0x3b: {  	_ = 	snop  }
0x3c: {  	p2 =	seq.s32 s10, $0x1;
	s10 =	sld [smem:$0x3FB2]  }
0x3d: {  	_ =	shalt  }
0x3e: {  	_ =	shalt  }
0x3f: {  	_ =	shalt  }
0x40: {  	_ =	shalt  }
0x41: {  	_ =	shalt  }
0x42: {  	_ =	shalt  }
0x43: {  	_ =	shalt  }
0x44: {  	_ =	shalt  }
0x45: {  	_ =	shalt  }
0x46: {  	_ =	shalt  }
0x47: {  	_ =	shalt  }
0x48: {  	_ =	shalt  }
0x49: {  	_ =	shalt  }
0x4a: {  	_ =	shalt  }
0x4b: {  	_ =	shalt  }
0x4c: {  	_ =	shalt  }
0x4d: {  	_ =	shalt  }
0x4e: {  	_ =	shalt  }
0x4f: {  	_ =	shalt  }
0x50: {  	_ =	shalt  }
0x51: {  	_ =	shalt  }
0x52: {  	_ =	shalt  }
0x53: {  	_ =	shalt  }
0x54: {  	_ =	shalt  }
0x55: {  	_ =	shalt  }
0x56: {  	_ =	shalt  }
0x57: {  	_ =	shalt  }
0x58: {  	_ =	shalt  }
0x59: {  	_ =	shalt  }
0x5a: {  	_ =	shalt  }
0x5b: {  	_ =	shalt  }
0x5c: {  	_ =	shalt  }
0x5d: {  	_ =	shalt  }
0x5e: {  	_ =	shalt  }
0x5f: {  	_ =	shalt  }
0x60: {  	_ =	shalt  }
0x61: {  	_ =	shalt  }
0x62: {  	_ =	shalt  }
0x63: {  	_ =	shalt  }
0x64: {  	_ =	shalt  }
0x65: {  	_ =	shalt  }
0x66: {  	_ =	shalt  }
0x67: {  	_ =	shalt  }
0x68: {  	_ =	shalt  }
0x69: {  	_ =	shalt  }
0x6a: {  	_ =	shalt  }
0x6b: {  	_ =	shalt  }
0x6c: {  	_ =	shalt  }
0x6d: {  	_ =	shalt  }
0x6e: {  	_ =	shalt  }
0x6f: {  	_ =	shalt  }
0x70: {  	_ =	shalt  }
0x71: {  	_ =	shalt  }
0x72: {  	_ =	shalt  }
0x73: {  	_ =	shalt  }
0x74: {  	_ =	shalt  }
0x75: {  	_ =	shalt  }
0x76: {  	_ =	shalt  }
0x77: {  	_ =	shalt  }
0x78: {  	_ =	shalt  }
0x79: {  	_ =	shalt  }
0x7a: {  	_ =	shalt  }
0x7b: {  	_ =	shalt  }
0x7c: {  	_ =	shalt  }
0x7d: {  	_ =	shalt  }
0x7e: {  	_ =	shalt  }
0x7f: {  	_ =	shalt  }
0x80: {  	_ =	shalt  }
0x81: {  	_ =	shalt  }
0x82: {  	_ =	shalt  }
0x83: {  	_ =	shalt  }
0x84: {  	_ =	shalt  }
0x85: {  	_ =	shalt  }
0x86: {  	_ =	shalt  }
0x87: {  	_ =	shalt  }
.Lfunc_end0:
.L_simem_size_0:
called_computation.3_lowered:
.L_overlay_start_0:
0x88: {  	s2 =	sld [smem:$0x3FD9]  }
0x89: {  	s3 =	sld [smem:$0x3FFE];
	_ =	sdelay $0x1  }
0x8a: {  	s1 =	srdreg.scid  }
0x8b: {  	s0 =	sand.u32 $0x1, s1  }
0x8c: {  	s17 =	sshll.u32 s0, $0xA;
	s2 =	sadd.s32 s3, s2  }
0x8d: {  	s2 =	sadd.s32 s2, s17  }
0x8e: {  	[smem:$0x3FBE] =	sst s2  }
0x8f: {  	_ = 	snop  }
0x90: {  	s2 =	sld [smem:$0x3FD0];
	(tm) =	ssettm $0x1  }
0x91: {  	s18 =	sld [smem:$0x3FFB];
	_ =	sdelay $0x3  }
0x92: {  	_ =	strace s18  }
0x93: {  	s3 =	sld [smem:$0x3FFC];
	_ =	sdelay $0x3  }
0x94: {  	_ =	strace s3  }
0x95: {  	s3 =	sld [smem:$0x3FFD];
	_ =	sdelay $0x3  }
0x96: {  	_ =	strace s3  }
0x97: {  	_ =	strace $0x8FFFFFFF  }
0x98: {  	s19 =	sld [smem:$0x3FDB];
	_ =	sdelay $0x1  }
0x99: {  	s4 =	simm.s32 $_scs_section_size  }
0x9a: {  	s5 =	simm.s32 $_size__tile_overlayer_lowered;
	s6 =	simm.s32 $_tile_overlayer_lowered  }
0x9b: {  	s22 =	simm.s32 $0x1BFF;
	s21 =	sshll.u32 s6, $0x1;
	s3 =	sadd.s32 s4, s19  }
0x9c: {  	s7 =	simm.s32 $0x0;
	s20 =	sshll.u32 s5, $0x1;
	s5 =	sadd.s32 s21, s3  }
0x9d: {  	[timem:s7], [sflag:s22] =	dma.local [hbm:s5], s20  }
0x9e: {  	_ =	swait.ge [sflag:s22], s20  }
0x9f: {  	s4 =	ssub.s32 $0x0, s20;
	[sflag:s22] =	ssyncset.done $0x0  }
0xa0: {  	[sflag:s22] =	ssyncadd.s32 s4;
	_ =	sdelay $0x1  }
0xa1: {  	s23 =	simm.s32 $0x1B8B  }
0xa2: {  	_ =	swait.ge [sflag:s23], $0x1  }
0xa3: {  	[sflag:s23] =	ssyncset.done $0x0  }
0xa4: {  	s25 =	simm.s32 $0x1B8E;
	s24 =	sld [smem:$0x3FFE];
	[sflag:s23] =	ssyncadd.s32 $0xFFFFFFFF  }
0xa5: {  	s26 =	simm.s32 $execute0_lowered;
	[smem:$0x3FD2] =	sst s25  }
0xa6: {  	s5 =	sshll.u32 s26, $0x1;
	_ =	strace $0x8000004F;
	[dreg:$0x1] =	wrdreg $0xFFFFFFFF  }
0xa7: {  	s28 =	simm.s32 $_size_execute0_lowered;
	s3 =	sadd.s32 s3, s5;
	[dreg:$0x0] =	wrdreg $0x0  }
0xa8: {  	s5 =	sshll.u32 s28, $0x1;
	[dreg:$0x2] =	wrdreg s3  }
0xa9: {  	[dreg:$0x3] =	wrdreg s5  }
0xaa: {  	[dreg:$0x4] =	wrdreg $0xC0  }
0xab: {  	_ =	task [dreg:s7], $0x5FFFF  }
0xac: {  	[dreg:$0x1] =	wrdreg $0xFFFFFFFF  }
0xad: {  	[dreg:$0x0] =	wrdreg $0x60  }
0xae: {  	[dreg:$0x2] =	wrdreg s24  }
0xaf: {  	[dreg:$0x3] =	wrdreg s2  }
0xb0: {  	[dreg:$0x4] =	wrdreg $0xA8800  }
0xb1: {  	[dreg:$0x5] =	wrdreg $0x9  }
0xb2: {  	_ =	task.clear_ibuf [dreg:s7], $0x6FFFF;
	_ =	strace $0x9000004F  }
0xb3: {  	s29 =	simm.s32 $0x9;
	_ =	strace $0x80000051  }
0xb4: {  	_ =	swait.ge [sflag:s29], $0x1  }
0xb5: {  	[sflag:s29] =	ssyncadd.s32 $0xFFFFFFFF  }
0xb6: {  	_ =	strace $0x90000051  }
0xb7: {  	_ =	sfence  }
0xb8: {  	s30 =	sld [smem:$0x0];
	_ =	sdelay $0x2  }
0xb9: {  	s31 =	sshll.u32 s1, $0xD;
	s1 =	sshrl.u32 s1, $0x2  }
0xba: {  	s3 =	sand.u32 $0x4000, s31;
	s1 =	sadd.s32 s1, s30  }
0xbb: {  	s0 =	sor.u32 s3, s0;
	s1 =	sshll.u32 s1, $0x11  }
0xbc: {  	s0 =	sor.u32 s1, s0  }
0xbd: {  	s0 =	sadd.s32 $0x8F2B, s0  }
0xbe: {  	[sflag:s0] =	ssyncadd.remote.s32 $0x1  }
0xbf: {  	_ =	sfence.sel $0xFFFF  }
0xc0: {  	[dreg:$0x0] =	wrdreg $0xFFFFFFFF;
	(pc) =	sbr.abs _section_cstart, $3  }
0xc1: {  	[dreg:$0x1] =	wrdreg $0xFFFFFFFF  }
0xc2: {  	_ =	task.clear_ibuf [dreg:s7], $0x2FFFF;
	_ =	strace $0x9FFFFFFF  }
0xc3: {  	(tm) =	ssettm $0x7FFFFFFF  }
tec
execute0_lowered:
.L_overlay_start_1:
0x0: {  	(tag) =	ssettag $0x1  }
0x1: {  	s0 =	srdreg.scid;
	s1 =	rddreg [dreg:$0x0]  }
0x2: {  	s20 =	stileid.u32;
	s5 =	rddreg [dreg:$0x1];
	s3 =	simm.s32 $0x0  }
0x3: {  	s28 =	simm.s32 $0x2780;
	s29 =	simm.s32 $0x6880;
	s30 =	simm.s32 $0x2800  }
0x4: {  	s31 =	simm.s32 $0x1;
	s0 =	sand.u32 $0x1, s0;
	s2 =	sshll.u32 s20, $0x1  }
0x5: {  	[smem:$0x7FF] =	sst s3;
	s8 =	smul.u32 $0x14000, s20;
	s4 =	sadd.s32 $0x20400, s1  }
0x6: {  	s18 =	sadd.s32 $0xC800, s1;
	s11 =	sadd.s32 $0x2A00, s1;
	s24 =	smul.u32 $0x50000, s20  }
0x7: {  	p1 =	sne.s32 s20, $0xF;
	p2 =	seq.s32 s20, $0xF;
	s26 =	smul.u32 $0x2800, s20  }
0x8: {  	s15 =	smul.u32 $0x9C, s20;
	p3 =	sgt.u32 s20, $0x1;
	s7 =	sor.u32 s0, s2  }
0x9: {  	s2 =	rddreg [dreg:$0x2];
	s6 =	smul.u32 $0x140000, s0;
	_ =	strace $0x80000050  }
0xa: {  	s21 =	ssub.s32 $0x2, s0;
	p0 =	seq.s32 s0, $0x0;
	s0 =	smul.u32 $0x4E, s0  }
0xb: {  	[dreg:$0x4] =	wrdreg s11;
	s9 =	smul.u32 $0x4E0, s7;
	s22 =	sshrl.u32 s21, $0x1  }
0xc: {  	s16 =	sshll.u32 s7, $0x4;
	p1 =	por !p0, !p1;
	p2 =	por !p0, !p2  }
0xd: {  	s25 =	sshrl.u32 s24, $0x2;
	s7 =	sadd.s32 $0x138800, s2;
	s24 =	sshll.u32 s20, $0x6  }
0xe: {  	s6 =	sadd.s32 s8, s6;
	s13 =	ssub.s32 s21, s22;
	s5 =	sadd.s32 s16, s5  }
0xf: {  	p1 =	por !p1, !p1;
	p2 =	por !p2, !p2;
	s8 =	sadd.s32 s25, s2  }
0x10: {  	s0 =	sadd.s32 s0, s15;
	s20 =	sor.u32 $0x1C05, s24;
	s21 =	simm.s32 $0x5  }
0x11: {  	s22 =	simm.s32 $0x2;
	s10 =	sadd.s32 s9, s1;
	s6 =	sshrl.u32 s6, $0x3  }
0x12: {  	s5 =	sadd.s32 $0x9C00, s5;
	s11 =	sadd.s32 s18, s9;
	s13 =	smax.u32 s13, $0x1  }
0x13: {  	s0 =	sshll.u32 s0, $0x4;
	s9 =	simm.s32 $0x4;
	s12 =	sadd.s32 s6, s1  }
0x14: {  	s23 =	sadd.s32 $0x16600, s10;
	[dreg:$0x6] =	wrdreg s5;
	s6 =	sadd.s32 $0x12C000, s2  }
0x15: {  	s1 =	sadd.s32 $0x45C00, s1;
	s10 =	sadd.s32 s4, s26;
	s14 =	sadd.s32 $0x10, s11  }
0x16: {  	s15 =	sadd.s32 $0x20, s11;
	s0 =	sadd.s32 s18, s0;
	[dreg:$0x5] =	wrdreg s23  }
0x17: {  	s26 =	sshrl.u32 s7, $0x3;
	[dreg:$0x7] =	wrdreg s1;
	s12 =	sadd.s32 $0x47600, s12  }
0x18: {  	s23 =	sadd.s32 s16, s18;
	s16 =	sadd.s32 $0x4D0, s11;
	s18 =	sadd.s32 $0x30, s0  }
0x19: {  	s19 =	sadd.s32 $0x40, s0;
	s25 =	sshrl.u32 s6, $0x3;
	[dreg:$0x9] =	wrdreg s26  }
0x1a: {  	s26 =	simm.s32 $0x2880;
	s1 =	simm.s32 $0x3;
	s17 =	sadd.s32 $0x9C00, s23  }
0x1b: {  	s23 =	simm.s32 $0x80;
	[dreg:$0x8] =	wrdreg s25;
	s25 =	simm.s32 $0x0  }
.LBB2_1:
.Ltmp0:
0x1c: {  	s0 =	rddreg [dreg:$0x5];
	(pc) =	sbr.rel @!p1 .LBB2_2-.Ltmp0, $4  }
0x1d: {  	[tilespmem:s3], [sflag:$0x2] =	stream.linear.gather [hbm4b:s0+s3], $0x2700, $0x38;
	[tilespmem:$0x1E880] =	vst v63  }
0x1e: {  	s5 =	simm.s32 @!p3 $0x2700;
	s6 =	rddreg [dreg:$0x6];
	s0 =	simm.s32 @!p3 $0x0  }
0x1f: {  	[tilespmem:s5], [sflag:$0x2] =	stream.linear.gather @!p3 [hbm4b:s6+s0], $0x80, $0x38;
	[tilespmem:$0x1E880] =	vst v63  }
0x20: {  	s0 =	smov.u32 s10  }
.LBB2_6:
0x21: {  	s5 =	sshrl.u32 s8, $0x3  }
0x22: {  	[spmem:s5], [sflag:s20] =	dma.local [hbm:s0], $0x2800  }
0x23: {  	_ =	swait.ge [sflag:s21], $0x2800  }
0x24: {  	[sflag:s21] =	ssyncset.done $0x0  }
0x25: {  	[sflag:s21] =	ssyncadd.s32 $0xFFFFD800  }
.LBB2_7:
0x26: {  	_ =	swait.ge [sflag:s22], $0x2700  }
.Ltmp1:
0x27: {  	[sflag:s22] =	ssyncset.done $0x0;
	(pc) =	sbr.rel .LBB2_8-.Ltmp1, $4  }
0x28: {  	s0 =	simm.s32 @!p3 $0x2;
	[sflag:s22] =	ssyncadd.s32 $0xFFFFD900  }
0x29: {  	_ =	swait.ge @!p3 [sflag:s0], $0x80  }
0x2a: {  	[sflag:s0] =	ssyncset.done @!p3 $0x0  }
0x2b: {  	[sflag:s0] =	ssyncadd.s32 @!p3 $0xFFFFFF80  }
.LBB2_2:
.Ltmp2:
0x2c: {  	(pc) =	sbr.rel @!p2 .LBB2_4-.Ltmp2, $1  }
0x2d: {  	_ =	sdelay $0x3  }
0x2e: {  	s0 =	rddreg [dreg:$0x7]  }
0x2f: {  	s5 =	rddreg [dreg:$0x8];
	s6 =	simm.s32 $0x1FC5  }
0x30: {  	[spmem:s5], [sflag:s6] =	dma.local [hbm:s0], $0x1900  }
0x31: {  	_ =	swait.ge [sflag:s21], $0x1900  }
0x32: {  	[sflag:s21] =	ssyncset.done $0x0;
	s7 =	rddreg [dreg:$0x4]  }
0x33: {  	s24 =	rddreg [dreg:$0x9];
	[sflag:s21] =	ssyncadd.s32 $0xFFFFE700  }
0x34: {  	[spmem:s24], [sflag:s6] =	dma.local [hbm:s7], $0xF00  }
0x35: {  	_ =	swait.ge [sflag:s21], $0xF00  }
0x36: {  	[sflag:s21] =	ssyncset.done $0x0  }
0x37: {  	[sflag:s21] =	ssyncadd.s32 $0xFFFFF100  }
0x38: {  	_ =	swait.ge [sflag:s22], $0x2700  }
0x39: {  	[sflag:s22] =	ssyncset.done $0x0  }
0x3a: {  	[sflag:s22] =	ssyncadd.s32 $0xFFFFD900  }
.LBB2_8:
0x3b: {  	[bflag:$0x0] =	sbarrier.arrive $0xFFFF;
	s0 =	simm.s32 $0x0  }
0x3c: {  	[tilespmem:s26], [sflag:$0x1] =	stream.indirect.gather [hbm4b:s4+s23], $0x80, s0, s23, $0xb8;
	[tilespmem:$0x1E880] =	vst v63  }
0x3d: {  	_ = 	snop  }
0x3e: {  	[tilespmem:s28], [sflag:$0x1] =	stream.linear.gather [hbm4b:s11+s0], $0x80, $0x38;
	[tilespmem:$0x1E880] =	vst v63  }
0x3f: {  	_ = 	snop  }
0x40: {  	[tilespmem:s29], [sflag:$0x2] =	stream.indirect.gather [hbm4b:s4+s23], $0x80, s23, s23, $0xb8;
	[tilespmem:$0x1E880] =	vst v63  }
0x41: {  	_ = 	snop  }
0x42: {  	[tilespmem:s30], [sflag:$0x2] =	stream.linear.gather [hbm4b:s14+s0], $0x80, $0x38;
	[tilespmem:$0x1E880] =	vst v63  }
0x43: {  	_ =	swait.ge [sflag:s31], $0x4000  }
0x44: {  	[sflag:s31] =	ssyncset.done $0x0  }
0x45: {  	[sflag:s31] =	ssyncadd.s32 $0xFFFFC000  }
0x46: {  	_ =	swait.ge [sflag:s31], $0x80  }
0x47: {  	[sflag:s31] =	ssyncset.done $0x0  }
0x48: {  	[sflag:s31] =	ssyncadd.s32 $0xFFFFFF80  }
0x49: {  	[spmem:s2] =	stream.indirect.scatter.add.f32 [tilespmem:s26], [sflag:$0x3], $0x80, s28, s23, $0xb8;
	[tilespmem:$0x1E880] =	vst v63  }
0x4a: {  	_ =	swait.ge [sflag:s1], $0x4000  }
0x4b: {  	[sflag:s1] =	ssyncset.done $0x0  }
0x4c: {  	s5 =	simm.s32 $0x100;
	[sflag:s1] =	ssyncadd.s32 $0xFFFFC000  }
0x4d: {  	[tilespmem:s26], [sflag:$0x1] =	stream.indirect.gather [hbm4b:s4+s23], $0x80, s5, s23, $0xb8;
	[tilespmem:$0x1E880] =	vst v63  }
0x4e: {  	_ = 	snop  }
0x4f: {  	[tilespmem:s28], [sflag:$0x1] =	stream.linear.gather [hbm4b:s15+s0], $0x80, $0x38;
	[tilespmem:$0x1E880] =	vst v63  }
0x50: {  	_ =	swait.ge [sflag:s22], $0x4000  }
0x51: {  	[sflag:s22] =	ssyncset.done $0x0  }
0x52: {  	[sflag:s22] =	ssyncadd.s32 $0xFFFFC000  }
0x53: {  	_ =	swait.ge [sflag:s22], $0x80  }
0x54: {  	[sflag:s22] =	ssyncset.done $0x0  }
0x55: {  	[sflag:s22] =	ssyncadd.s32 $0xFFFFFF80  }
0x56: {  	[spmem:s2] =	stream.indirect.scatter.add.f32 [tilespmem:s29], [sflag:$0x4], $0x80, s30, s23, $0xb8;
	[tilespmem:$0x1E880] =	vst v63  }
0x57: {  	_ =	swait.ge [sflag:s9], $0x4000  }
0x58: {  	[sflag:s9] =	ssyncset.done $0x0  }
0x59: {  	s5 =	simm.s32 $0x180;
	[sflag:s9] =	ssyncadd.s32 $0xFFFFC000  }
0x5a: {  	[tilespmem:s29], [sflag:$0x2] =	stream.indirect.gather [hbm4b:s4+s23], $0x80, s5, s23, $0xb8;
	[tilespmem:$0x1E880] =	vst v63  }
0x5b: {  	s6 =	sadd.s32 $0x0, s18  }
0x5c: {  	[tilespmem:s30], [sflag:$0x2] =	stream.linear.gather [hbm4b:s6+s3], $0x80, $0x38;
	[tilespmem:$0x1E880] =	vst v63  }
0x5d: {  	_ =	swait.ge [sflag:s31], $0x4000  }
0x5e: {  	[sflag:s31] =	ssyncset.done $0x0  }
0x5f: {  	[sflag:s31] =	ssyncadd.s32 $0xFFFFC000  }
0x60: {  	_ =	swait.ge [sflag:s31], $0x80  }
0x61: {  	[sflag:s31] =	ssyncset.done $0x0  }
0x62: {  	[sflag:s31] =	ssyncadd.s32 $0xFFFFFF80  }
0x63: {  	[spmem:s2] =	stream.indirect.scatter.add.f32 [tilespmem:s26], [sflag:$0x3], $0x80, s28, s23, $0xb8;
	[tilespmem:$0x1E880] =	vst v63  }
0x64: {  	_ =	swait.ge [sflag:s1], $0x4000  }
0x65: {  	[sflag:s1] =	ssyncset.done $0x0  }
0x66: {  	s7 =	simm.s32 $0x200;
	[sflag:s1] =	ssyncadd.s32 $0xFFFFC000  }
0x67: {  	[tilespmem:s26], [sflag:$0x1] =	stream.indirect.gather [hbm4b:s4+s23], $0x80, s7, s23, $0xb8;
	[tilespmem:$0x1E880] =	vst v63  }
0x68: {  	s24 =	sadd.s32 $0x0, s19  }
0x69: {  	[tilespmem:s28], [sflag:$0x1] =	stream.linear.gather [hbm4b:s24+s3], $0x80, $0x38;
	[tilespmem:$0x1E880] =	vst v63  }
0x6a: {  	_ =	swait.ge [sflag:s22], $0x4000  }
0x6b: {  	[sflag:s22] =	ssyncset.done $0x0  }
0x6c: {  	[sflag:s22] =	ssyncadd.s32 $0xFFFFC000  }
0x6d: {  	_ =	swait.ge [sflag:s22], $0x80  }
0x6e: {  	[sflag:s22] =	ssyncset.done $0x0  }
0x6f: {  	s0 =	simm.s32 $0x280;
	s5 =	simm.s32 $0x20;
	[sflag:s22] =	ssyncadd.s32 $0xFFFFFF80  }
.LBB2_9:
0x70: {  	[spmem:s2] =	stream.indirect.scatter.add.f32 [tilespmem:s29], [sflag:$0x4], $0x80, s30, s23, $0xb8;
	[tilespmem:$0x1E880] =	vst v63  }
0x71: {  	s24 =	smov.u32 s5  }
0x72: {  	p4 =	sne.s32 s5, $0x480;
	s5 =	sadd.s32 $0x20, s5;
	_ =	swait.ge [sflag:s9], $0x4000  }
0x73: {  	[sflag:s9] =	ssyncset.done $0x0  }
0x74: {  	[sflag:s9] =	ssyncadd.s32 $0xFFFFC000  }
0x75: {  	[tilespmem:s29], [sflag:$0x2] =	stream.indirect.gather [hbm4b:s4+s23], $0x80, s0, s23, $0xb8;
	[tilespmem:$0x1E880] =	vst v63  }
0x76: {  	s6 =	sadd.s32 s24, s18  }
0x77: {  	[tilespmem:s30], [sflag:$0x2] =	stream.linear.gather [hbm4b:s6+s3], $0x80, $0x38;
	[tilespmem:$0x1E880] =	vst v63  }
0x78: {  	_ =	swait.ge [sflag:s31], $0x4000  }
0x79: {  	[sflag:s31] =	ssyncset.done $0x0  }
0x7a: {  	[sflag:s31] =	ssyncadd.s32 $0xFFFFC000  }
0x7b: {  	_ =	swait.ge [sflag:s31], $0x80  }
0x7c: {  	[sflag:s31] =	ssyncset.done $0x0  }
0x7d: {  	[sflag:s31] =	ssyncadd.s32 $0xFFFFFF80  }
0x7e: {  	[spmem:s2] =	stream.indirect.scatter.add.f32 [tilespmem:s26], [sflag:$0x3], $0x80, s28, s23, $0xb8;
	[tilespmem:$0x1E880] =	vst v63  }
0x7f: {  	_ =	swait.ge [sflag:s1], $0x4000  }
0x80: {  	[sflag:s1] =	ssyncset.done $0x0  }
0x81: {  	s6 =	sadd.s32 $0x80, s0;
	[sflag:s1] =	ssyncadd.s32 $0xFFFFC000  }
0x82: {  	[tilespmem:s26], [sflag:$0x1] =	stream.indirect.gather [hbm4b:s4+s23], $0x80, s6, s23, $0xb8;
	[tilespmem:$0x1E880] =	vst v63  }
0x83: {  	s6 =	sadd.s32 s24, s19  }
0x84: {  	[tilespmem:s28], [sflag:$0x1] =	stream.linear.gather [hbm4b:s6+s3], $0x80, $0x38;
	[tilespmem:$0x1E880] =	vst v63  }
0x85: {  	_ =	swait.ge [sflag:s22], $0x4000  }
.Ltmp3:
0x86: {  	[sflag:s22] =	ssyncset.done $0x0;
	(pc) =	sbr.rel @p4 .LBB2_9-.Ltmp3, $4  }
0x87: {  	[sflag:s22] =	ssyncadd.s32 $0xFFFFC000  }
0x88: {  	_ =	swait.ge [sflag:s22], $0x80  }
0x89: {  	[sflag:s22] =	ssyncset.done $0x0  }
0x8a: {  	s0 =	sadd.s32 $0x100, s0;
	[sflag:s22] =	ssyncadd.s32 $0xFFFFFF80  }
0x8b: {  	[spmem:s2] =	stream.indirect.scatter.add.f32 [tilespmem:s29], [sflag:$0x4], $0x80, s30, s23, $0xb8;
	[tilespmem:$0x1E880] =	vst v63  }
0x8c: {  	_ =	swait.ge [sflag:s9], $0x4000  }
0x8d: {  	[sflag:s9] =	ssyncset.done $0x0  }
0x8e: {  	s0 =	simm.s32 $0x2680;
	[sflag:s9] =	ssyncadd.s32 $0xFFFFC000  }
0x8f: {  	[tilespmem:s29], [sflag:$0x2] =	stream.indirect.gather [hbm4b:s4+s23], $0x80, s0, s23, $0xb8;
	[tilespmem:$0x1E880] =	vst v63  }
0x90: {  	_ = 	snop  }
0x91: {  	[tilespmem:s30], [sflag:$0x2] =	stream.linear.gather [hbm4b:s16+s3], $0x80, $0x38;
	[tilespmem:$0x1E880] =	vst v63  }
0x92: {  	_ =	swait.ge [sflag:s31], $0x4000  }
0x93: {  	[sflag:s31] =	ssyncset.done $0x0  }
0x94: {  	[sflag:s31] =	ssyncadd.s32 $0xFFFFC000  }
0x95: {  	_ =	swait.ge [sflag:s31], $0x80  }
0x96: {  	[sflag:s31] =	ssyncset.done $0x0  }
0x97: {  	[sflag:s31] =	ssyncadd.s32 $0xFFFFFF80  }
0x98: {  	[spmem:s2] =	stream.indirect.scatter.add.f32 [tilespmem:s26], [sflag:$0x3], $0x80, s28, s23, $0xb8;
	[tilespmem:$0x1E880] =	vst v63  }
0x99: {  	_ =	swait.ge [sflag:s1], $0x4000  }
0x9a: {  	[sflag:s1] =	ssyncset.done $0x0  }
0x9b: {  	s0 =	simm.s32 @p3 $0x2;
	[sflag:s1] =	ssyncadd.s32 $0xFFFFC000  }
0x9c: {  	_ =	swait.ge @p3 [sflag:s0], $0x4000  }
0x9d: {  	[sflag:s0] =	ssyncset.done @p3 $0x0  }
0x9e: {  	[sflag:s0] =	ssyncadd.s32 @p3 $0xFFFFC000  }
0x9f: {  	_ =	swait.ge @p3 [sflag:s0], $0x80  }
0xa0: {  	s5 =	simm.s32 @p3 $0x2800;
	[sflag:s0] =	ssyncset.done @p3 $0x0  }
0xa1: {  	s6 =	simm.s32 @p3 $0x6880;
	[sflag:s0] =	ssyncadd.s32 @p3 $0xFFFFFF80;
	s0 =	simm.s32 @p3 $0x80  }
0xa2: {  	[spmem:s2] =	stream.indirect.scatter.add.f32 @p3 [tilespmem:s6], [sflag:$0x4], $0x80, s5, s0, $0xb8;
	[tilespmem:$0x1E880] =	vst v63  }
0xa3: {  	s0 =	simm.s32 @!p3 $0x80;
	s5 =	simm.s32 @!p3 $0x2700;
	s6 =	simm.s32 @!p3 $0x2880  }
0xa4: {  	[tilespmem:s6], [sflag:$0x1] =	stream.indirect.gather @!p3 [hbm4b:s4+s0], $0x80, s5, s0, $0xb8;
	[tilespmem:$0x1E880] =	vst v63  }
0xa5: {  	s24 =	simm.s32 @!p3 $0x2780;
	s5 =	simm.s32 @!p3 $0x0  }
0xa6: {  	[tilespmem:s24], [sflag:$0x1] =	stream.linear.gather @!p3 [hbm4b:s17+s5], $0x80, $0x38;
	[tilespmem:$0x1E880] =	vst v63  }
0xa7: {  	s5 =	simm.s32 @!p3 $0x2  }
0xa8: {  	_ =	swait.ge @!p3 [sflag:s5], $0x4000  }
0xa9: {  	[sflag:s5] =	ssyncset.done @!p3 $0x0  }
0xaa: {  	[sflag:s5] =	ssyncadd.s32 @!p3 $0xFFFFC000  }
0xab: {  	_ =	swait.ge @!p3 [sflag:s5], $0x80  }
0xac: {  	[sflag:s5] =	ssyncset.done @!p3 $0x0  }
0xad: {  	s7 =	simm.s32 @!p3 $0x6880;
	[sflag:s5] =	ssyncadd.s32 @!p3 $0xFFFFFF80;
	s5 =	simm.s32 @!p3 $0x2800  }
0xae: {  	[spmem:s2] =	stream.indirect.scatter.add.f32 @!p3 [tilespmem:s7], [sflag:$0x4], $0x80, s5, s0, $0xb8;
	[tilespmem:$0x1E880] =	vst v63  }
0xaf: {  	s5 =	simm.s32 @!p3 $0x1  }
0xb0: {  	_ =	swait.ge @!p3 [sflag:s5], $0x4000  }
0xb1: {  	[sflag:s5] =	ssyncset.done @!p3 $0x0  }
0xb2: {  	[sflag:s5] =	ssyncadd.s32 @!p3 $0xFFFFC000  }
0xb3: {  	_ =	swait.ge @!p3 [sflag:s5], $0x80  }
0xb4: {  	[sflag:s5] =	ssyncset.done @!p3 $0x0  }
0xb5: {  	[sflag:s5] =	ssyncadd.s32 @!p3 $0xFFFFFF80  }
0xb6: {  	[spmem:s2] =	stream.indirect.scatter.add.f32 @!p3 [tilespmem:s6], [sflag:$0x3], $0x80, s24, s0, $0xb8;
	[tilespmem:$0x1E880] =	vst v63  }
0xb7: {  	s0 =	simm.s32 @!p3 $0x3  }
0xb8: {  	_ =	swait.ge @!p3 [sflag:s0], $0x4000  }
0xb9: {  	[sflag:s0] =	ssyncset.done @!p3 $0x0  }
0xba: {  	[sflag:s0] =	ssyncadd.s32 @!p3 $0xFFFFC000  }
0xbb: {  	_ =	swait.ge [sflag:s9], $0x4000  }
0xbc: {  	[sflag:s9] =	ssyncset.done $0x0  }
0xbd: {  	s25 =	sadd.s32 $0x1, s25;
	[sflag:s9] =	ssyncadd.s32 $0xFFFFC000  }
0xbe: {  	p4 =	sne.s32 s25, s13;
	s24 =	sshrl.u32 s8, $0x3;
	[bflag:$0x0] =	sbarrier.arrive $0xFFFF  }
0xbf: {  	[hbm:s12], [sflag:s20] =	dma.local [spmem:s24], $0x2800  }
.Ltmp4:
0xc0: {  	_ = 	snop;
	(pc) =	sbr.rel @p4 .LBB2_1-.Ltmp4, $4  }
.Ltmp5:
0xc1: {  	_ = 	snop;
	(pc) =	sbr.rel @!p4 .LBB2_11-.Ltmp5, $4  }
0xc2: {  	_ =	swait.ge [sflag:s21], $0x2800  }
0xc3: {  	[sflag:s21] =	ssyncset.done $0x0  }
0xc4: {  	[sflag:s21] =	ssyncadd.s32 $0xFFFFD800  }
0xc5: {  	_ = 	snop  }
.LBB2_4:
.Ltmp6:
0xc6: {  	(pc) =	sbr.rel @p0 .LBB2_7-.Ltmp6, $1  }
0xc7: {  	_ =	sdelay $0x3  }
.Ltmp7:
0xc8: {  	(pc) =	sbr.rel .LBB2_6-.Ltmp7, $2  }
0xc9: {  	_ =	sdelay $0x2  }
0xca: {  	s0 =	rddreg [dreg:$0x4]  }
.LBB2_11:
0xcb: {  	_ =	sfence.sel $0x180000  }
0xcc: {  	[bflag:$0x0] =	sbarrier.arrive $0xFFFF  }
0xcd: {  	_ =	strace $0x90000050  }
0xce: {  	s0 =	stileid.u32;
	[bflag:$0x2] =	sbarrier.arrive $0xFFFF  }
0xcf: {  	p0 =	sne.s32 s0, $0x0;
	s0 =	rddreg [dreg:$0x3]  }
0xd0: {  	s0 =	sadd.s32 @!p0 $0x100000, s0  }
0xd1: {  	[sflag:s0] =	ssyncadd.tile.s32 @!p0 $0x1;
	_ =	shalt  }
.Lfunc_end2:
_tile_overlayer_lowered:
.L_overlay_start_2:
0xd2: {  	(tag) =	ssettag $0x2  }
0xd3: {  	s0 =	rddreg [dreg:$0x0];
	s2 =	stileid.u32  }
0xd4: {  	s1 =	rddreg [dreg:$0x1];
	p0 =	sne.s32 s2, $0x0  }
0xd5: {  	s3 =	rddreg [dreg:$0x2];
	[bflag:$0x3] =	sbarrier.arrive $0xFFFF;
	s2 =	simm.s32 @!p0 $0x1C05  }
0xd6: {  	[timem:s3], [sflag:s2] =	dma.local @!p0 [hbm:s0], s1  }
0xd7: {  	s0 =	simm.s32 @!p0 $0x5  }
0xd8: {  	_ =	swait.ge @!p0 [sflag:s0], s1  }
0xd9: {  	s1 =	ssub.s32 @!p0 $0x0, s1;
	[sflag:s0] =	ssyncset.done @!p0 $0x0  }
0xda: {  	[sflag:s0] =	ssyncadd.s32 @!p0 s1  }
0xdb: {  	[bflag:$0x3] =	sbarrier.arrive $0xFFFF  }
0xdc: {  	_ =	shalt  }

</sc_bundles>
